<compile_context>
chip_gen: v7x
topology: tpu7x:2x2x1
jax: 0.10.2.dev20260603
libtpu: 0.0.44.dev20260713+nightly
codegen_flags: <defaults>
</compile_context>

<pallas_src>
import functools

import jax
import jax.numpy as jnp
from jax import lax
from jax.experimental import pallas as pl
from jax.experimental.pallas import tpu as pltpu
from jax.experimental.pallas import tpu_sc as plsc

H = 512
W = 512
NM = 16
NQ = 2048
CHUNK = 16
NCH = W // CHUNK
HW = H * W
NC = 2
NS = 16
NW = NC * NS
EXPAND = 0.2
OFFSET_MAX = 128.0



def _stats_body(mask_ref, scal_ref, rcf_ref, rcb_ref, ccf_ref, ccb_ref,
                words_ref, union_ref):
    i = pl.program_id(0)
    m = mask_ref[0]

    vio = lax.broadcasted_iota(jnp.int32, (H, W), 0)
    uio = lax.broadcasted_iota(jnp.int32, (H, W), 1)
    vio_c = lax.broadcasted_iota(jnp.int32, (H, 1), 0)
    uio_r = lax.broadcasted_iota(jnp.int32, (1, W), 1)

    rows = jnp.max(m, axis=1, keepdims=True)
    cols = jnp.max(m, axis=0, keepdims=True)

    big = jnp.int32(1 << 20)
    v0 = jnp.min(jnp.where(rows > 0, vio_c, big))
    v1 = jnp.max(jnp.where(rows > 0, vio_c, -1))
    u0 = jnp.min(jnp.where(cols > 0, uio_r, big))
    u1 = jnp.max(jnp.where(cols > 0, uio_r, -1))
    empty = v1 < 0
    v0 = jnp.where(empty, 0, v0)
    v1 = jnp.where(empty, H - 1, v1)
    u0 = jnp.where(empty, 0, u0)
    u1 = jnp.where(empty, W - 1, u1)

    vlen = (v1 + 1) - v0
    ulen = (u1 + 1) - u0
    dv = (jnp.float32(EXPAND) * vlen.astype(jnp.float32)).astype(jnp.int32)
    du = (jnp.float32(EXPAND) * ulen.astype(jnp.float32)).astype(jnp.int32)
    ev0 = jnp.maximum(0, v0 - dv)
    ev1 = jnp.minimum(v1 + 1 + dv, H - 1)
    eu0 = jnp.maximum(0, u0 - du)
    eu1 = jnp.minimum(u1 + 1 + du, W - 1)

    incrop = (vio >= ev0) & (vio < ev1) & (uio >= eu0) & (uio < eu1)
    fg = jnp.where(incrop, m, 0.0)

    @pl.when(i == 0)
    def _():
        union_ref[...] = m

    @pl.when(i > 0)
    def _():
        union_ref[...] = jnp.maximum(union_ref[...], m)

    fgrcnt = jnp.sum(fg, axis=1, keepdims=True)
    le_b = (lax.broadcasted_iota(jnp.int32, (H, H), 0)
            <= lax.broadcasted_iota(jnp.int32, (H, H), 1)).astype(jnp.bfloat16)
    rcnt_i = fgrcnt.astype(jnp.int32)
    rhi = lax.shift_right_logical(rcnt_i, 4).astype(jnp.bfloat16)
    rlo = (rcnt_i & 15).astype(jnp.bfloat16)
    dims = (((0,), (0,)), ((), ()))
    hi = lax.dot_general(rhi, le_b, dims, preferred_element_type=jnp.float32)
    lo = lax.dot_general(rlo, le_b, dims, preferred_element_type=jnp.float32)
    fgrcsum = hi * 16.0 + lo
    jlane = lax.broadcasted_iota(jnp.int32, (1, H), 1)
    rows_in = jnp.clip(jlane - ev0 + 1, 0, ev1 - ev0)
    croprcsum = (rows_in * (eu1 - eu0)).astype(jnp.float32)
    rcf_ref[0] = fgrcsum.astype(jnp.int32)
    rcb_ref[0] = (croprcsum - fgrcsum).astype(jnp.int32)

    selm = (lax.broadcasted_iota(jnp.int32, (W, NCH), 0) // CHUNK
            == lax.broadcasted_iota(jnp.int32, (W, NCH), 1)).astype(jnp.bfloat16)
    ut = (lax.broadcasted_iota(jnp.int32, (NCH, NCH), 0)
          <= lax.broadcasted_iota(jnp.int32, (NCH, NCH), 1)).astype(jnp.bfloat16)

    fg_b = fg.astype(jnp.bfloat16)
    cc16 = lax.dot(fg_b, selm, preferred_element_type=jnp.float32)
    fgcc = lax.dot(cc16.astype(jnp.bfloat16), ut,
                   preferred_element_type=jnp.float32)
    ccf_ref[0] = fgcc.astype(jnp.int32)
    rowin_c = ((vio_c >= ev0) & (vio_c < ev1)).astype(jnp.float32)
    cio = lax.broadcasted_iota(jnp.int32, (H, NCH), 1)
    cropcc = (jnp.maximum(0, jnp.minimum((cio + 1) * CHUNK, eu1) - eu0)
              .astype(jnp.float32) * rowin_c)
    ccb_ref[0] = (cropcc - fgcc).astype(jnp.int32)

    pr = lax.broadcasted_iota(jnp.int32, (W, NCH), 0)
    pc = lax.broadcasted_iota(jnp.int32, (W, NCH), 1)
    packm = jnp.where(pr // CHUNK == pc,
                      lax.shift_left(jnp.int32(1), pr % CHUNK), 0)
    words_ref[0] = lax.dot(fg_b, packm.astype(jnp.bfloat16),
                           preferred_element_type=jnp.float32).astype(jnp.int32)

    fg_cnt = jnp.sum(fgrcnt).astype(jnp.int32)
    bg_cnt = (ev1 - ev0) * (eu1 - eu0) - fg_cnt
    fg_i = fg.astype(jnp.int32)
    vsum = jnp.sum(vio * fg_i)
    usum = jnp.sum(uio * fg_i)
    cntf = fg_cnt.astype(jnp.float32)
    vc = vsum.astype(jnp.float32) / cntf
    uc = usum.astype(jnp.float32) / cntf
    valid = (bg_cnt > 0).astype(jnp.float32)
    span_fg = jnp.maximum(fg_cnt, 1).astype(jnp.float32)
    span_bg = jnp.maximum(bg_cnt, 1).astype(jnp.float32)

    inv = jnp.float32(1.0 / W)
    vals = [u0.astype(jnp.float32) * inv, v0.astype(jnp.float32) * inv,
            u1.astype(jnp.float32) * inv, v1.astype(jnp.float32) * inv,
            vc, uc, valid, span_fg, span_bg,
            ev0.astype(jnp.float32), ev1.astype(jnp.float32),
            eu0.astype(jnp.float32), eu1.astype(jnp.float32)]
    lanes = lax.broadcasted_iota(jnp.int32, (1, 1, 128), 2)
    acc = jnp.zeros((1, 1, 128), jnp.float32)
    for k, val in enumerate(vals):
        acc = jnp.where(lanes == k, val, acc)
    scal_ref[...] = acc


def _run_stats(m32, interpret=False):
    return pl.pallas_call(
        _stats_body,
        grid=(NM,),
        in_specs=[pl.BlockSpec((1, H, W), lambda i: (i, 0, 0))],
        out_specs=[
            pl.BlockSpec((1, 1, 128), lambda i: (i, 0, 0)),
            pl.BlockSpec((1, 1, H), lambda i: (i, 0, 0)),
            pl.BlockSpec((1, 1, H), lambda i: (i, 0, 0)),
            pl.BlockSpec((1, H, NCH), lambda i: (i, 0, 0)),
            pl.BlockSpec((1, H, NCH), lambda i: (i, 0, 0)),
            pl.BlockSpec((1, H, NCH), lambda i: (i, 0, 0)),
            pl.BlockSpec((H, W), lambda i: (0, 0)),
        ],
        out_shape=[
            jax.ShapeDtypeStruct((NM, 1, 128), jnp.float32),
            jax.ShapeDtypeStruct((NM, 1, H), jnp.int32),
            jax.ShapeDtypeStruct((NM, 1, H), jnp.int32),
            jax.ShapeDtypeStruct((NM, H, NCH), jnp.int32),
            jax.ShapeDtypeStruct((NM, H, NCH), jnp.int32),
            jax.ShapeDtypeStruct((NM, H, NCH), jnp.int32),
            jax.ShapeDtypeStruct((H, W), jnp.float32),
        ],
        interpret=interpret,
    )(m32)



def _sample_body(rc_hbm, cc_hbm, words_hbm, hb_hbm, lb_hbm, isc_hbm, fsc_hbm,
                 img_hbm, uni_hbm, out_hbm,
                 rc, cc, wv, hbv, lbv, vbuf, pbuf, ubuf,
                 pixbuf, unibuf, outv, iscv, fscv, sem):
    wid = lax.axis_index("s") * NC + lax.axis_index("c")

    pltpu.sync_copy(rc_hbm.at[wid], rc)
    pltpu.sync_copy(cc_hbm.at[wid], cc)
    pltpu.sync_copy(words_hbm.at[wid // 2], wv)
    pltpu.sync_copy(hb_hbm.at[wid], hbv)
    pltpu.sync_copy(lb_hbm.at[wid], lbv)
    pltpu.sync_copy(isc_hbm.at[wid], iscv)
    pltpu.sync_copy(fsc_hbm.at[wid], fscv)

    span = iscv[0, :].astype(jnp.uint32)
    ev0 = iscv[1, :]
    ev1 = iscv[2, :]
    eu0 = iscv[3, :]
    eu1 = iscv[4, :]
    side = iscv[5, :]
    vc = fscv[0, :]
    uc = fscv[1, :]
    vscale = fscv[2, :]

    m1 = lax.rem(jnp.full((CHUNK,), 65536, jnp.uint32), span)
    mult = lax.rem(m1 * m1, span)

    lane = lax.iota(jnp.int32, CHUNK)

    def phase1(j, carry):
        sl = pl.ds(j * CHUNK, CHUNK)
        hb = hbv[sl]
        lb = lbv[sl]
        off = lax.rem(lax.rem(hb, span) * mult + lax.rem(lb, span), span)
        t = off.astype(jnp.int32) + 1

        pos = jnp.zeros((CHUNK,), jnp.int32)
        for s in (256, 128, 64, 32, 16, 8, 4, 2, 1):
            cand = pos + s
            val = plsc.load_gather(rc, [cand - 1])
            pos = jnp.where(val < t, cand, pos)
        v = jnp.minimum(pos, H - 1)
        excl = jnp.where(v > 0, plsc.load_gather(rc, [jnp.maximum(v - 1, 0)]), 0)
        r = t - excl

        base = v * NCH
        cpos = jnp.zeros((CHUNK,), jnp.int32)
        for s in (16, 8, 4, 2, 1):
            cand = cpos + s
            val = plsc.load_gather(cc, [base + cand - 1])
            cpos = jnp.where(val < r, cand, cpos)
        c = jnp.minimum(cpos, NCH - 1)
        excl2 = jnp.where(c > 0, plsc.load_gather(cc, [base + jnp.maximum(c - 1, 0)]), 0)
        r2 = r - excl2

        word = plsc.load_gather(wv, [base + c])
        cnt = jnp.zeros((CHUNK,), jnp.int32)
        uoff = jnp.zeros((CHUNK,), jnp.int32)
        vin = (v >= ev0) & (v < ev1)
        one = jnp.full((CHUNK,), 1, jnp.int32)
        for l in range(CHUNK):
            fgbit = lax.shift_right_logical(word, jnp.full((CHUNK,), l, jnp.int32)) & one
            u_l = c * CHUNK + l
            inc = (vin & (u_l >= eu0) & (u_l < eu1)).astype(jnp.int32)
            bit = jnp.where(side > 0, inc - fgbit, fgbit)
            cnt = cnt + bit
            uoff = uoff + (cnt < r2).astype(jnp.int32)
        u = jnp.minimum(c * CHUNK + uoff, W - 1)

        vbuf[sl] = v
        ubuf[sl] = u
        pbuf[sl] = v * W + u
        return carry

    lax.fori_loop(0, NQ // CHUNK, phase1, 0)

    copies = []
    for d in range(NQ // 128):
        dsl = pl.ds(d * 128, 128)
        copies.append(pltpu.async_copy(img_hbm.at[pbuf.at[dsl]],
                                       pixbuf.at[dsl], sem))
        copies.append(pltpu.async_copy(uni_hbm.at[pbuf.at[dsl]],
                                       unibuf.at[dsl], sem))
    for cp in copies:
        cp.wait()

    inv_off = jnp.float32(1.0 / OFFSET_MAX)
    e00 = fscv[3, :]
    e01 = fscv[4, :]
    e02 = fscv[5, :]
    e20 = fscv[6, :]
    e21 = fscv[7, :]
    e22 = fscv[8, :]

    def phase3(j, carry):
        sl = pl.ds(j * CHUNK, CHUNK)
        qv = j * CHUNK + lane
        v = vbuf[sl]
        u = ubuf[sl]

        def chan(k):
            return plsc.load_gather(pixbuf, [qv, jnp.full((CHUNK,), k, jnp.int32)])

        p0 = chan(0)
        p1 = chan(1)
        p2 = chan(2)
        uni = unibuf[sl]
        offv = (v.astype(jnp.float32) - vc) * inv_off
        offu = (u.astype(jnp.float32) - uc) * inv_off
        isbg = side > 0
        unipos = uni > 0.0
        c5 = jnp.where(isbg, jnp.where(unipos, e20, e00), 0.0)
        c6 = jnp.where(isbg, jnp.where(unipos, e21, e01), 0.0)
        c7 = jnp.where(isbg, jnp.where(unipos, e22, e02), 0.0)
        obase = qv * 8
        vals = (p0, p1, p2, offv, offu, c5, c6, c7)
        for ch in range(8):
            plsc.store_scatter(outv, [obase + ch], vals[ch] * vscale)
        return carry

    lax.fori_loop(0, NQ // CHUNK, phase3, 0)

    pltpu.sync_copy(outv, out_hbm.at[wid])


_SAMPLE_SCRATCH = [
    pltpu.VMEM((H,), jnp.int32),
    pltpu.VMEM((H * NCH,), jnp.int32),
    pltpu.VMEM((H * NCH,), jnp.int32),
    pltpu.VMEM((NQ,), jnp.uint32),
    pltpu.VMEM((NQ,), jnp.uint32),
    pltpu.VMEM((NQ,), jnp.int32),
    pltpu.VMEM((NQ,), jnp.int32),
    pltpu.VMEM((NQ,), jnp.int32),
    pltpu.VMEM((NQ, 3), jnp.float32),
    pltpu.VMEM((NQ,), jnp.float32),
    pltpu.VMEM((NQ * 8,), jnp.float32),
    pltpu.VMEM((8, CHUNK), jnp.int32),
    pltpu.VMEM((16, CHUNK), jnp.float32),
    pltpu.SemaphoreType.DMA,
]


def _run_sample(rc_all, cc_all, words, hb, lb, isc, fsc, img2, uni1,
                interpret=False):
    mesh = plsc.VectorSubcoreMesh(core_axis_name="c", subcore_axis_name="s")
    fn = functools.partial(
        pl.kernel,
        out_type=jax.ShapeDtypeStruct((NW, NQ * 8), jnp.float32),
        mesh=mesh,
        scratch_types=_SAMPLE_SCRATCH,
        compiler_params=pltpu.CompilerParams(needs_layout_passes=False,
                                             use_tc_tiling_on_sc=False),
        interpret=interpret,
    )(_sample_body)
    return fn(rc_all, cc_all, words, hb, lb, isc, fsc, img2, uni1)



def _threefry_bits():
    key = jax.random.key(0)

    def draw(w):
        k = jax.random.fold_in(key, w)
        k1, k2 = jax.random.split(k)
        return (jax.random.bits(k1, (NQ,), jnp.uint32),
                jax.random.bits(k2, (NQ,), jnp.uint32))

    return jax.vmap(draw)(jnp.arange(NW))


def kernel(image, masks, cat_emb):
    m32 = masks.astype(jnp.float32)
    scal, rcf, rcb, ccf, ccb, words, union = _run_stats(m32)

    scal = scal.reshape(NM, 128)
    xyxys = scal[:, 0:4]

    def ilv(a, b):
        return jnp.stack([a, b], axis=1).reshape((NW,) + a.shape[1:])

    ones = jnp.ones((NM,), jnp.float32)
    span_w = ilv(scal[:, 7], scal[:, 8]).astype(jnp.int32)
    ev0_w = ilv(scal[:, 9], scal[:, 9]).astype(jnp.int32)
    ev1_w = ilv(scal[:, 10], scal[:, 10]).astype(jnp.int32)
    eu0_w = ilv(scal[:, 11], scal[:, 11]).astype(jnp.int32)
    eu1_w = ilv(scal[:, 12], scal[:, 12]).astype(jnp.int32)
    side_w = jnp.tile(jnp.array([0, 1], jnp.int32), NM)
    isc = jnp.stack([span_w, ev0_w, ev1_w, eu0_w, eu1_w, side_w,
                     jnp.zeros((NW,), jnp.int32),
                     jnp.zeros((NW,), jnp.int32)], axis=1)
    isc = jnp.broadcast_to(isc[:, :, None], (NW, 8, CHUNK)).astype(jnp.int32)

    vc_w = ilv(scal[:, 4], scal[:, 4])
    uc_w = ilv(scal[:, 5], scal[:, 5])
    vscale_w = ilv(ones, scal[:, 6])
    emb = [jnp.broadcast_to(cat_emb[r, ch], (NW,))
           for r in (0, 2) for ch in (0, 1, 2)]
    frows = [vc_w, uc_w, vscale_w] + emb
    frows += [jnp.zeros((NW,), jnp.float32)] * (16 - len(frows))
    fsc = jnp.stack(frows, axis=1)
    fsc = jnp.broadcast_to(fsc[:, :, None], (NW, 16, CHUNK)).astype(jnp.float32)

    rc_all = ilv(rcf.reshape(NM, H), rcb.reshape(NM, H))
    cc_all = ilv(ccf.reshape(NM, H * NCH), ccb.reshape(NM, H * NCH))
    words2 = words.reshape(NM, H * NCH)
    img2 = image.reshape(HW, 3)
    uni1 = union.reshape(HW)

    hb, lb = _threefry_bits()

    pts = _run_sample(rc_all, cc_all, words2, hb, lb, isc, fsc, img2, uni1)
    points = pts.reshape(NM, 2, NQ, 8).reshape(NM, 2 * NQ, 8)
    return (points, xyxys)

# --- scband reference (transcript-rebuilt; emitter-appended) ---
"""Pipeline reference for scband-point-cloud-sampler-2525440770150 (READ-ONLY COPY).

The authoritative reference and input builder live on the scoring server;
editing this copy changes nothing except your own understanding.
"""

import jax, jax.numpy as jnp
import numpy as np

BG_NUM = 2048
FG_NUM = 2048
EXPAND_RATIO = 0.2
OFFSET_MAX = 128.0
N_MASKS = 16
H = 512
W = 512

def setup_inputs(seed: int = 0):
    key = jax.random.key(seed)
    k1, k2, k3 = jax.random.split(key, 3)
    image = jax.random.normal(k1, (H, W, 3), dtype=jnp.float32)
    masks = jax.random.randint(k2, (N_MASKS, H, W), 0, 2).astype(bool)
    cat_emb = jax.random.normal(k3, (3, 3), dtype=jnp.float32)
    return {"image": image, "masks": masks, "cat_emb": cat_emb}

def _precompute(masks, seed=0):
    n, vMax, uMax = masks.shape
    union = masks.any(axis=0)
    vgrid = jnp.arange(vMax, dtype=jnp.int32)[:, None]
    ugrid = jnp.arange(uMax, dtype=jnp.int32)[None, :]
    key = jax.random.key(seed)
    fg_v_l = []; fg_u_l = []; fg_off_l = []
    bg_v_l = []; bg_u_l = []; bg_off_l = []
    bg_code_l = []; bg_valid_l = []; xyxy_l = []
    for i in range(n):
        mask = masks[i]
        rows = mask.any(axis=1); cols = mask.any(axis=0)
        v0 = jnp.argmax(rows).astype(jnp.int32)
        v1 = (vMax - 1 - jnp.argmax(rows[::-1])).astype(jnp.int32)
        u0 = jnp.argmax(cols).astype(jnp.int32)
        u1 = (uMax - 1 - jnp.argmax(cols[::-1])).astype(jnp.int32)
        xyxy_l.append(jnp.stack([u0, v0, u1, v1]).astype(jnp.float32))
        vlen = (v1 + 1) - v0; ulen = (u1 + 1) - u0
        dv = jnp.floor(EXPAND_RATIO * vlen.astype(jnp.float32)).astype(jnp.int32)
        du = jnp.floor(EXPAND_RATIO * ulen.astype(jnp.float32)).astype(jnp.int32)
        ev0 = jnp.maximum(0, v0 - dv)
        ev1 = jnp.minimum(v1 + 1 + dv, vMax - 1)
        eu0 = jnp.maximum(0, u0 - du)
        eu1 = jnp.minimum(u1 + 1 + du, uMax - 1)
        in_crop = (vgrid >= ev0) & (vgrid < ev1) & (ugrid >= eu0) & (ugrid < eu1)
        fg_region = mask & in_crop
        fg_csum = jnp.cumsum(fg_region.reshape(-1).astype(jnp.int32))
        fg_cnt = fg_csum[-1]
        cntf = fg_cnt.astype(jnp.float32)
        vsum = jnp.sum(jnp.where(fg_region, vgrid, 0))
        usum = jnp.sum(jnp.where(fg_region, ugrid, 0))
        vc = vsum.astype(jnp.float32) / cntf
        uc = usum.astype(jnp.float32) / cntf
        kfg = jax.random.fold_in(key, 2 * i)
        idx = jax.random.randint(kfg, (FG_NUM,), 0, fg_cnt)
        pos = jnp.searchsorted(fg_csum, idx + 1)
        fv = (pos // uMax).astype(jnp.int32); fu = (pos % uMax).astype(jnp.int32)
        fg_v_l.append(fv); fg_u_l.append(fu)
        fg_off_l.append(jnp.stack([
            (fv.astype(jnp.float32) - vc) / OFFSET_MAX,
            (fu.astype(jnp.float32) - uc) / OFFSET_MAX], axis=-1))
        bg_region = in_crop & jnp.logical_not(mask)
        bg_csum = jnp.cumsum(bg_region.reshape(-1).astype(jnp.int32))
        bg_cnt = bg_csum[-1]
        has_bg = bg_cnt > 0
        valid = has_bg.astype(jnp.float32)
        kbg = jax.random.fold_in(key, 2 * i + 1)
        bidx = jax.random.randint(kbg, (BG_NUM,), 0, jnp.maximum(bg_cnt, 1))
        bpos = jnp.minimum(jnp.searchsorted(bg_csum, bidx + 1), vMax * uMax - 1)
        bv = (bpos // uMax).astype(jnp.int32); bu = (bpos % uMax).astype(jnp.int32)
        bg_v_l.append(jnp.where(has_bg, bv, 0))
        bg_u_l.append(jnp.where(has_bg, bu, 0))
        bg_off_l.append(jnp.stack([
            (bv.astype(jnp.float32) - vc) / OFFSET_MAX,
            (bu.astype(jnp.float32) - uc) / OFFSET_MAX], axis=-1) * valid)
        bg_code_l.append(jnp.where(has_bg, union[bv, bu].astype(jnp.int32) * 2, 0))
        bg_valid_l.append(valid)
    xyxys = jnp.stack(xyxy_l) / jnp.array([uMax, vMax, uMax, vMax], jnp.float32)
    return (jnp.stack(fg_v_l), jnp.stack(fg_u_l), jnp.stack(fg_off_l),
            jnp.stack(bg_v_l), jnp.stack(bg_u_l), jnp.stack(bg_off_l),
            jnp.stack(bg_code_l), jnp.stack(bg_valid_l), xyxys)

def reference(image, masks, cat_emb):
    fg_v, fg_u, fg_off, bg_v, bg_u, bg_off, bg_code, bg_valid, xyxys = _precompute(masks)
    fg_pix = image[fg_v, fg_u]
    fg_pts = jnp.concatenate([fg_pix, fg_off, jnp.zeros(fg_pix.shape[:2] + (3,), jnp.float32)], axis=-1)
    bg_pix = image[bg_v, bg_u]
    emb = jnp.take(cat_emb, bg_code, axis=0)
    bg_pts = jnp.concatenate([bg_pix, bg_off, emb], axis=-1) * bg_valid[:, None, None]
    points = jnp.concatenate([fg_pts, bg_pts], axis=1)
    return (points, xyxys)

if __name__ == "__main__":
    import jax
    _d = setup_inputs()
    print(jax.jit(kernel)(*tuple(_d.values())))

</pallas_src>

<mosaic_0001>
#map = affine_map<(d0, d1) -> (0, 0)>
#map1 = affine_map<(d0, d1) -> (0, 0, 0)>
#map2 = affine_map<(d0, d1) -> (0)>
module attributes {stable_mosaic.version = 14 : i64} {
  func.func @_sample_body(%arg0: i32, %arg1: i32, %arg2: memref<32x512xi32, #tpu.memory_space<hbm>>, %arg3: memref<32x16384xi32, #tpu.memory_space<hbm>>, %arg4: memref<16x16384xi32, #tpu.memory_space<hbm>>, %arg5: memref<32x2048xi32, #tpu.memory_space<hbm>>, %arg6: memref<32x2048xi32, #tpu.memory_space<hbm>>, %arg7: memref<32x8x16xi32, #tpu.memory_space<hbm>>, %arg8: memref<32x16x16xf32, #tpu.memory_space<hbm>>, %arg9: memref<262144x3xf32, #tpu.memory_space<hbm>>, %arg10: memref<262144xf32, #tpu.memory_space<hbm>>, %arg11: memref<32x16384xf32, #tpu.memory_space<hbm>>, %arg12: memref<512xi32, #tpu.memory_space<vmem>>, %arg13: memref<16384xi32, #tpu.memory_space<vmem>>, %arg14: memref<16384xi32, #tpu.memory_space<vmem>>, %arg15: memref<2048xi32, #tpu.memory_space<vmem>>, %arg16: memref<2048xi32, #tpu.memory_space<vmem>>, %arg17: memref<2048xi32, #tpu.memory_space<vmem>>, %arg18: memref<2048xi32, #tpu.memory_space<vmem>>, %arg19: memref<2048xi32, #tpu.memory_space<vmem>>, %arg20: memref<2048x3xf32, #tpu.memory_space<vmem>>, %arg21: memref<2048xf32, #tpu.memory_space<vmem>>, %arg22: memref<16384xf32, #tpu.memory_space<vmem>>, %arg23: memref<8x16xi32, #tpu.memory_space<vmem>>, %arg24: memref<16x16xf32, #tpu.memory_space<vmem>>, %arg25: memref<!tpu.dma_semaphore, #tpu.memory_space<semaphore_mem>>) attributes {dimension_semantics = [#tpu.dimension_semantics<core_parallel>, #tpu.dimension_semantics<subcore_parallel>], iteration_bounds = array<i64: 2, 16>, scalar_prefetch = 0 : i64, scratch_operands = 14 : i64, tpu.core_type = #tpu.core_type<sc_vector_subcore>, window_params = [{transform_indices = #map}, {transform_indices = #map}, {transform_indices = #map}, {transform_indices = #map}, {transform_indices = #map}, {transform_indices = #map1}, {transform_indices = #map1}, {transform_indices = #map}, {transform_indices = #map2}, {transform_indices = #map}]} {
    %mul3A = arith.constant 2 : i32
    %mul3A_0 = arith.muli %arg1, %mul3A : i32
    %add3A = arith.addi %mul3A_0, %arg0 : i32
    "tpu.region"() ({
      %run_scoped3A = tpu.sem_alloc : memref<!tpu.dma_semaphore, #tpu.memory_space<semaphore_mem>>
      %dma_start3A_538 = arith.constant 0 : i32
      %dma_start3A_539 = tpu.memref_slice %arg2[%add3A, %dma_start3A_538] : memref<32x512xi32, #tpu.memory_space<hbm>> -> memref<1x512xi32, #tpu.memory_space<hbm>>
      %dma_start3A_540 = tpu.memref_squeeze %dma_start3A_539 : memref<1x512xi32, #tpu.memory_space<hbm>> -> memref<512xi32, #tpu.memory_space<hbm>>
      %dma_start3A_541 = arith.constant 0 : i32
      %dma_start3A_542 = tpu.memref_slice %arg2[%add3A, %dma_start3A_541] : memref<32x512xi32, #tpu.memory_space<hbm>> -> memref<1x512xi32, #tpu.memory_space<hbm>>
      %dma_start3A_543 = tpu.memref_squeeze %dma_start3A_542 : memref<1x512xi32, #tpu.memory_space<hbm>> -> memref<512xi32, #tpu.memory_space<hbm>>
      tpu.enqueue_dma source(%dma_start3A_543 : memref<512xi32, #tpu.memory_space<hbm>>) target(%arg12 : memref<512xi32, #tpu.memory_space<vmem>>) target_semaphore(%run_scoped3A : memref<!tpu.dma_semaphore, #tpu.memory_space<semaphore_mem>>)
      %dma_wait3A_544 = arith.constant 0 : i32
      %dma_wait3A_545 = tpu.memref_slice %arg2[%add3A, %dma_wait3A_544] : memref<32x512xi32, #tpu.memory_space<hbm>> -> memref<1x512xi32, #tpu.memory_space<hbm>>
      %dma_wait3A_546 = tpu.memref_squeeze %dma_wait3A_545 : memref<1x512xi32, #tpu.memory_space<hbm>> -> memref<512xi32, #tpu.memory_space<hbm>>
      %dma_wait3A_547 = arith.constant 0 : i32
      %dma_wait3A_548 = tpu.memref_slice %arg2[%add3A, %dma_wait3A_547] : memref<32x512xi32, #tpu.memory_space<hbm>> -> memref<1x512xi32, #tpu.memory_space<hbm>>
      %dma_wait3A_549 = tpu.memref_squeeze %dma_wait3A_548 : memref<1x512xi32, #tpu.memory_space<hbm>> -> memref<512xi32, #tpu.memory_space<hbm>>
      tpu.wait_dma2 semaphore(%run_scoped3A : memref<!tpu.dma_semaphore, #tpu.memory_space<semaphore_mem>>) src(%dma_wait3A_549 : memref<512xi32, #tpu.memory_space<hbm>>) dst(%arg12 : memref<512xi32, #tpu.memory_space<vmem>>)
      tpu.yield
    }) : () -> ()
    "tpu.region"() ({
      %run_scoped3A = tpu.sem_alloc : memref<!tpu.dma_semaphore, #tpu.memory_space<semaphore_mem>>
      %dma_start3A_538 = arith.constant 0 : i32
      %dma_start3A_539 = tpu.memref_slice %arg3[%add3A, %dma_start3A_538] : memref<32x16384xi32, #tpu.memory_space<hbm>> -> memref<1x16384xi32, #tpu.memory_space<hbm>>
      %dma_start3A_540 = tpu.memref_squeeze %dma_start3A_539 : memref<1x16384xi32, #tpu.memory_space<hbm>> -> memref<16384xi32, #tpu.memory_space<hbm>>
      %dma_start3A_541 = arith.constant 0 : i32
      %dma_start3A_542 = tpu.memref_slice %arg3[%add3A, %dma_start3A_541] : memref<32x16384xi32, #tpu.memory_space<hbm>> -> memref<1x16384xi32, #tpu.memory_space<hbm>>
      %dma_start3A_543 = tpu.memref_squeeze %dma_start3A_542 : memref<1x16384xi32, #tpu.memory_space<hbm>> -> memref<16384xi32, #tpu.memory_space<hbm>>
      tpu.enqueue_dma source(%dma_start3A_543 : memref<16384xi32, #tpu.memory_space<hbm>>) target(%arg13 : memref<16384xi32, #tpu.memory_space<vmem>>) target_semaphore(%run_scoped3A : memref<!tpu.dma_semaphore, #tpu.memory_space<semaphore_mem>>)
      %dma_wait3A_544 = arith.constant 0 : i32
      %dma_wait3A_545 = tpu.memref_slice %arg3[%add3A, %dma_wait3A_544] : memref<32x16384xi32, #tpu.memory_space<hbm>> -> memref<1x16384xi32, #tpu.memory_space<hbm>>
      %dma_wait3A_546 = tpu.memref_squeeze %dma_wait3A_545 : memref<1x16384xi32, #tpu.memory_space<hbm>> -> memref<16384xi32, #tpu.memory_space<hbm>>
      %dma_wait3A_547 = arith.constant 0 : i32
      %dma_wait3A_548 = tpu.memref_slice %arg3[%add3A, %dma_wait3A_547] : memref<32x16384xi32, #tpu.memory_space<hbm>> -> memref<1x16384xi32, #tpu.memory_space<hbm>>
      %dma_wait3A_549 = tpu.memref_squeeze %dma_wait3A_548 : memref<1x16384xi32, #tpu.memory_space<hbm>> -> memref<16384xi32, #tpu.memory_space<hbm>>
      tpu.wait_dma2 semaphore(%run_scoped3A : memref<!tpu.dma_semaphore, #tpu.memory_space<semaphore_mem>>) src(%dma_wait3A_549 : memref<16384xi32, #tpu.memory_space<hbm>>) dst(%arg13 : memref<16384xi32, #tpu.memory_space<vmem>>)
      tpu.yield
    }) : () -> ()
    %jit3A = arith.constant 2 : i32
    %div3A = arith.divsi %add3A, %jit3A : i32
    %sign3A = arith.constant 0 : i32
    %sign3A_1 = arith.cmpi sgt, %add3A, %sign3A : i32
    %sign3A_2 = arith.extui %sign3A_1 : i1 to i32
    %sign3A_3 = arith.constant 0 : i32
    %sign3A_4 = arith.cmpi slt, %add3A, %sign3A_3 : i32
    %sign3A_5 = arith.extui %sign3A_4 : i1 to i32
    %sign3A_6 = arith.subi %sign3A_2, %sign3A_5 : i32
    %sign3A_7 = arith.constant 0 : i32
    %sign3A_8 = arith.cmpi sgt, %jit3A, %sign3A_7 : i32
    %sign3A_9 = arith.extui %sign3A_8 : i1 to i32
    %sign3A_10 = arith.constant 0 : i32
    %sign3A_11 = arith.cmpi slt, %jit3A, %sign3A_10 : i32
    %sign3A_12 = arith.extui %sign3A_11 : i1 to i32
    %sign3A_13 = arith.subi %sign3A_9, %sign3A_12 : i32
    %ne3A = arith.cmpi ne, %sign3A_6, %sign3A_13 : i32
    %rem3A = arith.remsi %add3A, %jit3A : i32
    %ne3A_14 = arith.constant 0 : i32
    %ne3A_15 = arith.cmpi ne, %rem3A, %ne3A_14 : i32
    %and3A = arith.andi %ne3A, %ne3A_15 : i1
    %sub3A = arith.constant 1 : i32
    %sub3A_16 = arith.subi %div3A, %sub3A : i32
    %select_n3A = arith.select %and3A, %sub3A_16, %div3A : i32
    "tpu.region"() ({
      %run_scoped3A = tpu.sem_alloc : memref<!tpu.dma_semaphore, #tpu.memory_space<semaphore_mem>>
      %dma_start3A_538 = arith.constant 0 : i32
      %dma_start3A_539 = tpu.memref_slice %arg4[%select_n3A, %dma_start3A_538] : memref<16x16384xi32, #tpu.memory_space<hbm>> -> memref<1x16384xi32, #tpu.memory_space<hbm>>
      %dma_start3A_540 = tpu.memref_squeeze %dma_start3A_539 : memref<1x16384xi32, #tpu.memory_space<hbm>> -> memref<16384xi32, #tpu.memory_space<hbm>>
      %dma_start3A_541 = arith.constant 0 : i32
      %dma_start3A_542 = tpu.memref_slice %arg4[%select_n3A, %dma_start3A_541] : memref<16x16384xi32, #tpu.memory_space<hbm>> -> memref<1x16384xi32, #tpu.memory_space<hbm>>
      %dma_start3A_543 = tpu.memref_squeeze %dma_start3A_542 : memref<1x16384xi32, #tpu.memory_space<hbm>> -> memref<16384xi32, #tpu.memory_space<hbm>>
      tpu.enqueue_dma source(%dma_start3A_543 : memref<16384xi32, #tpu.memory_space<hbm>>) target(%arg14 : memref<16384xi32, #tpu.memory_space<vmem>>) target_semaphore(%run_scoped3A : memref<!tpu.dma_semaphore, #tpu.memory_space<semaphore_mem>>)
      %dma_wait3A_544 = arith.constant 0 : i32
      %dma_wait3A_545 = tpu.memref_slice %arg4[%select_n3A, %dma_wait3A_544] : memref<16x16384xi32, #tpu.memory_space<hbm>> -> memref<1x16384xi32, #tpu.memory_space<hbm>>
      %dma_wait3A_546 = tpu.memref_squeeze %dma_wait3A_545 : memref<1x16384xi32, #tpu.memory_space<hbm>> -> memref<16384xi32, #tpu.memory_space<hbm>>
      %dma_wait3A_547 = arith.constant 0 : i32
      %dma_wait3A_548 = tpu.memref_slice %arg4[%select_n3A, %dma_wait3A_547] : memref<16x16384xi32, #tpu.memory_space<hbm>> -> memref<1x16384xi32, #tpu.memory_space<hbm>>
      %dma_wait3A_549 = tpu.memref_squeeze %dma_wait3A_548 : memref<1x16384xi32, #tpu.memory_space<hbm>> -> memref<16384xi32, #tpu.memory_space<hbm>>
      tpu.wait_dma2 semaphore(%run_scoped3A : memref<!tpu.dma_semaphore, #tpu.memory_space<semaphore_mem>>) src(%dma_wait3A_549 : memref<16384xi32, #tpu.memory_space<hbm>>) dst(%arg14 : memref<16384xi32, #tpu.memory_space<vmem>>)
      tpu.yield
    }) : () -> ()
    "tpu.region"() ({
      %run_scoped3A = tpu.sem_alloc : memref<!tpu.dma_semaphore, #tpu.memory_space<semaphore_mem>>
      %dma_start3A_538 = arith.constant 0 : i32
      %dma_start3A_539 = tpu.memref_slice %arg5[%add3A, %dma_start3A_538] : memref<32x2048xi32, #tpu.memory_space<hbm>> -> memref<1x2048xi32, #tpu.memory_space<hbm>>
      %dma_start3A_540 = tpu.memref_squeeze %dma_start3A_539 : memref<1x2048xi32, #tpu.memory_space<hbm>> -> memref<2048xi32, #tpu.memory_space<hbm>>
      %dma_start3A_541 = arith.constant 0 : i32
      %dma_start3A_542 = tpu.memref_slice %arg5[%add3A, %dma_start3A_541] : memref<32x2048xi32, #tpu.memory_space<hbm>> -> memref<1x2048xi32, #tpu.memory_space<hbm>>
      %dma_start3A_543 = tpu.memref_squeeze %dma_start3A_542 : memref<1x2048xi32, #tpu.memory_space<hbm>> -> memref<2048xi32, #tpu.memory_space<hbm>>
      tpu.enqueue_dma source(%dma_start3A_543 : memref<2048xi32, #tpu.memory_space<hbm>>) target(%arg15 : memref<2048xi32, #tpu.memory_space<vmem>>) target_semaphore(%run_scoped3A : memref<!tpu.dma_semaphore, #tpu.memory_space<semaphore_mem>>)
      %dma_wait3A_544 = arith.constant 0 : i32
      %dma_wait3A_545 = tpu.memref_slice %arg5[%add3A, %dma_wait3A_544] : memref<32x2048xi32, #tpu.memory_space<hbm>> -> memref<1x2048xi32, #tpu.memory_space<hbm>>
      %dma_wait3A_546 = tpu.memref_squeeze %dma_wait3A_545 : memref<1x2048xi32, #tpu.memory_space<hbm>> -> memref<2048xi32, #tpu.memory_space<hbm>>
      %dma_wait3A_547 = arith.constant 0 : i32
      %dma_wait3A_548 = tpu.memref_slice %arg5[%add3A, %dma_wait3A_547] : memref<32x2048xi32, #tpu.memory_space<hbm>> -> memref<1x2048xi32, #tpu.memory_space<hbm>>
      %dma_wait3A_549 = tpu.memref_squeeze %dma_wait3A_548 : memref<1x2048xi32, #tpu.memory_space<hbm>> -> memref<2048xi32, #tpu.memory_space<hbm>>
      tpu.wait_dma2 semaphore(%run_scoped3A : memref<!tpu.dma_semaphore, #tpu.memory_space<semaphore_mem>>) src(%dma_wait3A_549 : memref<2048xi32, #tpu.memory_space<hbm>>) dst(%arg15 : memref<2048xi32, #tpu.memory_space<vmem>>)
      tpu.yield
    }) : () -> ()
    "tpu.region"() ({
      %run_scoped3A = tpu.sem_alloc : memref<!tpu.dma_semaphore, #tpu.memory_space<semaphore_mem>>
      %dma_start3A_538 = arith.constant 0 : i32
      %dma_start3A_539 = tpu.memref_slice %arg6[%add3A, %dma_start3A_538] : memref<32x2048xi32, #tpu.memory_space<hbm>> -> memref<1x2048xi32, #tpu.memory_space<hbm>>
      %dma_start3A_540 = tpu.memref_squeeze %dma_start3A_539 : memref<1x2048xi32, #tpu.memory_space<hbm>> -> memref<2048xi32, #tpu.memory_space<hbm>>
      %dma_start3A_541 = arith.constant 0 : i32
      %dma_start3A_542 = tpu.memref_slice %arg6[%add3A, %dma_start3A_541] : memref<32x2048xi32, #tpu.memory_space<hbm>> -> memref<1x2048xi32, #tpu.memory_space<hbm>>
      %dma_start3A_543 = tpu.memref_squeeze %dma_start3A_542 : memref<1x2048xi32, #tpu.memory_space<hbm>> -> memref<2048xi32, #tpu.memory_space<hbm>>
      tpu.enqueue_dma source(%dma_start3A_543 : memref<2048xi32, #tpu.memory_space<hbm>>) target(%arg16 : memref<2048xi32, #tpu.memory_space<vmem>>) target_semaphore(%run_scoped3A : memref<!tpu.dma_semaphore, #tpu.memory_space<semaphore_mem>>)
      %dma_wait3A_544 = arith.constant 0 : i32
      %dma_wait3A_545 = tpu.memref_slice %arg6[%add3A, %dma_wait3A_544] : memref<32x2048xi32, #tpu.memory_space<hbm>> -> memref<1x2048xi32, #tpu.memory_space<hbm>>
      %dma_wait3A_546 = tpu.memref_squeeze %dma_wait3A_545 : memref<1x2048xi32, #tpu.memory_space<hbm>> -> memref<2048xi32, #tpu.memory_space<hbm>>
      %dma_wait3A_547 = arith.constant 0 : i32
      %dma_wait3A_548 = tpu.memref_slice %arg6[%add3A, %dma_wait3A_547] : memref<32x2048xi32, #tpu.memory_space<hbm>> -> memref<1x2048xi32, #tpu.memory_space<hbm>>
      %dma_wait3A_549 = tpu.memref_squeeze %dma_wait3A_548 : memref<1x2048xi32, #tpu.memory_space<hbm>> -> memref<2048xi32, #tpu.memory_space<hbm>>
      tpu.wait_dma2 semaphore(%run_scoped3A : memref<!tpu.dma_semaphore, #tpu.memory_space<semaphore_mem>>) src(%dma_wait3A_549 : memref<2048xi32, #tpu.memory_space<hbm>>) dst(%arg16 : memref<2048xi32, #tpu.memory_space<vmem>>)
      tpu.yield
    }) : () -> ()
    "tpu.region"() ({
      %run_scoped3A = tpu.sem_alloc : memref<!tpu.dma_semaphore, #tpu.memory_space<semaphore_mem>>
      %dma_start3A_538 = arith.constant 0 : i32
      %dma_start3A_539 = arith.constant 0 : i32
      %dma_start3A_540 = tpu.memref_slice %arg7[%add3A, %dma_start3A_538, %dma_start3A_539] : memref<32x8x16xi32, #tpu.memory_space<hbm>> -> memref<1x8x16xi32, #tpu.memory_space<hbm>>
      %dma_start3A_541 = tpu.memref_squeeze %dma_start3A_540 : memref<1x8x16xi32, #tpu.memory_space<hbm>> -> memref<8x16xi32, #tpu.memory_space<hbm>>
      %dma_start3A_542 = arith.constant 0 : i32
      %dma_start3A_543 = arith.constant 0 : i32
      %dma_start3A_544 = tpu.memref_slice %arg7[%add3A, %dma_start3A_542, %dma_start3A_543] : memref<32x8x16xi32, #tpu.memory_space<hbm>> -> memref<1x8x16xi32, #tpu.memory_space<hbm>>
      %dma_start3A_545 = tpu.memref_squeeze %dma_start3A_544 : memref<1x8x16xi32, #tpu.memory_space<hbm>> -> memref<8x16xi32, #tpu.memory_space<hbm>>
      tpu.enqueue_dma source(%dma_start3A_545 : memref<8x16xi32, #tpu.memory_space<hbm>>) target(%arg23 : memref<8x16xi32, #tpu.memory_space<vmem>>) target_semaphore(%run_scoped3A : memref<!tpu.dma_semaphore, #tpu.memory_space<semaphore_mem>>)
      %dma_wait3A_546 = arith.constant 0 : i32
      %dma_wait3A_547 = arith.constant 0 : i32
      %dma_wait3A_548 = tpu.memref_slice %arg7[%add3A, %dma_wait3A_546, %dma_wait3A_547] : memref<32x8x16xi32, #tpu.memory_space<hbm>> -> memref<1x8x16xi32, #tpu.memory_space<hbm>>
      %dma_wait3A_549 = tpu.memref_squeeze %dma_wait3A_548 : memref<1x8x16xi32, #tpu.memory_space<hbm>> -> memref<8x16xi32, #tpu.memory_space<hbm>>
      %dma_wait3A_550 = arith.constant 0 : i32
      %dma_wait3A_551 = arith.constant 0 : i32
      %dma_wait3A_552 = tpu.memref_slice %arg7[%add3A, %dma_wait3A_550, %dma_wait3A_551] : memref<32x8x16xi32, #tpu.memory_space<hbm>> -> memref<1x8x16xi32, #tpu.memory_space<hbm>>
      %dma_wait3A_553 = tpu.memref_squeeze %dma_wait3A_552 : memref<1x8x16xi32, #tpu.memory_space<hbm>> -> memref<8x16xi32, #tpu.memory_space<hbm>>
      tpu.wait_dma2 semaphore(%run_scoped3A : memref<!tpu.dma_semaphore, #tpu.memory_space<semaphore_mem>>) src(%dma_wait3A_553 : memref<8x16xi32, #tpu.memory_space<hbm>>) dst(%arg23 : memref<8x16xi32, #tpu.memory_space<vmem>>)
      tpu.yield
    }) : () -> ()
    "tpu.region"() ({
      %run_scoped3A = tpu.sem_alloc : memref<!tpu.dma_semaphore, #tpu.memory_space<semaphore_mem>>
      %dma_start3A_538 = arith.constant 0 : i32
      %dma_start3A_539 = arith.constant 0 : i32
      %dma_start3A_540 = tpu.memref_slice %arg8[%add3A, %dma_start3A_538, %dma_start3A_539] : memref<32x16x16xf32, #tpu.memory_space<hbm>> -> memref<1x16x16xf32, #tpu.memory_space<hbm>>
      %dma_start3A_541 = tpu.memref_squeeze %dma_start3A_540 : memref<1x16x16xf32, #tpu.memory_space<hbm>> -> memref<16x16xf32, #tpu.memory_space<hbm>>
      %dma_start3A_542 = arith.constant 0 : i32
      %dma_start3A_543 = arith.constant 0 : i32
      %dma_start3A_544 = tpu.memref_slice %arg8[%add3A, %dma_start3A_542, %dma_start3A_543] : memref<32x16x16xf32, #tpu.memory_space<hbm>> -> memref<1x16x16xf32, #tpu.memory_space<hbm>>
      %dma_start3A_545 = tpu.memref_squeeze %dma_start3A_544 : memref<1x16x16xf32, #tpu.memory_space<hbm>> -> memref<16x16xf32, #tpu.memory_space<hbm>>
      tpu.enqueue_dma source(%dma_start3A_545 : memref<16x16xf32, #tpu.memory_space<hbm>>) target(%arg24 : memref<16x16xf32, #tpu.memory_space<vmem>>) target_semaphore(%run_scoped3A : memref<!tpu.dma_semaphore, #tpu.memory_space<semaphore_mem>>)
      %dma_wait3A_546 = arith.constant 0 : i32
      %dma_wait3A_547 = arith.constant 0 : i32
      %dma_wait3A_548 = tpu.memref_slice %arg8[%add3A, %dma_wait3A_546, %dma_wait3A_547] : memref<32x16x16xf32, #tpu.memory_space<hbm>> -> memref<1x16x16xf32, #tpu.memory_space<hbm>>
      %dma_wait3A_549 = tpu.memref_squeeze %dma_wait3A_548 : memref<1x16x16xf32, #tpu.memory_space<hbm>> -> memref<16x16xf32, #tpu.memory_space<hbm>>
      %dma_wait3A_550 = arith.constant 0 : i32
      %dma_wait3A_551 = arith.constant 0 : i32
      %dma_wait3A_552 = tpu.memref_slice %arg8[%add3A, %dma_wait3A_550, %dma_wait3A_551] : memref<32x16x16xf32, #tpu.memory_space<hbm>> -> memref<1x16x16xf32, #tpu.memory_space<hbm>>
      %dma_wait3A_553 = tpu.memref_squeeze %dma_wait3A_552 : memref<1x16x16xf32, #tpu.memory_space<hbm>> -> memref<16x16xf32, #tpu.memory_space<hbm>>
      tpu.wait_dma2 semaphore(%run_scoped3A : memref<!tpu.dma_semaphore, #tpu.memory_space<semaphore_mem>>) src(%dma_wait3A_553 : memref<16x16xf32, #tpu.memory_space<hbm>>) dst(%arg24 : memref<16x16xf32, #tpu.memory_space<vmem>>)
      tpu.yield
    }) : () -> ()
    %get3A = arith.constant 0 : i32
    %get3A_17 = arith.index_cast %get3A : i32 to index
    %get3A_18 = arith.constant 0 : index
    %get3A_19 = tpu.vector_load %arg23[%get3A_17, %get3A_18] {strides = array<i32>} : memref<8x16xi32, #tpu.memory_space<vmem>>, vector<16xi32>,
    %get3A_20 = arith.constant 1 : i32
    %get3A_21 = arith.index_cast %get3A_20 : i32 to index
    %get3A_22 = arith.constant 0 : index
    %get3A_23 = tpu.vector_load %arg23[%get3A_21, %get3A_22] {strides = array<i32>} : memref<8x16xi32, #tpu.memory_space<vmem>>, vector<16xi32>,
    %get3A_24 = arith.constant 2 : i32
    %get3A_25 = arith.index_cast %get3A_24 : i32 to index
    %get3A_26 = arith.constant 0 : index
    %get3A_27 = tpu.vector_load %arg23[%get3A_25, %get3A_26] {strides = array<i32>} : memref<8x16xi32, #tpu.memory_space<vmem>>, vector<16xi32>,
    %get3A_28 = arith.constant 3 : i32
    %get3A_29 = arith.index_cast %get3A_28 : i32 to index
    %get3A_30 = arith.constant 0 : index
    %get3A_31 = tpu.vector_load %arg23[%get3A_29, %get3A_30] {strides = array<i32>} : memref<8x16xi32, #tpu.memory_space<vmem>>, vector<16xi32>,
    %get3A_32 = arith.constant 4 : i32
    %get3A_33 = arith.index_cast %get3A_32 : i32 to index
    %get3A_34 = arith.constant 0 : index
    %get3A_35 = tpu.vector_load %arg23[%get3A_33, %get3A_34] {strides = array<i32>} : memref<8x16xi32, #tpu.memory_space<vmem>>, vector<16xi32>,
    %get3A_36 = arith.constant 5 : i32
    %get3A_37 = arith.index_cast %get3A_36 : i32 to index
    %get3A_38 = arith.constant 0 : index
    %get3A_39 = tpu.vector_load %arg23[%get3A_37, %get3A_38] {strides = array<i32>} : memref<8x16xi32, #tpu.memory_space<vmem>>, vector<16xi32>,
    %get3A_40 = arith.constant 0 : i32
    %get3A_41 = arith.index_cast %get3A_40 : i32 to index
    %get3A_42 = arith.constant 0 : index
    %get3A_43 = tpu.vector_load %arg24[%get3A_41, %get3A_42] {strides = array<i32>} : memref<16x16xf32, #tpu.memory_space<vmem>>, vector<16xf32>,
    %get3A_44 = arith.constant 1 : i32
    %get3A_45 = arith.index_cast %get3A_44 : i32 to index
    %get3A_46 = arith.constant 0 : index
    %get3A_47 = tpu.vector_load %arg24[%get3A_45, %get3A_46] {strides = array<i32>} : memref<16x16xf32, #tpu.memory_space<vmem>>, vector<16xf32>,
    %get3A_48 = arith.constant 2 : i32
    %get3A_49 = arith.index_cast %get3A_48 : i32 to index
    %get3A_50 = arith.constant 0 : index
    %get3A_51 = tpu.vector_load %arg24[%get3A_49, %get3A_50] {strides = array<i32>} : memref<16x16xf32, #tpu.memory_space<vmem>>, vector<16xf32>,
    %broadcast_in_dim3A = arith.constant 65536 : i32
    %broadcast_in_dim3A_52 = vector.broadcast %broadcast_in_dim3A : i32 to vector<16xi32>
    %rem3A_53 = arith.remui %broadcast_in_dim3A_52, %get3A_19 : vector<16xi32>
    %mul3A_54 = arith.muli %rem3A_53, %rem3A_53 : vector<16xi32>
    %rem3A_55 = arith.remui %mul3A_54, %get3A_19 : vector<16xi32>
    %iota3A = tpu.iota {dimensions = array<i32: 0>} : vector<16xi32>
    %scan3A = arith.constant 0 : i32
    %scan3A_56 = arith.constant 0 : i32
    %scan3A_57 = arith.constant 128 : i32
    %scan3A_58 = arith.addi %scan3A_56, %scan3A_57 : i32
    %scan3A_59 = arith.constant 1 : i32
    scf.for %scan3A_538 = %scan3A_56 to %scan3A_58 step %scan3A_59  : i32 {
      %mul3A_539 = arith.constant 16 : i32
      %mul3A_540 = arith.muli %scan3A_538, %mul3A_539 : i32
      %get3A_541 = arith.index_cast %mul3A_540 : i32 to index
      %get3A_542 = tpu.vector_load %arg15[%get3A_541] {strides = array<i32>} : memref<2048xi32, #tpu.memory_space<vmem>>, vector<16xi32>,
      %get3A_543 = arith.index_cast %mul3A_540 : i32 to index
      %get3A_544 = tpu.vector_load %arg16[%get3A_543] {strides = array<i32>} : memref<2048xi32, #tpu.memory_space<vmem>>, vector<16xi32>,
      %rem3A_545 = arith.remui %get3A_542, %get3A_19 : vector<16xi32>
      %mul3A_546 = arith.muli %rem3A_545, %rem3A_55 : vector<16xi32>
      %rem3A_547 = arith.remui %get3A_544, %get3A_19 : vector<16xi32>
      %add3A_548 = arith.addi %mul3A_546, %rem3A_547 : vector<16xi32>
      %rem3A_549 = arith.remui %add3A_548, %get3A_19 : vector<16xi32>
      %add3A_550 = arith.constant 1 : i32
      %add3A_551 = vector.broadcast %add3A_550 : i32 to vector<16xi32>
      %add3A_552 = arith.addi %rem3A_549, %add3A_551 : vector<16xi32>
      %broadcast_in_dim3A_553 = arith.constant 0 : i32
      %broadcast_in_dim3A_554 = vector.broadcast %broadcast_in_dim3A_553 : i32 to vector<16xi32>
      %add3A_555 = arith.constant 256 : i32
      %add3A_556 = vector.broadcast %add3A_555 : i32 to vector<16xi32>
      %add3A_557 = arith.addi %broadcast_in_dim3A_554, %add3A_556 : vector<16xi32>
      %sub3A_558 = arith.constant 1 : i32
      %sub3A_559 = vector.broadcast %sub3A_558 : i32 to vector<16xi32>
      %sub3A_560 = arith.subi %add3A_557, %sub3A_559 : vector<16xi32>
      %gather3A = tpu.vector_load_idx %arg12[%sub3A_560] : memref<512xi32, #tpu.memory_space<vmem>>[vector<16xi32>], vector<16xi32>,
      %lt3A = arith.cmpi slt, %gather3A, %add3A_552 : vector<16xi32>
      %select_n3A_561 = arith.select %lt3A, %add3A_557, %broadcast_in_dim3A_554 : vector<16xi1>, vector<16xi32>
      %add3A_562 = arith.constant 128 : i32
      %add3A_563 = vector.broadcast %add3A_562 : i32 to vector<16xi32>
      %add3A_564 = arith.addi %select_n3A_561, %add3A_563 : vector<16xi32>
      %sub3A_565 = arith.constant 1 : i32
      %sub3A_566 = vector.broadcast %sub3A_565 : i32 to vector<16xi32>
      %sub3A_567 = arith.subi %add3A_564, %sub3A_566 : vector<16xi32>
      %gather3A_568 = tpu.vector_load_idx %arg12[%sub3A_567] : memref<512xi32, #tpu.memory_space<vmem>>[vector<16xi32>], vector<16xi32>,
      %lt3A_569 = arith.cmpi slt, %gather3A_568, %add3A_552 : vector<16xi32>
      %select_n3A_570 = arith.select %lt3A_569, %add3A_564, %select_n3A_561 : vector<16xi1>, vector<16xi32>
      %add3A_571 = arith.constant 64 : i32
      %add3A_572 = vector.broadcast %add3A_571 : i32 to vector<16xi32>
      %add3A_573 = arith.addi %select_n3A_570, %add3A_572 : vector<16xi32>
      %sub3A_574 = arith.constant 1 : i32
      %sub3A_575 = vector.broadcast %sub3A_574 : i32 to vector<16xi32>
      %sub3A_576 = arith.subi %add3A_573, %sub3A_575 : vector<16xi32>
      %gather3A_577 = tpu.vector_load_idx %arg12[%sub3A_576] : memref<512xi32, #tpu.memory_space<vmem>>[vector<16xi32>], vector<16xi32>,
      %lt3A_578 = arith.cmpi slt, %gather3A_577, %add3A_552 : vector<16xi32>
      %select_n3A_579 = arith.select %lt3A_578, %add3A_573, %select_n3A_570 : vector<16xi1>, vector<16xi32>
      %add3A_580 = arith.constant 32 : i32
      %add3A_581 = vector.broadcast %add3A_580 : i32 to vector<16xi32>
      %add3A_582 = arith.addi %select_n3A_579, %add3A_581 : vector<16xi32>
      %sub3A_583 = arith.constant 1 : i32
      %sub3A_584 = vector.broadcast %sub3A_583 : i32 to vector<16xi32>
      %sub3A_585 = arith.subi %add3A_582, %sub3A_584 : vector<16xi32>
      %gather3A_586 = tpu.vector_load_idx %arg12[%sub3A_585] : memref<512xi32, #tpu.memory_space<vmem>>[vector<16xi32>], vector<16xi32>,
      %lt3A_587 = arith.cmpi slt, %gather3A_586, %add3A_552 : vector<16xi32>
      %select_n3A_588 = arith.select %lt3A_587, %add3A_582, %select_n3A_579 : vector<16xi1>, vector<16xi32>
      %add3A_589 = arith.constant 16 : i32
      %add3A_590 = vector.broadcast %add3A_589 : i32 to vector<16xi32>
      %add3A_591 = arith.addi %select_n3A_588, %add3A_590 : vector<16xi32>
      %sub3A_592 = arith.constant 1 : i32
      %sub3A_593 = vector.broadcast %sub3A_592 : i32 to vector<16xi32>
      %sub3A_594 = arith.subi %add3A_591, %sub3A_593 : vector<16xi32>
      %gather3A_595 = tpu.vector_load_idx %arg12[%sub3A_594] : memref<512xi32, #tpu.memory_space<vmem>>[vector<16xi32>], vector<16xi32>,
      %lt3A_596 = arith.cmpi slt, %gather3A_595, %add3A_552 : vector<16xi32>
      %select_n3A_597 = arith.select %lt3A_596, %add3A_591, %select_n3A_588 : vector<16xi1>, vector<16xi32>
      %add3A_598 = arith.constant 8 : i32
      %add3A_599 = vector.broadcast %add3A_598 : i32 to vector<16xi32>
      %add3A_600 = arith.addi %select_n3A_597, %add3A_599 : vector<16xi32>
      %sub3A_601 = arith.constant 1 : i32
      %sub3A_602 = vector.broadcast %sub3A_601 : i32 to vector<16xi32>
      %sub3A_603 = arith.subi %add3A_600, %sub3A_602 : vector<16xi32>
      %gather3A_604 = tpu.vector_load_idx %arg12[%sub3A_603] : memref<512xi32, #tpu.memory_space<vmem>>[vector<16xi32>], vector<16xi32>,
      %lt3A_605 = arith.cmpi slt, %gather3A_604, %add3A_552 : vector<16xi32>
      %select_n3A_606 = arith.select %lt3A_605, %add3A_600, %select_n3A_597 : vector<16xi1>, vector<16xi32>
      %add3A_607 = arith.constant 4 : i32
      %add3A_608 = vector.broadcast %add3A_607 : i32 to vector<16xi32>
      %add3A_609 = arith.addi %select_n3A_606, %add3A_608 : vector<16xi32>
      %sub3A_610 = arith.constant 1 : i32
      %sub3A_611 = vector.broadcast %sub3A_610 : i32 to vector<16xi32>
      %sub3A_612 = arith.subi %add3A_609, %sub3A_611 : vector<16xi32>
      %gather3A_613 = tpu.vector_load_idx %arg12[%sub3A_612] : memref<512xi32, #tpu.memory_space<vmem>>[vector<16xi32>], vector<16xi32>,
      %lt3A_614 = arith.cmpi slt, %gather3A_613, %add3A_552 : vector<16xi32>
      %select_n3A_615 = arith.select %lt3A_614, %add3A_609, %select_n3A_606 : vector<16xi1>, vector<16xi32>
      %add3A_616 = arith.constant 2 : i32
      %add3A_617 = vector.broadcast %add3A_616 : i32 to vector<16xi32>
      %add3A_618 = arith.addi %select_n3A_615, %add3A_617 : vector<16xi32>
      %sub3A_619 = arith.constant 1 : i32
      %sub3A_620 = vector.broadcast %sub3A_619 : i32 to vector<16xi32>
      %sub3A_621 = arith.subi %add3A_618, %sub3A_620 : vector<16xi32>
      %gather3A_622 = tpu.vector_load_idx %arg12[%sub3A_621] : memref<512xi32, #tpu.memory_space<vmem>>[vector<16xi32>], vector<16xi32>,
      %lt3A_623 = arith.cmpi slt, %gather3A_622, %add3A_552 : vector<16xi32>
      %select_n3A_624 = arith.select %lt3A_623, %add3A_618, %select_n3A_615 : vector<16xi1>, vector<16xi32>
      %add3A_625 = arith.constant 1 : i32
      %add3A_626 = vector.broadcast %add3A_625 : i32 to vector<16xi32>
      %add3A_627 = arith.addi %select_n3A_624, %add3A_626 : vector<16xi32>
      %sub3A_628 = arith.constant 1 : i32
      %sub3A_629 = vector.broadcast %sub3A_628 : i32 to vector<16xi32>
      %sub3A_630 = arith.subi %add3A_627, %sub3A_629 : vector<16xi32>
      %gather3A_631 = tpu.vector_load_idx %arg12[%sub3A_630] : memref<512xi32, #tpu.memory_space<vmem>>[vector<16xi32>], vector<16xi32>,
      %lt3A_632 = arith.cmpi slt, %gather3A_631, %add3A_552 : vector<16xi32>
      %select_n3A_633 = arith.select %lt3A_632, %add3A_627, %select_n3A_624 : vector<16xi1>, vector<16xi32>
      %min3A = arith.constant 511 : i32
      %min3A_634 = vector.broadcast %min3A : i32 to vector<16xi32>
      %min3A_635 = arith.minsi %select_n3A_633, %min3A_634 : vector<16xi32>
      %gt3A = arith.constant 0 : i32
      %gt3A_636 = vector.broadcast %gt3A : i32 to vector<16xi32>
      %gt3A_637 = arith.cmpi sgt, %min3A_635, %gt3A_636 : vector<16xi32>
      %sub3A_638 = arith.constant 1 : i32
      %sub3A_639 = vector.broadcast %sub3A_638 : i32 to vector<16xi32>
      %sub3A_640 = arith.subi %min3A_635, %sub3A_639 : vector<16xi32>
      %max3A = arith.constant 0 : i32
      %max3A_641 = vector.broadcast %max3A : i32 to vector<16xi32>
      %max3A_642 = arith.maxsi %sub3A_640, %max3A_641 : vector<16xi32>
      %gather3A_643 = tpu.vector_load_idx %arg12[%max3A_642] : memref<512xi32, #tpu.memory_space<vmem>>[vector<16xi32>], vector<16xi32>,
      %jit3A_644 = arith.constant 0 : i32
      %broadcast_in_dim3A_645 = vector.broadcast %jit3A_644 : i32 to vector<16xi32>
      %select_n3A_646 = arith.select %gt3A_637, %gather3A_643, %broadcast_in_dim3A_645 : vector<16xi1>, vector<16xi32>
      %sub3A_647 = arith.subi %add3A_552, %select_n3A_646 : vector<16xi32>
      %mul3A_648 = arith.constant 32 : i32
      %mul3A_649 = vector.broadcast %mul3A_648 : i32 to vector<16xi32>
      %mul3A_650 = arith.muli %min3A_635, %mul3A_649 : vector<16xi32>
      %broadcast_in_dim3A_651 = arith.constant 0 : i32
      %broadcast_in_dim3A_652 = vector.broadcast %broadcast_in_dim3A_651 : i32 to vector<16xi32>
      %add3A_653 = arith.constant 16 : i32
      %add3A_654 = vector.broadcast %add3A_653 : i32 to vector<16xi32>
      %add3A_655 = arith.addi %broadcast_in_dim3A_652, %add3A_654 : vector<16xi32>
      %add3A_656 = arith.addi %mul3A_650, %add3A_655 : vector<16xi32>
      %sub3A_657 = arith.constant 1 : i32
      %sub3A_658 = vector.broadcast %sub3A_657 : i32 to vector<16xi32>
      %sub3A_659 = arith.subi %add3A_656, %sub3A_658 : vector<16xi32>
      %gather3A_660 = tpu.vector_load_idx %arg13[%sub3A_659] : memref<16384xi32, #tpu.memory_space<vmem>>[vector<16xi32>], vector<16xi32>,
      %lt3A_661 = arith.cmpi slt, %gather3A_660, %sub3A_647 : vector<16xi32>
      %select_n3A_662 = arith.select %lt3A_661, %add3A_655, %broadcast_in_dim3A_652 : vector<16xi1>, vector<16xi32>
      %add3A_663 = arith.constant 8 : i32
      %add3A_664 = vector.broadcast %add3A_663 : i32 to vector<16xi32>
      %add3A_665 = arith.addi %select_n3A_662, %add3A_664 : vector<16xi32>
      %add3A_666 = arith.addi %mul3A_650, %add3A_665 : vector<16xi32>
      %sub3A_667 = arith.constant 1 : i32
      %sub3A_668 = vector.broadcast %sub3A_667 : i32 to vector<16xi32>
      %sub3A_669 = arith.subi %add3A_666, %sub3A_668 : vector<16xi32>
      %gather3A_670 = tpu.vector_load_idx %arg13[%sub3A_669] : memref<16384xi32, #tpu.memory_space<vmem>>[vector<16xi32>], vector<16xi32>,
      %lt3A_671 = arith.cmpi slt, %gather3A_670, %sub3A_647 : vector<16xi32>
      %select_n3A_672 = arith.select %lt3A_671, %add3A_665, %select_n3A_662 : vector<16xi1>, vector<16xi32>
      %add3A_673 = arith.constant 4 : i32
      %add3A_674 = vector.broadcast %add3A_673 : i32 to vector<16xi32>
      %add3A_675 = arith.addi %select_n3A_672, %add3A_674 : vector<16xi32>
      %add3A_676 = arith.addi %mul3A_650, %add3A_675 : vector<16xi32>
      %sub3A_677 = arith.constant 1 : i32
      %sub3A_678 = vector.broadcast %sub3A_677 : i32 to vector<16xi32>
      %sub3A_679 = arith.subi %add3A_676, %sub3A_678 : vector<16xi32>
      %gather3A_680 = tpu.vector_load_idx %arg13[%sub3A_679] : memref<16384xi32, #tpu.memory_space<vmem>>[vector<16xi32>], vector<16xi32>,
      %lt3A_681 = arith.cmpi slt, %gather3A_680, %sub3A_647 : vector<16xi32>
      %select_n3A_682 = arith.select %lt3A_681, %add3A_675, %select_n3A_672 : vector<16xi1>, vector<16xi32>
      %add3A_683 = arith.constant 2 : i32
      %add3A_684 = vector.broadcast %add3A_683 : i32 to vector<16xi32>
      %add3A_685 = arith.addi %select_n3A_682, %add3A_684 : vector<16xi32>
      %add3A_686 = arith.addi %mul3A_650, %add3A_685 : vector<16xi32>
      %sub3A_687 = arith.constant 1 : i32
      %sub3A_688 = vector.broadcast %sub3A_687 : i32 to vector<16xi32>
      %sub3A_689 = arith.subi %add3A_686, %sub3A_688 : vector<16xi32>
      %gather3A_690 = tpu.vector_load_idx %arg13[%sub3A_689] : memref<16384xi32, #tpu.memory_space<vmem>>[vector<16xi32>], vector<16xi32>,
      %lt3A_691 = arith.cmpi slt, %gather3A_690, %sub3A_647 : vector<16xi32>
      %select_n3A_692 = arith.select %lt3A_691, %add3A_685, %select_n3A_682 : vector<16xi1>, vector<16xi32>
      %add3A_693 = arith.constant 1 : i32
      %add3A_694 = vector.broadcast %add3A_693 : i32 to vector<16xi32>
      %add3A_695 = arith.addi %select_n3A_692, %add3A_694 : vector<16xi32>
      %add3A_696 = arith.addi %mul3A_650, %add3A_695 : vector<16xi32>
      %sub3A_697 = arith.constant 1 : i32
      %sub3A_698 = vector.broadcast %sub3A_697 : i32 to vector<16xi32>
      %sub3A_699 = arith.subi %add3A_696, %sub3A_698 : vector<16xi32>
      %gather3A_700 = tpu.vector_load_idx %arg13[%sub3A_699] : memref<16384xi32, #tpu.memory_space<vmem>>[vector<16xi32>], vector<16xi32>,
      %lt3A_701 = arith.cmpi slt, %gather3A_700, %sub3A_647 : vector<16xi32>
      %select_n3A_702 = arith.select %lt3A_701, %add3A_695, %select_n3A_692 : vector<16xi1>, vector<16xi32>
      %min3A_703 = arith.constant 31 : i32
      %min3A_704 = vector.broadcast %min3A_703 : i32 to vector<16xi32>
      %min3A_705 = arith.minsi %select_n3A_702, %min3A_704 : vector<16xi32>
      %gt3A_706 = arith.constant 0 : i32
      %gt3A_707 = vector.broadcast %gt3A_706 : i32 to vector<16xi32>
      %gt3A_708 = arith.cmpi sgt, %min3A_705, %gt3A_707 : vector<16xi32>
      %sub3A_709 = arith.constant 1 : i32
      %sub3A_710 = vector.broadcast %sub3A_709 : i32 to vector<16xi32>
      %sub3A_711 = arith.subi %min3A_705, %sub3A_710 : vector<16xi32>
      %max3A_712 = arith.constant 0 : i32
      %max3A_713 = vector.broadcast %max3A_712 : i32 to vector<16xi32>
      %max3A_714 = arith.maxsi %sub3A_711, %max3A_713 : vector<16xi32>
      %add3A_715 = arith.addi %mul3A_650, %max3A_714 : vector<16xi32>
      %gather3A_716 = tpu.vector_load_idx %arg13[%add3A_715] : memref<16384xi32, #tpu.memory_space<vmem>>[vector<16xi32>], vector<16xi32>,
      %jit3A_717 = arith.constant 0 : i32
      %broadcast_in_dim3A_718 = vector.broadcast %jit3A_717 : i32 to vector<16xi32>
      %select_n3A_719 = arith.select %gt3A_708, %gather3A_716, %broadcast_in_dim3A_718 : vector<16xi1>, vector<16xi32>
      %sub3A_720 = arith.subi %sub3A_647, %select_n3A_719 : vector<16xi32>
      %add3A_721 = arith.addi %mul3A_650, %min3A_705 : vector<16xi32>
      %gather3A_722 = tpu.vector_load_idx %arg14[%add3A_721] : memref<16384xi32, #tpu.memory_space<vmem>>[vector<16xi32>], vector<16xi32>,
      %broadcast_in_dim3A_723 = arith.constant 0 : i32
      %broadcast_in_dim3A_724 = vector.broadcast %broadcast_in_dim3A_723 : i32 to vector<16xi32>
      %broadcast_in_dim3A_725 = arith.constant 0 : i32
      %broadcast_in_dim3A_726 = vector.broadcast %broadcast_in_dim3A_725 : i32 to vector<16xi32>
      %ge3A = arith.cmpi sge, %min3A_635, %get3A_23 : vector<16xi32>
      %lt3A_727 = arith.cmpi slt, %min3A_635, %get3A_27 : vector<16xi32>
      %and3A_728 = arith.andi %ge3A, %lt3A_727 : vector<16xi1>
      %broadcast_in_dim3A_729 = arith.constant 1 : i32
      %broadcast_in_dim3A_730 = vector.broadcast %broadcast_in_dim3A_729 : i32 to vector<16xi32>
      %broadcast_in_dim3A_731 = arith.constant 0 : i32
      %broadcast_in_dim3A_732 = vector.broadcast %broadcast_in_dim3A_731 : i32 to vector<16xi32>
      %shift_right_logical3A = arith.shrui %gather3A_722, %broadcast_in_dim3A_732 : vector<16xi32>
      %and3A_733 = arith.andi %shift_right_logical3A, %broadcast_in_dim3A_730 : vector<16xi32>
      %mul3A_734 = arith.constant 16 : i32
      %mul3A_735 = vector.broadcast %mul3A_734 : i32 to vector<16xi32>
      %mul3A_736 = arith.muli %min3A_705, %mul3A_735 : vector<16xi32>
      %add3A_737 = arith.constant 0 : i32
      %add3A_738 = vector.broadcast %add3A_737 : i32 to vector<16xi32>
      %add3A_739 = arith.addi %mul3A_736, %add3A_738 : vector<16xi32>
      %ge3A_740 = arith.cmpi sge, %add3A_739, %get3A_31 : vector<16xi32>
      %and3A_741 = arith.andi %and3A_728, %ge3A_740 : vector<16xi1>
      %lt3A_742 = arith.cmpi slt, %add3A_739, %get3A_35 : vector<16xi32>
      %and3A_743 = arith.andi %and3A_741, %lt3A_742 : vector<16xi1>
      %convert_element_type3A = arith.extui %and3A_743 : vector<16xi1> to vector<16xi32>
      %gt3A_744 = arith.constant 0 : i32
      %gt3A_745 = vector.broadcast %gt3A_744 : i32 to vector<16xi32>
      %gt3A_746 = arith.cmpi sgt, %get3A_39, %gt3A_745 : vector<16xi32>
      %sub3A_747 = arith.subi %convert_element_type3A, %and3A_733 : vector<16xi32>
      %select_n3A_748 = arith.select %gt3A_746, %sub3A_747, %and3A_733 : vector<16xi1>, vector<16xi32>
      %add3A_749 = arith.addi %broadcast_in_dim3A_724, %select_n3A_748 : vector<16xi32>
      %lt3A_750 = arith.cmpi slt, %add3A_749, %sub3A_720 : vector<16xi32>
      %convert_element_type3A_751 = arith.extui %lt3A_750 : vector<16xi1> to vector<16xi32>
      %add3A_752 = arith.addi %broadcast_in_dim3A_726, %convert_element_type3A_751 : vector<16xi32>
      %broadcast_in_dim3A_753 = arith.constant 1 : i32
      %broadcast_in_dim3A_754 = vector.broadcast %broadcast_in_dim3A_753 : i32 to vector<16xi32>
      %shift_right_logical3A_755 = arith.shrui %gather3A_722, %broadcast_in_dim3A_754 : vector<16xi32>
      %and3A_756 = arith.andi %shift_right_logical3A_755, %broadcast_in_dim3A_730 : vector<16xi32>
      %mul3A_757 = arith.constant 16 : i32
      %mul3A_758 = vector.broadcast %mul3A_757 : i32 to vector<16xi32>
      %mul3A_759 = arith.muli %min3A_705, %mul3A_758 : vector<16xi32>
      %add3A_760 = arith.constant 1 : i32
      %add3A_761 = vector.broadcast %add3A_760 : i32 to vector<16xi32>
      %add3A_762 = arith.addi %mul3A_759, %add3A_761 : vector<16xi32>
      %ge3A_763 = arith.cmpi sge, %add3A_762, %get3A_31 : vector<16xi32>
      %and3A_764 = arith.andi %and3A_728, %ge3A_763 : vector<16xi1>
      %lt3A_765 = arith.cmpi slt, %add3A_762, %get3A_35 : vector<16xi32>
      %and3A_766 = arith.andi %and3A_764, %lt3A_765 : vector<16xi1>
      %convert_element_type3A_767 = arith.extui %and3A_766 : vector<16xi1> to vector<16xi32>
      %gt3A_768 = arith.constant 0 : i32
      %gt3A_769 = vector.broadcast %gt3A_768 : i32 to vector<16xi32>
      %gt3A_770 = arith.cmpi sgt, %get3A_39, %gt3A_769 : vector<16xi32>
      %sub3A_771 = arith.subi %convert_element_type3A_767, %and3A_756 : vector<16xi32>
      %select_n3A_772 = arith.select %gt3A_770, %sub3A_771, %and3A_756 : vector<16xi1>, vector<16xi32>
      %add3A_773 = arith.addi %add3A_749, %select_n3A_772 : vector<16xi32>
      %lt3A_774 = arith.cmpi slt, %add3A_773, %sub3A_720 : vector<16xi32>
      %convert_element_type3A_775 = arith.extui %lt3A_774 : vector<16xi1> to vector<16xi32>
      %add3A_776 = arith.addi %add3A_752, %convert_element_type3A_775 : vector<16xi32>
      %broadcast_in_dim3A_777 = arith.constant 2 : i32
      %broadcast_in_dim3A_778 = vector.broadcast %broadcast_in_dim3A_777 : i32 to vector<16xi32>
      %shift_right_logical3A_779 = arith.shrui %gather3A_722, %broadcast_in_dim3A_778 : vector<16xi32>
      %and3A_780 = arith.andi %shift_right_logical3A_779, %broadcast_in_dim3A_730 : vector<16xi32>
      %mul3A_781 = arith.constant 16 : i32
      %mul3A_782 = vector.broadcast %mul3A_781 : i32 to vector<16xi32>
      %mul3A_783 = arith.muli %min3A_705, %mul3A_782 : vector<16xi32>
      %add3A_784 = arith.constant 2 : i32
      %add3A_785 = vector.broadcast %add3A_784 : i32 to vector<16xi32>
      %add3A_786 = arith.addi %mul3A_783, %add3A_785 : vector<16xi32>
      %ge3A_787 = arith.cmpi sge, %add3A_786, %get3A_31 : vector<16xi32>
      %and3A_788 = arith.andi %and3A_728, %ge3A_787 : vector<16xi1>
      %lt3A_789 = arith.cmpi slt, %add3A_786, %get3A_35 : vector<16xi32>
      %and3A_790 = arith.andi %and3A_788, %lt3A_789 : vector<16xi1>
      %convert_element_type3A_791 = arith.extui %and3A_790 : vector<16xi1> to vector<16xi32>
      %gt3A_792 = arith.constant 0 : i32
      %gt3A_793 = vector.broadcast %gt3A_792 : i32 to vector<16xi32>
      %gt3A_794 = arith.cmpi sgt, %get3A_39, %gt3A_793 : vector<16xi32>
      %sub3A_795 = arith.subi %convert_element_type3A_791, %and3A_780 : vector<16xi32>
      %select_n3A_796 = arith.select %gt3A_794, %sub3A_795, %and3A_780 : vector<16xi1>, vector<16xi32>
      %add3A_797 = arith.addi %add3A_773, %select_n3A_796 : vector<16xi32>
      %lt3A_798 = arith.cmpi slt, %add3A_797, %sub3A_720 : vector<16xi32>
      %convert_element_type3A_799 = arith.extui %lt3A_798 : vector<16xi1> to vector<16xi32>
      %add3A_800 = arith.addi %add3A_776, %convert_element_type3A_799 : vector<16xi32>
      %broadcast_in_dim3A_801 = arith.constant 3 : i32
      %broadcast_in_dim3A_802 = vector.broadcast %broadcast_in_dim3A_801 : i32 to vector<16xi32>
      %shift_right_logical3A_803 = arith.shrui %gather3A_722, %broadcast_in_dim3A_802 : vector<16xi32>
      %and3A_804 = arith.andi %shift_right_logical3A_803, %broadcast_in_dim3A_730 : vector<16xi32>
      %mul3A_805 = arith.constant 16 : i32
      %mul3A_806 = vector.broadcast %mul3A_805 : i32 to vector<16xi32>
      %mul3A_807 = arith.muli %min3A_705, %mul3A_806 : vector<16xi32>
      %add3A_808 = arith.constant 3 : i32
      %add3A_809 = vector.broadcast %add3A_808 : i32 to vector<16xi32>
      %add3A_810 = arith.addi %mul3A_807, %add3A_809 : vector<16xi32>
      %ge3A_811 = arith.cmpi sge, %add3A_810, %get3A_31 : vector<16xi32>
      %and3A_812 = arith.andi %and3A_728, %ge3A_811 : vector<16xi1>
      %lt3A_813 = arith.cmpi slt, %add3A_810, %get3A_35 : vector<16xi32>
      %and3A_814 = arith.andi %and3A_812, %lt3A_813 : vector<16xi1>
      %convert_element_type3A_815 = arith.extui %and3A_814 : vector<16xi1> to vector<16xi32>
      %gt3A_816 = arith.constant 0 : i32
      %gt3A_817 = vector.broadcast %gt3A_816 : i32 to vector<16xi32>
      %gt3A_818 = arith.cmpi sgt, %get3A_39, %gt3A_817 : vector<16xi32>
      %sub3A_819 = arith.subi %convert_element_type3A_815, %and3A_804 : vector<16xi32>
      %select_n3A_820 = arith.select %gt3A_818, %sub3A_819, %and3A_804 : vector<16xi1>, vector<16xi32>
      %add3A_821 = arith.addi %add3A_797, %select_n3A_820 : vector<16xi32>
      %lt3A_822 = arith.cmpi slt, %add3A_821, %sub3A_720 : vector<16xi32>
      %convert_element_type3A_823 = arith.extui %lt3A_822 : vector<16xi1> to vector<16xi32>
      %add3A_824 = arith.addi %add3A_800, %convert_element_type3A_823 : vector<16xi32>
      %broadcast_in_dim3A_825 = arith.constant 4 : i32
      %broadcast_in_dim3A_826 = vector.broadcast %broadcast_in_dim3A_825 : i32 to vector<16xi32>
      %shift_right_logical3A_827 = arith.shrui %gather3A_722, %broadcast_in_dim3A_826 : vector<16xi32>
      %and3A_828 = arith.andi %shift_right_logical3A_827, %broadcast_in_dim3A_730 : vector<16xi32>
      %mul3A_829 = arith.constant 16 : i32
      %mul3A_830 = vector.broadcast %mul3A_829 : i32 to vector<16xi32>
      %mul3A_831 = arith.muli %min3A_705, %mul3A_830 : vector<16xi32>
      %add3A_832 = arith.constant 4 : i32
      %add3A_833 = vector.broadcast %add3A_832 : i32 to vector<16xi32>
      %add3A_834 = arith.addi %mul3A_831, %add3A_833 : vector<16xi32>
      %ge3A_835 = arith.cmpi sge, %add3A_834, %get3A_31 : vector<16xi32>
      %and3A_836 = arith.andi %and3A_728, %ge3A_835 : vector<16xi1>
      %lt3A_837 = arith.cmpi slt, %add3A_834, %get3A_35 : vector<16xi32>
      %and3A_838 = arith.andi %and3A_836, %lt3A_837 : vector<16xi1>
      %convert_element_type3A_839 = arith.extui %and3A_838 : vector<16xi1> to vector<16xi32>
      %gt3A_840 = arith.constant 0 : i32
      %gt3A_841 = vector.broadcast %gt3A_840 : i32 to vector<16xi32>
      %gt3A_842 = arith.cmpi sgt, %get3A_39, %gt3A_841 : vector<16xi32>
      %sub3A_843 = arith.subi %convert_element_type3A_839, %and3A_828 : vector<16xi32>
      %select_n3A_844 = arith.select %gt3A_842, %sub3A_843, %and3A_828 : vector<16xi1>, vector<16xi32>
      %add3A_845 = arith.addi %add3A_821, %select_n3A_844 : vector<16xi32>
      %lt3A_846 = arith.cmpi slt, %add3A_845, %sub3A_720 : vector<16xi32>
      %convert_element_type3A_847 = arith.extui %lt3A_846 : vector<16xi1> to vector<16xi32>
      %add3A_848 = arith.addi %add3A_824, %convert_element_type3A_847 : vector<16xi32>
      %broadcast_in_dim3A_849 = arith.constant 5 : i32
      %broadcast_in_dim3A_850 = vector.broadcast %broadcast_in_dim3A_849 : i32 to vector<16xi32>
      %shift_right_logical3A_851 = arith.shrui %gather3A_722, %broadcast_in_dim3A_850 : vector<16xi32>
      %and3A_852 = arith.andi %shift_right_logical3A_851, %broadcast_in_dim3A_730 : vector<16xi32>
      %mul3A_853 = arith.constant 16 : i32
      %mul3A_854 = vector.broadcast %mul3A_853 : i32 to vector<16xi32>
      %mul3A_855 = arith.muli %min3A_705, %mul3A_854 : vector<16xi32>
      %add3A_856 = arith.constant 5 : i32
      %add3A_857 = vector.broadcast %add3A_856 : i32 to vector<16xi32>
      %add3A_858 = arith.addi %mul3A_855, %add3A_857 : vector<16xi32>
      %ge3A_859 = arith.cmpi sge, %add3A_858, %get3A_31 : vector<16xi32>
      %and3A_860 = arith.andi %and3A_728, %ge3A_859 : vector<16xi1>
      %lt3A_861 = arith.cmpi slt, %add3A_858, %get3A_35 : vector<16xi32>
      %and3A_862 = arith.andi %and3A_860, %lt3A_861 : vector<16xi1>
      %convert_element_type3A_863 = arith.extui %and3A_862 : vector<16xi1> to vector<16xi32>
      %gt3A_864 = arith.constant 0 : i32
      %gt3A_865 = vector.broadcast %gt3A_864 : i32 to vector<16xi32>
      %gt3A_866 = arith.cmpi sgt, %get3A_39, %gt3A_865 : vector<16xi32>
      %sub3A_867 = arith.subi %convert_element_type3A_863, %and3A_852 : vector<16xi32>
      %select_n3A_868 = arith.select %gt3A_866, %sub3A_867, %and3A_852 : vector<16xi1>, vector<16xi32>
      %add3A_869 = arith.addi %add3A_845, %select_n3A_868 : vector<16xi32>
      %lt3A_870 = arith.cmpi slt, %add3A_869, %sub3A_720 : vector<16xi32>
      %convert_element_type3A_871 = arith.extui %lt3A_870 : vector<16xi1> to vector<16xi32>
      %add3A_872 = arith.addi %add3A_848, %convert_element_type3A_871 : vector<16xi32>
      %broadcast_in_dim3A_873 = arith.constant 6 : i32
      %broadcast_in_dim3A_874 = vector.broadcast %broadcast_in_dim3A_873 : i32 to vector<16xi32>
      %shift_right_logical3A_875 = arith.shrui %gather3A_722, %broadcast_in_dim3A_874 : vector<16xi32>
      %and3A_876 = arith.andi %shift_right_logical3A_875, %broadcast_in_dim3A_730 : vector<16xi32>
      %mul3A_877 = arith.constant 16 : i32
      %mul3A_878 = vector.broadcast %mul3A_877 : i32 to vector<16xi32>
      %mul3A_879 = arith.muli %min3A_705, %mul3A_878 : vector<16xi32>
      %add3A_880 = arith.constant 6 : i32
      %add3A_881 = vector.broadcast %add3A_880 : i32 to vector<16xi32>
      %add3A_882 = arith.addi %mul3A_879, %add3A_881 : vector<16xi32>
      %ge3A_883 = arith.cmpi sge, %add3A_882, %get3A_31 : vector<16xi32>
      %and3A_884 = arith.andi %and3A_728, %ge3A_883 : vector<16xi1>
      %lt3A_885 = arith.cmpi slt, %add3A_882, %get3A_35 : vector<16xi32>
      %and3A_886 = arith.andi %and3A_884, %lt3A_885 : vector<16xi1>
      %convert_element_type3A_887 = arith.extui %and3A_886 : vector<16xi1> to vector<16xi32>
      %gt3A_888 = arith.constant 0 : i32
      %gt3A_889 = vector.broadcast %gt3A_888 : i32 to vector<16xi32>
      %gt3A_890 = arith.cmpi sgt, %get3A_39, %gt3A_889 : vector<16xi32>
      %sub3A_891 = arith.subi %convert_element_type3A_887, %and3A_876 : vector<16xi32>
      %select_n3A_892 = arith.select %gt3A_890, %sub3A_891, %and3A_876 : vector<16xi1>, vector<16xi32>
      %add3A_893 = arith.addi %add3A_869, %select_n3A_892 : vector<16xi32>
      %lt3A_894 = arith.cmpi slt, %add3A_893, %sub3A_720 : vector<16xi32>
      %convert_element_type3A_895 = arith.extui %lt3A_894 : vector<16xi1> to vector<16xi32>
      %add3A_896 = arith.addi %add3A_872, %convert_element_type3A_895 : vector<16xi32>
      %broadcast_in_dim3A_897 = arith.constant 7 : i32
      %broadcast_in_dim3A_898 = vector.broadcast %broadcast_in_dim3A_897 : i32 to vector<16xi32>
      %shift_right_logical3A_899 = arith.shrui %gather3A_722, %broadcast_in_dim3A_898 : vector<16xi32>
      %and3A_900 = arith.andi %shift_right_logical3A_899, %broadcast_in_dim3A_730 : vector<16xi32>
      %mul3A_901 = arith.constant 16 : i32
      %mul3A_902 = vector.broadcast %mul3A_901 : i32 to vector<16xi32>
      %mul3A_903 = arith.muli %min3A_705, %mul3A_902 : vector<16xi32>
      %add3A_904 = arith.constant 7 : i32
      %add3A_905 = vector.broadcast %add3A_904 : i32 to vector<16xi32>
      %add3A_906 = arith.addi %mul3A_903, %add3A_905 : vector<16xi32>
      %ge3A_907 = arith.cmpi sge, %add3A_906, %get3A_31 : vector<16xi32>
      %and3A_908 = arith.andi %and3A_728, %ge3A_907 : vector<16xi1>
      %lt3A_909 = arith.cmpi slt, %add3A_906, %get3A_35 : vector<16xi32>
      %and3A_910 = arith.andi %and3A_908, %lt3A_909 : vector<16xi1>
      %convert_element_type3A_911 = arith.extui %and3A_910 : vector<16xi1> to vector<16xi32>
      %gt3A_912 = arith.constant 0 : i32
      %gt3A_913 = vector.broadcast %gt3A_912 : i32 to vector<16xi32>
      %gt3A_914 = arith.cmpi sgt, %get3A_39, %gt3A_913 : vector<16xi32>
      %sub3A_915 = arith.subi %convert_element_type3A_911, %and3A_900 : vector<16xi32>
      %select_n3A_916 = arith.select %gt3A_914, %sub3A_915, %and3A_900 : vector<16xi1>, vector<16xi32>
      %add3A_917 = arith.addi %add3A_893, %select_n3A_916 : vector<16xi32>
      %lt3A_918 = arith.cmpi slt, %add3A_917, %sub3A_720 : vector<16xi32>
      %convert_element_type3A_919 = arith.extui %lt3A_918 : vector<16xi1> to vector<16xi32>
      %add3A_920 = arith.addi %add3A_896, %convert_element_type3A_919 : vector<16xi32>
      %broadcast_in_dim3A_921 = arith.constant 8 : i32
      %broadcast_in_dim3A_922 = vector.broadcast %broadcast_in_dim3A_921 : i32 to vector<16xi32>
      %shift_right_logical3A_923 = arith.shrui %gather3A_722, %broadcast_in_dim3A_922 : vector<16xi32>
      %and3A_924 = arith.andi %shift_right_logical3A_923, %broadcast_in_dim3A_730 : vector<16xi32>
      %mul3A_925 = arith.constant 16 : i32
      %mul3A_926 = vector.broadcast %mul3A_925 : i32 to vector<16xi32>
      %mul3A_927 = arith.muli %min3A_705, %mul3A_926 : vector<16xi32>
      %add3A_928 = arith.constant 8 : i32
      %add3A_929 = vector.broadcast %add3A_928 : i32 to vector<16xi32>
      %add3A_930 = arith.addi %mul3A_927, %add3A_929 : vector<16xi32>
      %ge3A_931 = arith.cmpi sge, %add3A_930, %get3A_31 : vector<16xi32>
      %and3A_932 = arith.andi %and3A_728, %ge3A_931 : vector<16xi1>
      %lt3A_933 = arith.cmpi slt, %add3A_930, %get3A_35 : vector<16xi32>
      %and3A_934 = arith.andi %and3A_932, %lt3A_933 : vector<16xi1>
      %convert_element_type3A_935 = arith.extui %and3A_934 : vector<16xi1> to vector<16xi32>
      %gt3A_936 = arith.constant 0 : i32
      %gt3A_937 = vector.broadcast %gt3A_936 : i32 to vector<16xi32>
      %gt3A_938 = arith.cmpi sgt, %get3A_39, %gt3A_937 : vector<16xi32>
      %sub3A_939 = arith.subi %convert_element_type3A_935, %and3A_924 : vector<16xi32>
      %select_n3A_940 = arith.select %gt3A_938, %sub3A_939, %and3A_924 : vector<16xi1>, vector<16xi32>
      %add3A_941 = arith.addi %add3A_917, %select_n3A_940 : vector<16xi32>
      %lt3A_942 = arith.cmpi slt, %add3A_941, %sub3A_720 : vector<16xi32>
      %convert_element_type3A_943 = arith.extui %lt3A_942 : vector<16xi1> to vector<16xi32>
      %add3A_944 = arith.addi %add3A_920, %convert_element_type3A_943 : vector<16xi32>
      %broadcast_in_dim3A_945 = arith.constant 9 : i32
      %broadcast_in_dim3A_946 = vector.broadcast %broadcast_in_dim3A_945 : i32 to vector<16xi32>
      %shift_right_logical3A_947 = arith.shrui %gather3A_722, %broadcast_in_dim3A_946 : vector<16xi32>
      %and3A_948 = arith.andi %shift_right_logical3A_947, %broadcast_in_dim3A_730 : vector<16xi32>
      %mul3A_949 = arith.constant 16 : i32
      %mul3A_950 = vector.broadcast %mul3A_949 : i32 to vector<16xi32>
      %mul3A_951 = arith.muli %min3A_705, %mul3A_950 : vector<16xi32>
      %add3A_952 = arith.constant 9 : i32
      %add3A_953 = vector.broadcast %add3A_952 : i32 to vector<16xi32>
      %add3A_954 = arith.addi %mul3A_951, %add3A_953 : vector<16xi32>
      %ge3A_955 = arith.cmpi sge, %add3A_954, %get3A_31 : vector<16xi32>
      %and3A_956 = arith.andi %and3A_728, %ge3A_955 : vector<16xi1>
      %lt3A_957 = arith.cmpi slt, %add3A_954, %get3A_35 : vector<16xi32>
      %and3A_958 = arith.andi %and3A_956, %lt3A_957 : vector<16xi1>
      %convert_element_type3A_959 = arith.extui %and3A_958 : vector<16xi1> to vector<16xi32>
      %gt3A_960 = arith.constant 0 : i32
      %gt3A_961 = vector.broadcast %gt3A_960 : i32 to vector<16xi32>
      %gt3A_962 = arith.cmpi sgt, %get3A_39, %gt3A_961 : vector<16xi32>
      %sub3A_963 = arith.subi %convert_element_type3A_959, %and3A_948 : vector<16xi32>
      %select_n3A_964 = arith.select %gt3A_962, %sub3A_963, %and3A_948 : vector<16xi1>, vector<16xi32>
      %add3A_965 = arith.addi %add3A_941, %select_n3A_964 : vector<16xi32>
      %lt3A_966 = arith.cmpi slt, %add3A_965, %sub3A_720 : vector<16xi32>
      %convert_element_type3A_967 = arith.extui %lt3A_966 : vector<16xi1> to vector<16xi32>
      %add3A_968 = arith.addi %add3A_944, %convert_element_type3A_967 : vector<16xi32>
      %broadcast_in_dim3A_969 = arith.constant 10 : i32
      %broadcast_in_dim3A_970 = vector.broadcast %broadcast_in_dim3A_969 : i32 to vector<16xi32>
      %shift_right_logical3A_971 = arith.shrui %gather3A_722, %broadcast_in_dim3A_970 : vector<16xi32>
      %and3A_972 = arith.andi %shift_right_logical3A_971, %broadcast_in_dim3A_730 : vector<16xi32>
      %mul3A_973 = arith.constant 16 : i32
      %mul3A_974 = vector.broadcast %mul3A_973 : i32 to vector<16xi32>
      %mul3A_975 = arith.muli %min3A_705, %mul3A_974 : vector<16xi32>
      %add3A_976 = arith.constant 10 : i32
      %add3A_977 = vector.broadcast %add3A_976 : i32 to vector<16xi32>
      %add3A_978 = arith.addi %mul3A_975, %add3A_977 : vector<16xi32>
      %ge3A_979 = arith.cmpi sge, %add3A_978, %get3A_31 : vector<16xi32>
      %and3A_980 = arith.andi %and3A_728, %ge3A_979 : vector<16xi1>
      %lt3A_981 = arith.cmpi slt, %add3A_978, %get3A_35 : vector<16xi32>
      %and3A_982 = arith.andi %and3A_980, %lt3A_981 : vector<16xi1>
      %convert_element_type3A_983 = arith.extui %and3A_982 : vector<16xi1> to vector<16xi32>
      %gt3A_984 = arith.constant 0 : i32
      %gt3A_985 = vector.broadcast %gt3A_984 : i32 to vector<16xi32>
      %gt3A_986 = arith.cmpi sgt, %get3A_39, %gt3A_985 : vector<16xi32>
      %sub3A_987 = arith.subi %convert_element_type3A_983, %and3A_972 : vector<16xi32>
      %select_n3A_988 = arith.select %gt3A_986, %sub3A_987, %and3A_972 : vector<16xi1>, vector<16xi32>
      %add3A_989 = arith.addi %add3A_965, %select_n3A_988 : vector<16xi32>
      %lt3A_990 = arith.cmpi slt, %add3A_989, %sub3A_720 : vector<16xi32>
      %convert_element_type3A_991 = arith.extui %lt3A_990 : vector<16xi1> to vector<16xi32>
      %add3A_992 = arith.addi %add3A_968, %convert_element_type3A_991 : vector<16xi32>
      %broadcast_in_dim3A_993 = arith.constant 11 : i32
      %broadcast_in_dim3A_994 = vector.broadcast %broadcast_in_dim3A_993 : i32 to vector<16xi32>
      %shift_right_logical3A_995 = arith.shrui %gather3A_722, %broadcast_in_dim3A_994 : vector<16xi32>
      %and3A_996 = arith.andi %shift_right_logical3A_995, %broadcast_in_dim3A_730 : vector<16xi32>
      %mul3A_997 = arith.constant 16 : i32
      %mul3A_998 = vector.broadcast %mul3A_997 : i32 to vector<16xi32>
      %mul3A_999 = arith.muli %min3A_705, %mul3A_998 : vector<16xi32>
      %add3A_1000 = arith.constant 11 : i32
      %add3A_1001 = vector.broadcast %add3A_1000 : i32 to vector<16xi32>
      %add3A_1002 = arith.addi %mul3A_999, %add3A_1001 : vector<16xi32>
      %ge3A_1003 = arith.cmpi sge, %add3A_1002, %get3A_31 : vector<16xi32>
      %and3A_1004 = arith.andi %and3A_728, %ge3A_1003 : vector<16xi1>
      %lt3A_1005 = arith.cmpi slt, %add3A_1002, %get3A_35 : vector<16xi32>
      %and3A_1006 = arith.andi %and3A_1004, %lt3A_1005 : vector<16xi1>
      %convert_element_type3A_1007 = arith.extui %and3A_1006 : vector<16xi1> to vector<16xi32>
      %gt3A_1008 = arith.constant 0 : i32
      %gt3A_1009 = vector.broadcast %gt3A_1008 : i32 to vector<16xi32>
      %gt3A_1010 = arith.cmpi sgt, %get3A_39, %gt3A_1009 : vector<16xi32>
      %sub3A_1011 = arith.subi %convert_element_type3A_1007, %and3A_996 : vector<16xi32>
      %select_n3A_1012 = arith.select %gt3A_1010, %sub3A_1011, %and3A_996 : vector<16xi1>, vector<16xi32>
      %add3A_1013 = arith.addi %add3A_989, %select_n3A_1012 : vector<16xi32>
      %lt3A_1014 = arith.cmpi slt, %add3A_1013, %sub3A_720 : vector<16xi32>
      %convert_element_type3A_1015 = arith.extui %lt3A_1014 : vector<16xi1> to vector<16xi32>
      %add3A_1016 = arith.addi %add3A_992, %convert_element_type3A_1015 : vector<16xi32>
      %broadcast_in_dim3A_1017 = arith.constant 12 : i32
      %broadcast_in_dim3A_1018 = vector.broadcast %broadcast_in_dim3A_1017 : i32 to vector<16xi32>
      %shift_right_logical3A_1019 = arith.shrui %gather3A_722, %broadcast_in_dim3A_1018 : vector<16xi32>
      %and3A_1020 = arith.andi %shift_right_logical3A_1019, %broadcast_in_dim3A_730 : vector<16xi32>
      %mul3A_1021 = arith.constant 16 : i32
      %mul3A_1022 = vector.broadcast %mul3A_1021 : i32 to vector<16xi32>
      %mul3A_1023 = arith.muli %min3A_705, %mul3A_1022 : vector<16xi32>
      %add3A_1024 = arith.constant 12 : i32
      %add3A_1025 = vector.broadcast %add3A_1024 : i32 to vector<16xi32>
      %add3A_1026 = arith.addi %mul3A_1023, %add3A_1025 : vector<16xi32>
      %ge3A_1027 = arith.cmpi sge, %add3A_1026, %get3A_31 : vector<16xi32>
      %and3A_1028 = arith.andi %and3A_728, %ge3A_1027 : vector<16xi1>
      %lt3A_1029 = arith.cmpi slt, %add3A_1026, %get3A_35 : vector<16xi32>
      %and3A_1030 = arith.andi %and3A_1028, %lt3A_1029 : vector<16xi1>
      %convert_element_type3A_1031 = arith.extui %and3A_1030 : vector<16xi1> to vector<16xi32>
      %gt3A_1032 = arith.constant 0 : i32
      %gt3A_1033 = vector.broadcast %gt3A_1032 : i32 to vector<16xi32>
      %gt3A_1034 = arith.cmpi sgt, %get3A_39, %gt3A_1033 : vector<16xi32>
      %sub3A_1035 = arith.subi %convert_element_type3A_1031, %and3A_1020 : vector<16xi32>
      %select_n3A_1036 = arith.select %gt3A_1034, %sub3A_1035, %and3A_1020 : vector<16xi1>, vector<16xi32>
      %add3A_1037 = arith.addi %add3A_1013, %select_n3A_1036 : vector<16xi32>
      %lt3A_1038 = arith.cmpi slt, %add3A_1037, %sub3A_720 : vector<16xi32>
      %convert_element_type3A_1039 = arith.extui %lt3A_1038 : vector<16xi1> to vector<16xi32>
      %add3A_1040 = arith.addi %add3A_1016, %convert_element_type3A_1039 : vector<16xi32>
      %broadcast_in_dim3A_1041 = arith.constant 13 : i32
      %broadcast_in_dim3A_1042 = vector.broadcast %broadcast_in_dim3A_1041 : i32 to vector<16xi32>
      %shift_right_logical3A_1043 = arith.shrui %gather3A_722, %broadcast_in_dim3A_1042 : vector<16xi32>
      %and3A_1044 = arith.andi %shift_right_logical3A_1043, %broadcast_in_dim3A_730 : vector<16xi32>
      %mul3A_1045 = arith.constant 16 : i32
      %mul3A_1046 = vector.broadcast %mul3A_1045 : i32 to vector<16xi32>
      %mul3A_1047 = arith.muli %min3A_705, %mul3A_1046 : vector<16xi32>
      %add3A_1048 = arith.constant 13 : i32
      %add3A_1049 = vector.broadcast %add3A_1048 : i32 to vector<16xi32>
      %add3A_1050 = arith.addi %mul3A_1047, %add3A_1049 : vector<16xi32>
      %ge3A_1051 = arith.cmpi sge, %add3A_1050, %get3A_31 : vector<16xi32>
      %and3A_1052 = arith.andi %and3A_728, %ge3A_1051 : vector<16xi1>
      %lt3A_1053 = arith.cmpi slt, %add3A_1050, %get3A_35 : vector<16xi32>
      %and3A_1054 = arith.andi %and3A_1052, %lt3A_1053 : vector<16xi1>
      %convert_element_type3A_1055 = arith.extui %and3A_1054 : vector<16xi1> to vector<16xi32>
      %gt3A_1056 = arith.constant 0 : i32
      %gt3A_1057 = vector.broadcast %gt3A_1056 : i32 to vector<16xi32>
      %gt3A_1058 = arith.cmpi sgt, %get3A_39, %gt3A_1057 : vector<16xi32>
      %sub3A_1059 = arith.subi %convert_element_type3A_1055, %and3A_1044 : vector<16xi32>
      %select_n3A_1060 = arith.select %gt3A_1058, %sub3A_1059, %and3A_1044 : vector<16xi1>, vector<16xi32>
      %add3A_1061 = arith.addi %add3A_1037, %select_n3A_1060 : vector<16xi32>
      %lt3A_1062 = arith.cmpi slt, %add3A_1061, %sub3A_720 : vector<16xi32>
      %convert_element_type3A_1063 = arith.extui %lt3A_1062 : vector<16xi1> to vector<16xi32>
      %add3A_1064 = arith.addi %add3A_1040, %convert_element_type3A_1063 : vector<16xi32>
      %broadcast_in_dim3A_1065 = arith.constant 14 : i32
      %broadcast_in_dim3A_1066 = vector.broadcast %broadcast_in_dim3A_1065 : i32 to vector<16xi32>
      %shift_right_logical3A_1067 = arith.shrui %gather3A_722, %broadcast_in_dim3A_1066 : vector<16xi32>
      %and3A_1068 = arith.andi %shift_right_logical3A_1067, %broadcast_in_dim3A_730 : vector<16xi32>
      %mul3A_1069 = arith.constant 16 : i32
      %mul3A_1070 = vector.broadcast %mul3A_1069 : i32 to vector<16xi32>
      %mul3A_1071 = arith.muli %min3A_705, %mul3A_1070 : vector<16xi32>
      %add3A_1072 = arith.constant 14 : i32
      %add3A_1073 = vector.broadcast %add3A_1072 : i32 to vector<16xi32>
      %add3A_1074 = arith.addi %mul3A_1071, %add3A_1073 : vector<16xi32>
      %ge3A_1075 = arith.cmpi sge, %add3A_1074, %get3A_31 : vector<16xi32>
      %and3A_1076 = arith.andi %and3A_728, %ge3A_1075 : vector<16xi1>
      %lt3A_1077 = arith.cmpi slt, %add3A_1074, %get3A_35 : vector<16xi32>
      %and3A_1078 = arith.andi %and3A_1076, %lt3A_1077 : vector<16xi1>
      %convert_element_type3A_1079 = arith.extui %and3A_1078 : vector<16xi1> to vector<16xi32>
      %gt3A_1080 = arith.constant 0 : i32
      %gt3A_1081 = vector.broadcast %gt3A_1080 : i32 to vector<16xi32>
      %gt3A_1082 = arith.cmpi sgt, %get3A_39, %gt3A_1081 : vector<16xi32>
      %sub3A_1083 = arith.subi %convert_element_type3A_1079, %and3A_1068 : vector<16xi32>
      %select_n3A_1084 = arith.select %gt3A_1082, %sub3A_1083, %and3A_1068 : vector<16xi1>, vector<16xi32>
      %add3A_1085 = arith.addi %add3A_1061, %select_n3A_1084 : vector<16xi32>
      %lt3A_1086 = arith.cmpi slt, %add3A_1085, %sub3A_720 : vector<16xi32>
      %convert_element_type3A_1087 = arith.extui %lt3A_1086 : vector<16xi1> to vector<16xi32>
      %add3A_1088 = arith.addi %add3A_1064, %convert_element_type3A_1087 : vector<16xi32>
      %broadcast_in_dim3A_1089 = arith.constant 15 : i32
      %broadcast_in_dim3A_1090 = vector.broadcast %broadcast_in_dim3A_1089 : i32 to vector<16xi32>
      %shift_right_logical3A_1091 = arith.shrui %gather3A_722, %broadcast_in_dim3A_1090 : vector<16xi32>
      %and3A_1092 = arith.andi %shift_right_logical3A_1091, %broadcast_in_dim3A_730 : vector<16xi32>
      %mul3A_1093 = arith.constant 16 : i32
      %mul3A_1094 = vector.broadcast %mul3A_1093 : i32 to vector<16xi32>
      %mul3A_1095 = arith.muli %min3A_705, %mul3A_1094 : vector<16xi32>
      %add3A_1096 = arith.constant 15 : i32
      %add3A_1097 = vector.broadcast %add3A_1096 : i32 to vector<16xi32>
      %add3A_1098 = arith.addi %mul3A_1095, %add3A_1097 : vector<16xi32>
      %ge3A_1099 = arith.cmpi sge, %add3A_1098, %get3A_31 : vector<16xi32>
      %and3A_1100 = arith.andi %and3A_728, %ge3A_1099 : vector<16xi1>
      %lt3A_1101 = arith.cmpi slt, %add3A_1098, %get3A_35 : vector<16xi32>
      %and3A_1102 = arith.andi %and3A_1100, %lt3A_1101 : vector<16xi1>
      %convert_element_type3A_1103 = arith.extui %and3A_1102 : vector<16xi1> to vector<16xi32>
      %gt3A_1104 = arith.constant 0 : i32
      %gt3A_1105 = vector.broadcast %gt3A_1104 : i32 to vector<16xi32>
      %gt3A_1106 = arith.cmpi sgt, %get3A_39, %gt3A_1105 : vector<16xi32>
      %sub3A_1107 = arith.subi %convert_element_type3A_1103, %and3A_1092 : vector<16xi32>
      %select_n3A_1108 = arith.select %gt3A_1106, %sub3A_1107, %and3A_1092 : vector<16xi1>, vector<16xi32>
      %add3A_1109 = arith.addi %add3A_1085, %select_n3A_1108 : vector<16xi32>
      %lt3A_1110 = arith.cmpi slt, %add3A_1109, %sub3A_720 : vector<16xi32>
      %convert_element_type3A_1111 = arith.extui %lt3A_1110 : vector<16xi1> to vector<16xi32>
      %add3A_1112 = arith.addi %add3A_1088, %convert_element_type3A_1111 : vector<16xi32>
      %mul3A_1113 = arith.constant 16 : i32
      %mul3A_1114 = vector.broadcast %mul3A_1113 : i32 to vector<16xi32>
      %mul3A_1115 = arith.muli %min3A_705, %mul3A_1114 : vector<16xi32>
      %add3A_1116 = arith.addi %mul3A_1115, %add3A_1112 : vector<16xi32>
      %min3A_1117 = arith.constant 511 : i32
      %min3A_1118 = vector.broadcast %min3A_1117 : i32 to vector<16xi32>
      %min3A_1119 = arith.minsi %add3A_1116, %min3A_1118 : vector<16xi32>
      %swap3A = arith.index_cast %mul3A_540 : i32 to index
      %swap3A_1120 = tpu.vector_load %arg17[%swap3A] {strides = array<i32>} : memref<2048xi32, #tpu.memory_space<vmem>>, vector<16xi32>,
      tpu.vector_store %arg17[%swap3A], %min3A_635 {strides = array<i32>} : memref<2048xi32, #tpu.memory_space<vmem>>, vector<16xi32>,
      %swap3A_1121 = arith.index_cast %mul3A_540 : i32 to index
      %swap3A_1122 = tpu.vector_load %arg19[%swap3A_1121] {strides = array<i32>} : memref<2048xi32, #tpu.memory_space<vmem>>, vector<16xi32>,
      tpu.vector_store %arg19[%swap3A_1121], %min3A_1119 {strides = array<i32>} : memref<2048xi32, #tpu.memory_space<vmem>>, vector<16xi32>,
      %mul3A_1123 = arith.constant 512 : i32
      %mul3A_1124 = vector.broadcast %mul3A_1123 : i32 to vector<16xi32>
      %mul3A_1125 = arith.muli %min3A_635, %mul3A_1124 : vector<16xi32>
      %add3A_1126 = arith.addi %mul3A_1125, %min3A_1119 : vector<16xi32>
      %swap3A_1127 = arith.index_cast %mul3A_540 : i32 to index
      %swap3A_1128 = tpu.vector_load %arg18[%swap3A_1127] {strides = array<i32>} : memref<2048xi32, #tpu.memory_space<vmem>>, vector<16xi32>,
      tpu.vector_store %arg18[%swap3A_1127], %add3A_1126 {strides = array<i32>} : memref<2048xi32, #tpu.memory_space<vmem>>, vector<16xi32>,
    }
    %scan3A_60 = arith.constant 128 : i32
    %dma_start3A = arith.constant 0 : i32
    %dma_start3A_61 = arith.constant 0 : i32
    %dma_start3A_62 = tpu.memref_slice %arg20[%dma_start3A, %dma_start3A_61] : memref<2048x3xf32, #tpu.memory_space<vmem>> -> memref<128x3xf32, #tpu.memory_space<vmem>>
    %dma_start3A_63 = arith.constant 0 : i32
    %dma_start3A_64 = tpu.memref_slice %arg18[%dma_start3A_63] : memref<2048xi32, #tpu.memory_space<vmem>> -> memref<128xi32, #tpu.memory_space<vmem>>
    %dma_start3A_65 = arith.constant 0 : i32
    %dma_start3A_66 = arith.constant 0 : i32
    %dma_start3A_67 = tpu.memref_slice %arg9[%dma_start3A_65, %dma_start3A_66] : memref<262144x3xf32, #tpu.memory_space<hbm>> -> memref<262144x3xf32, #tpu.memory_space<hbm>>
    tpu.enqueue_indirect_dma source(%dma_start3A_67 : memref<262144x3xf32, #tpu.memory_space<hbm>>) target(%dma_start3A_62 : memref<128x3xf32, #tpu.memory_space<vmem>>) offsets(%dma_start3A_64 : memref<128xi32, #tpu.memory_space<vmem>>) semaphore(%arg25 : memref<!tpu.dma_semaphore, #tpu.memory_space<semaphore_mem>>)
    %dma_start3A_68 = arith.constant 0 : i32
    %dma_start3A_69 = tpu.memref_slice %arg21[%dma_start3A_68] : memref<2048xf32, #tpu.memory_space<vmem>> -> memref<128xf32, #tpu.memory_space<vmem>>
    %dma_start3A_70 = arith.constant 0 : i32
    %dma_start3A_71 = tpu.memref_slice %arg18[%dma_start3A_70] : memref<2048xi32, #tpu.memory_space<vmem>> -> memref<128xi32, #tpu.memory_space<vmem>>
    %dma_start3A_72 = arith.constant 0 : i32
    %dma_start3A_73 = tpu.memref_slice %arg10[%dma_start3A_72] : memref<262144xf32, #tpu.memory_space<hbm>> -> memref<262144xf32, #tpu.memory_space<hbm>>
    tpu.enqueue_indirect_dma source(%dma_start3A_73 : memref<262144xf32, #tpu.memory_space<hbm>>) target(%dma_start3A_69 : memref<128xf32, #tpu.memory_space<vmem>>) offsets(%dma_start3A_71 : memref<128xi32, #tpu.memory_space<vmem>>) semaphore(%arg25 : memref<!tpu.dma_semaphore, #tpu.memory_space<semaphore_mem>>)
    %dma_start3A_74 = arith.constant 128 : i32
    %dma_start3A_75 = arith.constant 0 : i32
    %dma_start3A_76 = tpu.memref_slice %arg20[%dma_start3A_74, %dma_start3A_75] : memref<2048x3xf32, #tpu.memory_space<vmem>> -> memref<128x3xf32, #tpu.memory_space<vmem>>
    %dma_start3A_77 = arith.constant 128 : i32
    %dma_start3A_78 = tpu.memref_slice %arg18[%dma_start3A_77] : memref<2048xi32, #tpu.memory_space<vmem>> -> memref<128xi32, #tpu.memory_space<vmem>>
    %dma_start3A_79 = arith.constant 0 : i32
    %dma_start3A_80 = arith.constant 0 : i32
    %dma_start3A_81 = tpu.memref_slice %arg9[%dma_start3A_79, %dma_start3A_80] : memref<262144x3xf32, #tpu.memory_space<hbm>> -> memref<262144x3xf32, #tpu.memory_space<hbm>>
    tpu.enqueue_indirect_dma source(%dma_start3A_81 : memref<262144x3xf32, #tpu.memory_space<hbm>>) target(%dma_start3A_76 : memref<128x3xf32, #tpu.memory_space<vmem>>) offsets(%dma_start3A_78 : memref<128xi32, #tpu.memory_space<vmem>>) semaphore(%arg25 : memref<!tpu.dma_semaphore, #tpu.memory_space<semaphore_mem>>)
    %dma_start3A_82 = arith.constant 128 : i32
    %dma_start3A_83 = tpu.memref_slice %arg21[%dma_start3A_82] : memref<2048xf32, #tpu.memory_space<vmem>> -> memref<128xf32, #tpu.memory_space<vmem>>
    %dma_start3A_84 = arith.constant 128 : i32
    %dma_start3A_85 = tpu.memref_slice %arg18[%dma_start3A_84] : memref<2048xi32, #tpu.memory_space<vmem>> -> memref<128xi32, #tpu.memory_space<vmem>>
    %dma_start3A_86 = arith.constant 0 : i32
    %dma_start3A_87 = tpu.memref_slice %arg10[%dma_start3A_86] : memref<262144xf32, #tpu.memory_space<hbm>> -> memref<262144xf32, #tpu.memory_space<hbm>>
    tpu.enqueue_indirect_dma source(%dma_start3A_87 : memref<262144xf32, #tpu.memory_space<hbm>>) target(%dma_start3A_83 : memref<128xf32, #tpu.memory_space<vmem>>) offsets(%dma_start3A_85 : memref<128xi32, #tpu.memory_space<vmem>>) semaphore(%arg25 : memref<!tpu.dma_semaphore, #tpu.memory_space<semaphore_mem>>)
    %dma_start3A_88 = arith.constant 256 : i32
    %dma_start3A_89 = arith.constant 0 : i32
    %dma_start3A_90 = tpu.memref_slice %arg20[%dma_start3A_88, %dma_start3A_89] : memref<2048x3xf32, #tpu.memory_space<vmem>> -> memref<128x3xf32, #tpu.memory_space<vmem>>
    %dma_start3A_91 = arith.constant 256 : i32
    %dma_start3A_92 = tpu.memref_slice %arg18[%dma_start3A_91] : memref<2048xi32, #tpu.memory_space<vmem>> -> memref<128xi32, #tpu.memory_space<vmem>>
    %dma_start3A_93 = arith.constant 0 : i32
    %dma_start3A_94 = arith.constant 0 : i32
    %dma_start3A_95 = tpu.memref_slice %arg9[%dma_start3A_93, %dma_start3A_94] : memref<262144x3xf32, #tpu.memory_space<hbm>> -> memref<262144x3xf32, #tpu.memory_space<hbm>>
    tpu.enqueue_indirect_dma source(%dma_start3A_95 : memref<262144x3xf32, #tpu.memory_space<hbm>>) target(%dma_start3A_90 : memref<128x3xf32, #tpu.memory_space<vmem>>) offsets(%dma_start3A_92 : memref<128xi32, #tpu.memory_space<vmem>>) semaphore(%arg25 : memref<!tpu.dma_semaphore, #tpu.memory_space<semaphore_mem>>)
    %dma_start3A_96 = arith.constant 256 : i32
    %dma_start3A_97 = tpu.memref_slice %arg21[%dma_start3A_96] : memref<2048xf32, #tpu.memory_space<vmem>> -> memref<128xf32, #tpu.memory_space<vmem>>
    %dma_start3A_98 = arith.constant 256 : i32
    %dma_start3A_99 = tpu.memref_slice %arg18[%dma_start3A_98] : memref<2048xi32, #tpu.memory_space<vmem>> -> memref<128xi32, #tpu.memory_space<vmem>>
    %dma_start3A_100 = arith.constant 0 : i32
    %dma_start3A_101 = tpu.memref_slice %arg10[%dma_start3A_100] : memref<262144xf32, #tpu.memory_space<hbm>> -> memref<262144xf32, #tpu.memory_space<hbm>>
    tpu.enqueue_indirect_dma source(%dma_start3A_101 : memref<262144xf32, #tpu.memory_space<hbm>>) target(%dma_start3A_97 : memref<128xf32, #tpu.memory_space<vmem>>) offsets(%dma_start3A_99 : memref<128xi32, #tpu.memory_space<vmem>>) semaphore(%arg25 : memref<!tpu.dma_semaphore, #tpu.memory_space<semaphore_mem>>)
    %dma_start3A_102 = arith.constant 384 : i32
    %dma_start3A_103 = arith.constant 0 : i32
    %dma_start3A_104 = tpu.memref_slice %arg20[%dma_start3A_102, %dma_start3A_103] : memref<2048x3xf32, #tpu.memory_space<vmem>> -> memref<128x3xf32, #tpu.memory_space<vmem>>
    %dma_start3A_105 = arith.constant 384 : i32
    %dma_start3A_106 = tpu.memref_slice %arg18[%dma_start3A_105] : memref<2048xi32, #tpu.memory_space<vmem>> -> memref<128xi32, #tpu.memory_space<vmem>>
    %dma_start3A_107 = arith.constant 0 : i32
    %dma_start3A_108 = arith.constant 0 : i32
    %dma_start3A_109 = tpu.memref_slice %arg9[%dma_start3A_107, %dma_start3A_108] : memref<262144x3xf32, #tpu.memory_space<hbm>> -> memref<262144x3xf32, #tpu.memory_space<hbm>>
    tpu.enqueue_indirect_dma source(%dma_start3A_109 : memref<262144x3xf32, #tpu.memory_space<hbm>>) target(%dma_start3A_104 : memref<128x3xf32, #tpu.memory_space<vmem>>) offsets(%dma_start3A_106 : memref<128xi32, #tpu.memory_space<vmem>>) semaphore(%arg25 : memref<!tpu.dma_semaphore, #tpu.memory_space<semaphore_mem>>)
    %dma_start3A_110 = arith.constant 384 : i32
    %dma_start3A_111 = tpu.memref_slice %arg21[%dma_start3A_110] : memref<2048xf32, #tpu.memory_space<vmem>> -> memref<128xf32, #tpu.memory_space<vmem>>
    %dma_start3A_112 = arith.constant 384 : i32
    %dma_start3A_113 = tpu.memref_slice %arg18[%dma_start3A_112] : memref<2048xi32, #tpu.memory_space<vmem>> -> memref<128xi32, #tpu.memory_space<vmem>>
    %dma_start3A_114 = arith.constant 0 : i32
    %dma_start3A_115 = tpu.memref_slice %arg10[%dma_start3A_114] : memref<262144xf32, #tpu.memory_space<hbm>> -> memref<262144xf32, #tpu.memory_space<hbm>>
    tpu.enqueue_indirect_dma source(%dma_start3A_115 : memref<262144xf32, #tpu.memory_space<hbm>>) target(%dma_start3A_111 : memref<128xf32, #tpu.memory_space<vmem>>) offsets(%dma_start3A_113 : memref<128xi32, #tpu.memory_space<vmem>>) semaphore(%arg25 : memref<!tpu.dma_semaphore, #tpu.memory_space<semaphore_mem>>)
    %dma_start3A_116 = arith.constant 512 : i32
    %dma_start3A_117 = arith.constant 0 : i32
    %dma_start3A_118 = tpu.memref_slice %arg20[%dma_start3A_116, %dma_start3A_117] : memref<2048x3xf32, #tpu.memory_space<vmem>> -> memref<128x3xf32, #tpu.memory_space<vmem>>
    %dma_start3A_119 = arith.constant 512 : i32
    %dma_start3A_120 = tpu.memref_slice %arg18[%dma_start3A_119] : memref<2048xi32, #tpu.memory_space<vmem>> -> memref<128xi32, #tpu.memory_space<vmem>>
    %dma_start3A_121 = arith.constant 0 : i32
    %dma_start3A_122 = arith.constant 0 : i32
    %dma_start3A_123 = tpu.memref_slice %arg9[%dma_start3A_121, %dma_start3A_122] : memref<262144x3xf32, #tpu.memory_space<hbm>> -> memref<262144x3xf32, #tpu.memory_space<hbm>>
    tpu.enqueue_indirect_dma source(%dma_start3A_123 : memref<262144x3xf32, #tpu.memory_space<hbm>>) target(%dma_start3A_118 : memref<128x3xf32, #tpu.memory_space<vmem>>) offsets(%dma_start3A_120 : memref<128xi32, #tpu.memory_space<vmem>>) semaphore(%arg25 : memref<!tpu.dma_semaphore, #tpu.memory_space<semaphore_mem>>)
    %dma_start3A_124 = arith.constant 512 : i32
    %dma_start3A_125 = tpu.memref_slice %arg21[%dma_start3A_124] : memref<2048xf32, #tpu.memory_space<vmem>> -> memref<128xf32, #tpu.memory_space<vmem>>
    %dma_start3A_126 = arith.constant 512 : i32
    %dma_start3A_127 = tpu.memref_slice %arg18[%dma_start3A_126] : memref<2048xi32, #tpu.memory_space<vmem>> -> memref<128xi32, #tpu.memory_space<vmem>>
    %dma_start3A_128 = arith.constant 0 : i32
    %dma_start3A_129 = tpu.memref_slice %arg10[%dma_start3A_128] : memref<262144xf32, #tpu.memory_space<hbm>> -> memref<262144xf32, #tpu.memory_space<hbm>>
    tpu.enqueue_indirect_dma source(%dma_start3A_129 : memref<262144xf32, #tpu.memory_space<hbm>>) target(%dma_start3A_125 : memref<128xf32, #tpu.memory_space<vmem>>) offsets(%dma_start3A_127 : memref<128xi32, #tpu.memory_space<vmem>>) semaphore(%arg25 : memref<!tpu.dma_semaphore, #tpu.memory_space<semaphore_mem>>)
    %dma_start3A_130 = arith.constant 640 : i32
    %dma_start3A_131 = arith.constant 0 : i32
    %dma_start3A_132 = tpu.memref_slice %arg20[%dma_start3A_130, %dma_start3A_131] : memref<2048x3xf32, #tpu.memory_space<vmem>> -> memref<128x3xf32, #tpu.memory_space<vmem>>
    %dma_start3A_133 = arith.constant 640 : i32
    %dma_start3A_134 = tpu.memref_slice %arg18[%dma_start3A_133] : memref<2048xi32, #tpu.memory_space<vmem>> -> memref<128xi32, #tpu.memory_space<vmem>>
    %dma_start3A_135 = arith.constant 0 : i32
    %dma_start3A_136 = arith.constant 0 : i32
    %dma_start3A_137 = tpu.memref_slice %arg9[%dma_start3A_135, %dma_start3A_136] : memref<262144x3xf32, #tpu.memory_space<hbm>> -> memref<262144x3xf32, #tpu.memory_space<hbm>>
    tpu.enqueue_indirect_dma source(%dma_start3A_137 : memref<262144x3xf32, #tpu.memory_space<hbm>>) target(%dma_start3A_132 : memref<128x3xf32, #tpu.memory_space<vmem>>) offsets(%dma_start3A_134 : memref<128xi32, #tpu.memory_space<vmem>>) semaphore(%arg25 : memref<!tpu.dma_semaphore, #tpu.memory_space<semaphore_mem>>)
    %dma_start3A_138 = arith.constant 640 : i32
    %dma_start3A_139 = tpu.memref_slice %arg21[%dma_start3A_138] : memref<2048xf32, #tpu.memory_space<vmem>> -> memref<128xf32, #tpu.memory_space<vmem>>
    %dma_start3A_140 = arith.constant 640 : i32
    %dma_start3A_141 = tpu.memref_slice %arg18[%dma_start3A_140] : memref<2048xi32, #tpu.memory_space<vmem>> -> memref<128xi32, #tpu.memory_space<vmem>>
    %dma_start3A_142 = arith.constant 0 : i32
    %dma_start3A_143 = tpu.memref_slice %arg10[%dma_start3A_142] : memref<262144xf32, #tpu.memory_space<hbm>> -> memref<262144xf32, #tpu.memory_space<hbm>>
    tpu.enqueue_indirect_dma source(%dma_start3A_143 : memref<262144xf32, #tpu.memory_space<hbm>>) target(%dma_start3A_139 : memref<128xf32, #tpu.memory_space<vmem>>) offsets(%dma_start3A_141 : memref<128xi32, #tpu.memory_space<vmem>>) semaphore(%arg25 : memref<!tpu.dma_semaphore, #tpu.memory_space<semaphore_mem>>)
    %dma_start3A_144 = arith.constant 768 : i32
    %dma_start3A_145 = arith.constant 0 : i32
    %dma_start3A_146 = tpu.memref_slice %arg20[%dma_start3A_144, %dma_start3A_145] : memref<2048x3xf32, #tpu.memory_space<vmem>> -> memref<128x3xf32, #tpu.memory_space<vmem>>
    %dma_start3A_147 = arith.constant 768 : i32
    %dma_start3A_148 = tpu.memref_slice %arg18[%dma_start3A_147] : memref<2048xi32, #tpu.memory_space<vmem>> -> memref<128xi32, #tpu.memory_space<vmem>>
    %dma_start3A_149 = arith.constant 0 : i32
    %dma_start3A_150 = arith.constant 0 : i32
    %dma_start3A_151 = tpu.memref_slice %arg9[%dma_start3A_149, %dma_start3A_150] : memref<262144x3xf32, #tpu.memory_space<hbm>> -> memref<262144x3xf32, #tpu.memory_space<hbm>>
    tpu.enqueue_indirect_dma source(%dma_start3A_151 : memref<262144x3xf32, #tpu.memory_space<hbm>>) target(%dma_start3A_146 : memref<128x3xf32, #tpu.memory_space<vmem>>) offsets(%dma_start3A_148 : memref<128xi32, #tpu.memory_space<vmem>>) semaphore(%arg25 : memref<!tpu.dma_semaphore, #tpu.memory_space<semaphore_mem>>)
    %dma_start3A_152 = arith.constant 768 : i32
    %dma_start3A_153 = tpu.memref_slice %arg21[%dma_start3A_152] : memref<2048xf32, #tpu.memory_space<vmem>> -> memref<128xf32, #tpu.memory_space<vmem>>
    %dma_start3A_154 = arith.constant 768 : i32
    %dma_start3A_155 = tpu.memref_slice %arg18[%dma_start3A_154] : memref<2048xi32, #tpu.memory_space<vmem>> -> memref<128xi32, #tpu.memory_space<vmem>>
    %dma_start3A_156 = arith.constant 0 : i32
    %dma_start3A_157 = tpu.memref_slice %arg10[%dma_start3A_156] : memref<262144xf32, #tpu.memory_space<hbm>> -> memref<262144xf32, #tpu.memory_space<hbm>>
    tpu.enqueue_indirect_dma source(%dma_start3A_157 : memref<262144xf32, #tpu.memory_space<hbm>>) target(%dma_start3A_153 : memref<128xf32, #tpu.memory_space<vmem>>) offsets(%dma_start3A_155 : memref<128xi32, #tpu.memory_space<vmem>>) semaphore(%arg25 : memref<!tpu.dma_semaphore, #tpu.memory_space<semaphore_mem>>)
    %dma_start3A_158 = arith.constant 896 : i32
    %dma_start3A_159 = arith.constant 0 : i32
    %dma_start3A_160 = tpu.memref_slice %arg20[%dma_start3A_158, %dma_start3A_159] : memref<2048x3xf32, #tpu.memory_space<vmem>> -> memref<128x3xf32, #tpu.memory_space<vmem>>
    %dma_start3A_161 = arith.constant 896 : i32
    %dma_start3A_162 = tpu.memref_slice %arg18[%dma_start3A_161] : memref<2048xi32, #tpu.memory_space<vmem>> -> memref<128xi32, #tpu.memory_space<vmem>>
    %dma_start3A_163 = arith.constant 0 : i32
    %dma_start3A_164 = arith.constant 0 : i32
    %dma_start3A_165 = tpu.memref_slice %arg9[%dma_start3A_163, %dma_start3A_164] : memref<262144x3xf32, #tpu.memory_space<hbm>> -> memref<262144x3xf32, #tpu.memory_space<hbm>>
    tpu.enqueue_indirect_dma source(%dma_start3A_165 : memref<262144x3xf32, #tpu.memory_space<hbm>>) target(%dma_start3A_160 : memref<128x3xf32, #tpu.memory_space<vmem>>) offsets(%dma_start3A_162 : memref<128xi32, #tpu.memory_space<vmem>>) semaphore(%arg25 : memref<!tpu.dma_semaphore, #tpu.memory_space<semaphore_mem>>)
    %dma_start3A_166 = arith.constant 896 : i32
    %dma_start3A_167 = tpu.memref_slice %arg21[%dma_start3A_166] : memref<2048xf32, #tpu.memory_space<vmem>> -> memref<128xf32, #tpu.memory_space<vmem>>
    %dma_start3A_168 = arith.constant 896 : i32
    %dma_start3A_169 = tpu.memref_slice %arg18[%dma_start3A_168] : memref<2048xi32, #tpu.memory_space<vmem>> -> memref<128xi32, #tpu.memory_space<vmem>>
    %dma_start3A_170 = arith.constant 0 : i32
    %dma_start3A_171 = tpu.memref_slice %arg10[%dma_start3A_170] : memref<262144xf32, #tpu.memory_space<hbm>> -> memref<262144xf32, #tpu.memory_space<hbm>>
    tpu.enqueue_indirect_dma source(%dma_start3A_171 : memref<262144xf32, #tpu.memory_space<hbm>>) target(%dma_start3A_167 : memref<128xf32, #tpu.memory_space<vmem>>) offsets(%dma_start3A_169 : memref<128xi32, #tpu.memory_space<vmem>>) semaphore(%arg25 : memref<!tpu.dma_semaphore, #tpu.memory_space<semaphore_mem>>)
    %dma_start3A_172 = arith.constant 1024 : i32
    %dma_start3A_173 = arith.constant 0 : i32
    %dma_start3A_174 = tpu.memref_slice %arg20[%dma_start3A_172, %dma_start3A_173] : memref<2048x3xf32, #tpu.memory_space<vmem>> -> memref<128x3xf32, #tpu.memory_space<vmem>>
    %dma_start3A_175 = arith.constant 1024 : i32
    %dma_start3A_176 = tpu.memref_slice %arg18[%dma_start3A_175] : memref<2048xi32, #tpu.memory_space<vmem>> -> memref<128xi32, #tpu.memory_space<vmem>>
    %dma_start3A_177 = arith.constant 0 : i32
    %dma_start3A_178 = arith.constant 0 : i32
    %dma_start3A_179 = tpu.memref_slice %arg9[%dma_start3A_177, %dma_start3A_178] : memref<262144x3xf32, #tpu.memory_space<hbm>> -> memref<262144x3xf32, #tpu.memory_space<hbm>>
    tpu.enqueue_indirect_dma source(%dma_start3A_179 : memref<262144x3xf32, #tpu.memory_space<hbm>>) target(%dma_start3A_174 : memref<128x3xf32, #tpu.memory_space<vmem>>) offsets(%dma_start3A_176 : memref<128xi32, #tpu.memory_space<vmem>>) semaphore(%arg25 : memref<!tpu.dma_semaphore, #tpu.memory_space<semaphore_mem>>)
    %dma_start3A_180 = arith.constant 1024 : i32
    %dma_start3A_181 = tpu.memref_slice %arg21[%dma_start3A_180] : memref<2048xf32, #tpu.memory_space<vmem>> -> memref<128xf32, #tpu.memory_space<vmem>>
    %dma_start3A_182 = arith.constant 1024 : i32
    %dma_start3A_183 = tpu.memref_slice %arg18[%dma_start3A_182] : memref<2048xi32, #tpu.memory_space<vmem>> -> memref<128xi32, #tpu.memory_space<vmem>>
    %dma_start3A_184 = arith.constant 0 : i32
    %dma_start3A_185 = tpu.memref_slice %arg10[%dma_start3A_184] : memref<262144xf32, #tpu.memory_space<hbm>> -> memref<262144xf32, #tpu.memory_space<hbm>>
    tpu.enqueue_indirect_dma source(%dma_start3A_185 : memref<262144xf32, #tpu.memory_space<hbm>>) target(%dma_start3A_181 : memref<128xf32, #tpu.memory_space<vmem>>) offsets(%dma_start3A_183 : memref<128xi32, #tpu.memory_space<vmem>>) semaphore(%arg25 : memref<!tpu.dma_semaphore, #tpu.memory_space<semaphore_mem>>)
    %dma_start3A_186 = arith.constant 1152 : i32
    %dma_start3A_187 = arith.constant 0 : i32
    %dma_start3A_188 = tpu.memref_slice %arg20[%dma_start3A_186, %dma_start3A_187] : memref<2048x3xf32, #tpu.memory_space<vmem>> -> memref<128x3xf32, #tpu.memory_space<vmem>>
    %dma_start3A_189 = arith.constant 1152 : i32
    %dma_start3A_190 = tpu.memref_slice %arg18[%dma_start3A_189] : memref<2048xi32, #tpu.memory_space<vmem>> -> memref<128xi32, #tpu.memory_space<vmem>>
    %dma_start3A_191 = arith.constant 0 : i32
    %dma_start3A_192 = arith.constant 0 : i32
    %dma_start3A_193 = tpu.memref_slice %arg9[%dma_start3A_191, %dma_start3A_192] : memref<262144x3xf32, #tpu.memory_space<hbm>> -> memref<262144x3xf32, #tpu.memory_space<hbm>>
    tpu.enqueue_indirect_dma source(%dma_start3A_193 : memref<262144x3xf32, #tpu.memory_space<hbm>>) target(%dma_start3A_188 : memref<128x3xf32, #tpu.memory_space<vmem>>) offsets(%dma_start3A_190 : memref<128xi32, #tpu.memory_space<vmem>>) semaphore(%arg25 : memref<!tpu.dma_semaphore, #tpu.memory_space<semaphore_mem>>)
    %dma_start3A_194 = arith.constant 1152 : i32
    %dma_start3A_195 = tpu.memref_slice %arg21[%dma_start3A_194] : memref<2048xf32, #tpu.memory_space<vmem>> -> memref<128xf32, #tpu.memory_space<vmem>>
    %dma_start3A_196 = arith.constant 1152 : i32
    %dma_start3A_197 = tpu.memref_slice %arg18[%dma_start3A_196] : memref<2048xi32, #tpu.memory_space<vmem>> -> memref<128xi32, #tpu.memory_space<vmem>>
    %dma_start3A_198 = arith.constant 0 : i32
    %dma_start3A_199 = tpu.memref_slice %arg10[%dma_start3A_198] : memref<262144xf32, #tpu.memory_space<hbm>> -> memref<262144xf32, #tpu.memory_space<hbm>>
    tpu.enqueue_indirect_dma source(%dma_start3A_199 : memref<262144xf32, #tpu.memory_space<hbm>>) target(%dma_start3A_195 : memref<128xf32, #tpu.memory_space<vmem>>) offsets(%dma_start3A_197 : memref<128xi32, #tpu.memory_space<vmem>>) semaphore(%arg25 : memref<!tpu.dma_semaphore, #tpu.memory_space<semaphore_mem>>)
    %dma_start3A_200 = arith.constant 1280 : i32
    %dma_start3A_201 = arith.constant 0 : i32
    %dma_start3A_202 = tpu.memref_slice %arg20[%dma_start3A_200, %dma_start3A_201] : memref<2048x3xf32, #tpu.memory_space<vmem>> -> memref<128x3xf32, #tpu.memory_space<vmem>>
    %dma_start3A_203 = arith.constant 1280 : i32
    %dma_start3A_204 = tpu.memref_slice %arg18[%dma_start3A_203] : memref<2048xi32, #tpu.memory_space<vmem>> -> memref<128xi32, #tpu.memory_space<vmem>>
    %dma_start3A_205 = arith.constant 0 : i32
    %dma_start3A_206 = arith.constant 0 : i32
    %dma_start3A_207 = tpu.memref_slice %arg9[%dma_start3A_205, %dma_start3A_206] : memref<262144x3xf32, #tpu.memory_space<hbm>> -> memref<262144x3xf32, #tpu.memory_space<hbm>>
    tpu.enqueue_indirect_dma source(%dma_start3A_207 : memref<262144x3xf32, #tpu.memory_space<hbm>>) target(%dma_start3A_202 : memref<128x3xf32, #tpu.memory_space<vmem>>) offsets(%dma_start3A_204 : memref<128xi32, #tpu.memory_space<vmem>>) semaphore(%arg25 : memref<!tpu.dma_semaphore, #tpu.memory_space<semaphore_mem>>)
    %dma_start3A_208 = arith.constant 1280 : i32
    %dma_start3A_209 = tpu.memref_slice %arg21[%dma_start3A_208] : memref<2048xf32, #tpu.memory_space<vmem>> -> memref<128xf32, #tpu.memory_space<vmem>>
    %dma_start3A_210 = arith.constant 1280 : i32
    %dma_start3A_211 = tpu.memref_slice %arg18[%dma_start3A_210] : memref<2048xi32, #tpu.memory_space<vmem>> -> memref<128xi32, #tpu.memory_space<vmem>>
    %dma_start3A_212 = arith.constant 0 : i32
    %dma_start3A_213 = tpu.memref_slice %arg10[%dma_start3A_212] : memref<262144xf32, #tpu.memory_space<hbm>> -> memref<262144xf32, #tpu.memory_space<hbm>>
    tpu.enqueue_indirect_dma source(%dma_start3A_213 : memref<262144xf32, #tpu.memory_space<hbm>>) target(%dma_start3A_209 : memref<128xf32, #tpu.memory_space<vmem>>) offsets(%dma_start3A_211 : memref<128xi32, #tpu.memory_space<vmem>>) semaphore(%arg25 : memref<!tpu.dma_semaphore, #tpu.memory_space<semaphore_mem>>)
    %dma_start3A_214 = arith.constant 1408 : i32
    %dma_start3A_215 = arith.constant 0 : i32
    %dma_start3A_216 = tpu.memref_slice %arg20[%dma_start3A_214, %dma_start3A_215] : memref<2048x3xf32, #tpu.memory_space<vmem>> -> memref<128x3xf32, #tpu.memory_space<vmem>>
    %dma_start3A_217 = arith.constant 1408 : i32
    %dma_start3A_218 = tpu.memref_slice %arg18[%dma_start3A_217] : memref<2048xi32, #tpu.memory_space<vmem>> -> memref<128xi32, #tpu.memory_space<vmem>>
    %dma_start3A_219 = arith.constant 0 : i32
    %dma_start3A_220 = arith.constant 0 : i32
    %dma_start3A_221 = tpu.memref_slice %arg9[%dma_start3A_219, %dma_start3A_220] : memref<262144x3xf32, #tpu.memory_space<hbm>> -> memref<262144x3xf32, #tpu.memory_space<hbm>>
    tpu.enqueue_indirect_dma source(%dma_start3A_221 : memref<262144x3xf32, #tpu.memory_space<hbm>>) target(%dma_start3A_216 : memref<128x3xf32, #tpu.memory_space<vmem>>) offsets(%dma_start3A_218 : memref<128xi32, #tpu.memory_space<vmem>>) semaphore(%arg25 : memref<!tpu.dma_semaphore, #tpu.memory_space<semaphore_mem>>)
    %dma_start3A_222 = arith.constant 1408 : i32
    %dma_start3A_223 = tpu.memref_slice %arg21[%dma_start3A_222] : memref<2048xf32, #tpu.memory_space<vmem>> -> memref<128xf32, #tpu.memory_space<vmem>>
    %dma_start3A_224 = arith.constant 1408 : i32
    %dma_start3A_225 = tpu.memref_slice %arg18[%dma_start3A_224] : memref<2048xi32, #tpu.memory_space<vmem>> -> memref<128xi32, #tpu.memory_space<vmem>>
    %dma_start3A_226 = arith.constant 0 : i32
    %dma_start3A_227 = tpu.memref_slice %arg10[%dma_start3A_226] : memref<262144xf32, #tpu.memory_space<hbm>> -> memref<262144xf32, #tpu.memory_space<hbm>>
    tpu.enqueue_indirect_dma source(%dma_start3A_227 : memref<262144xf32, #tpu.memory_space<hbm>>) target(%dma_start3A_223 : memref<128xf32, #tpu.memory_space<vmem>>) offsets(%dma_start3A_225 : memref<128xi32, #tpu.memory_space<vmem>>) semaphore(%arg25 : memref<!tpu.dma_semaphore, #tpu.memory_space<semaphore_mem>>)
    %dma_start3A_228 = arith.constant 1536 : i32
    %dma_start3A_229 = arith.constant 0 : i32
    %dma_start3A_230 = tpu.memref_slice %arg20[%dma_start3A_228, %dma_start3A_229] : memref<2048x3xf32, #tpu.memory_space<vmem>> -> memref<128x3xf32, #tpu.memory_space<vmem>>
    %dma_start3A_231 = arith.constant 1536 : i32
    %dma_start3A_232 = tpu.memref_slice %arg18[%dma_start3A_231] : memref<2048xi32, #tpu.memory_space<vmem>> -> memref<128xi32, #tpu.memory_space<vmem>>
    %dma_start3A_233 = arith.constant 0 : i32
    %dma_start3A_234 = arith.constant 0 : i32
    %dma_start3A_235 = tpu.memref_slice %arg9[%dma_start3A_233, %dma_start3A_234] : memref<262144x3xf32, #tpu.memory_space<hbm>> -> memref<262144x3xf32, #tpu.memory_space<hbm>>
    tpu.enqueue_indirect_dma source(%dma_start3A_235 : memref<262144x3xf32, #tpu.memory_space<hbm>>) target(%dma_start3A_230 : memref<128x3xf32, #tpu.memory_space<vmem>>) offsets(%dma_start3A_232 : memref<128xi32, #tpu.memory_space<vmem>>) semaphore(%arg25 : memref<!tpu.dma_semaphore, #tpu.memory_space<semaphore_mem>>)
    %dma_start3A_236 = arith.constant 1536 : i32
    %dma_start3A_237 = tpu.memref_slice %arg21[%dma_start3A_236] : memref<2048xf32, #tpu.memory_space<vmem>> -> memref<128xf32, #tpu.memory_space<vmem>>
    %dma_start3A_238 = arith.constant 1536 : i32
    %dma_start3A_239 = tpu.memref_slice %arg18[%dma_start3A_238] : memref<2048xi32, #tpu.memory_space<vmem>> -> memref<128xi32, #tpu.memory_space<vmem>>
    %dma_start3A_240 = arith.constant 0 : i32
    %dma_start3A_241 = tpu.memref_slice %arg10[%dma_start3A_240] : memref<262144xf32, #tpu.memory_space<hbm>> -> memref<262144xf32, #tpu.memory_space<hbm>>
    tpu.enqueue_indirect_dma source(%dma_start3A_241 : memref<262144xf32, #tpu.memory_space<hbm>>) target(%dma_start3A_237 : memref<128xf32, #tpu.memory_space<vmem>>) offsets(%dma_start3A_239 : memref<128xi32, #tpu.memory_space<vmem>>) semaphore(%arg25 : memref<!tpu.dma_semaphore, #tpu.memory_space<semaphore_mem>>)
    %dma_start3A_242 = arith.constant 1664 : i32
    %dma_start3A_243 = arith.constant 0 : i32
    %dma_start3A_244 = tpu.memref_slice %arg20[%dma_start3A_242, %dma_start3A_243] : memref<2048x3xf32, #tpu.memory_space<vmem>> -> memref<128x3xf32, #tpu.memory_space<vmem>>
    %dma_start3A_245 = arith.constant 1664 : i32
    %dma_start3A_246 = tpu.memref_slice %arg18[%dma_start3A_245] : memref<2048xi32, #tpu.memory_space<vmem>> -> memref<128xi32, #tpu.memory_space<vmem>>
    %dma_start3A_247 = arith.constant 0 : i32
    %dma_start3A_248 = arith.constant 0 : i32
    %dma_start3A_249 = tpu.memref_slice %arg9[%dma_start3A_247, %dma_start3A_248] : memref<262144x3xf32, #tpu.memory_space<hbm>> -> memref<262144x3xf32, #tpu.memory_space<hbm>>
    tpu.enqueue_indirect_dma source(%dma_start3A_249 : memref<262144x3xf32, #tpu.memory_space<hbm>>) target(%dma_start3A_244 : memref<128x3xf32, #tpu.memory_space<vmem>>) offsets(%dma_start3A_246 : memref<128xi32, #tpu.memory_space<vmem>>) semaphore(%arg25 : memref<!tpu.dma_semaphore, #tpu.memory_space<semaphore_mem>>)
    %dma_start3A_250 = arith.constant 1664 : i32
    %dma_start3A_251 = tpu.memref_slice %arg21[%dma_start3A_250] : memref<2048xf32, #tpu.memory_space<vmem>> -> memref<128xf32, #tpu.memory_space<vmem>>
    %dma_start3A_252 = arith.constant 1664 : i32
    %dma_start3A_253 = tpu.memref_slice %arg18[%dma_start3A_252] : memref<2048xi32, #tpu.memory_space<vmem>> -> memref<128xi32, #tpu.memory_space<vmem>>
    %dma_start3A_254 = arith.constant 0 : i32
    %dma_start3A_255 = tpu.memref_slice %arg10[%dma_start3A_254] : memref<262144xf32, #tpu.memory_space<hbm>> -> memref<262144xf32, #tpu.memory_space<hbm>>
    tpu.enqueue_indirect_dma source(%dma_start3A_255 : memref<262144xf32, #tpu.memory_space<hbm>>) target(%dma_start3A_251 : memref<128xf32, #tpu.memory_space<vmem>>) offsets(%dma_start3A_253 : memref<128xi32, #tpu.memory_space<vmem>>) semaphore(%arg25 : memref<!tpu.dma_semaphore, #tpu.memory_space<semaphore_mem>>)
    %dma_start3A_256 = arith.constant 1792 : i32
    %dma_start3A_257 = arith.constant 0 : i32
    %dma_start3A_258 = tpu.memref_slice %arg20[%dma_start3A_256, %dma_start3A_257] : memref<2048x3xf32, #tpu.memory_space<vmem>> -> memref<128x3xf32, #tpu.memory_space<vmem>>
    %dma_start3A_259 = arith.constant 1792 : i32
    %dma_start3A_260 = tpu.memref_slice %arg18[%dma_start3A_259] : memref<2048xi32, #tpu.memory_space<vmem>> -> memref<128xi32, #tpu.memory_space<vmem>>
    %dma_start3A_261 = arith.constant 0 : i32
    %dma_start3A_262 = arith.constant 0 : i32
    %dma_start3A_263 = tpu.memref_slice %arg9[%dma_start3A_261, %dma_start3A_262] : memref<262144x3xf32, #tpu.memory_space<hbm>> -> memref<262144x3xf32, #tpu.memory_space<hbm>>
    tpu.enqueue_indirect_dma source(%dma_start3A_263 : memref<262144x3xf32, #tpu.memory_space<hbm>>) target(%dma_start3A_258 : memref<128x3xf32, #tpu.memory_space<vmem>>) offsets(%dma_start3A_260 : memref<128xi32, #tpu.memory_space<vmem>>) semaphore(%arg25 : memref<!tpu.dma_semaphore, #tpu.memory_space<semaphore_mem>>)
    %dma_start3A_264 = arith.constant 1792 : i32
    %dma_start3A_265 = tpu.memref_slice %arg21[%dma_start3A_264] : memref<2048xf32, #tpu.memory_space<vmem>> -> memref<128xf32, #tpu.memory_space<vmem>>
    %dma_start3A_266 = arith.constant 1792 : i32
    %dma_start3A_267 = tpu.memref_slice %arg18[%dma_start3A_266] : memref<2048xi32, #tpu.memory_space<vmem>> -> memref<128xi32, #tpu.memory_space<vmem>>
    %dma_start3A_268 = arith.constant 0 : i32
    %dma_start3A_269 = tpu.memref_slice %arg10[%dma_start3A_268] : memref<262144xf32, #tpu.memory_space<hbm>> -> memref<262144xf32, #tpu.memory_space<hbm>>
    tpu.enqueue_indirect_dma source(%dma_start3A_269 : memref<262144xf32, #tpu.memory_space<hbm>>) target(%dma_start3A_265 : memref<128xf32, #tpu.memory_space<vmem>>) offsets(%dma_start3A_267 : memref<128xi32, #tpu.memory_space<vmem>>) semaphore(%arg25 : memref<!tpu.dma_semaphore, #tpu.memory_space<semaphore_mem>>)
    %dma_start3A_270 = arith.constant 1920 : i32
    %dma_start3A_271 = arith.constant 0 : i32
    %dma_start3A_272 = tpu.memref_slice %arg20[%dma_start3A_270, %dma_start3A_271] : memref<2048x3xf32, #tpu.memory_space<vmem>> -> memref<128x3xf32, #tpu.memory_space<vmem>>
    %dma_start3A_273 = arith.constant 1920 : i32
    %dma_start3A_274 = tpu.memref_slice %arg18[%dma_start3A_273] : memref<2048xi32, #tpu.memory_space<vmem>> -> memref<128xi32, #tpu.memory_space<vmem>>
    %dma_start3A_275 = arith.constant 0 : i32
    %dma_start3A_276 = arith.constant 0 : i32
    %dma_start3A_277 = tpu.memref_slice %arg9[%dma_start3A_275, %dma_start3A_276] : memref<262144x3xf32, #tpu.memory_space<hbm>> -> memref<262144x3xf32, #tpu.memory_space<hbm>>
    tpu.enqueue_indirect_dma source(%dma_start3A_277 : memref<262144x3xf32, #tpu.memory_space<hbm>>) target(%dma_start3A_272 : memref<128x3xf32, #tpu.memory_space<vmem>>) offsets(%dma_start3A_274 : memref<128xi32, #tpu.memory_space<vmem>>) semaphore(%arg25 : memref<!tpu.dma_semaphore, #tpu.memory_space<semaphore_mem>>)
    %dma_start3A_278 = arith.constant 1920 : i32
    %dma_start3A_279 = tpu.memref_slice %arg21[%dma_start3A_278] : memref<2048xf32, #tpu.memory_space<vmem>> -> memref<128xf32, #tpu.memory_space<vmem>>
    %dma_start3A_280 = arith.constant 1920 : i32
    %dma_start3A_281 = tpu.memref_slice %arg18[%dma_start3A_280] : memref<2048xi32, #tpu.memory_space<vmem>> -> memref<128xi32, #tpu.memory_space<vmem>>
    %dma_start3A_282 = arith.constant 0 : i32
    %dma_start3A_283 = tpu.memref_slice %arg10[%dma_start3A_282] : memref<262144xf32, #tpu.memory_space<hbm>> -> memref<262144xf32, #tpu.memory_space<hbm>>
    tpu.enqueue_indirect_dma source(%dma_start3A_283 : memref<262144xf32, #tpu.memory_space<hbm>>) target(%dma_start3A_279 : memref<128xf32, #tpu.memory_space<vmem>>) offsets(%dma_start3A_281 : memref<128xi32, #tpu.memory_space<vmem>>) semaphore(%arg25 : memref<!tpu.dma_semaphore, #tpu.memory_space<semaphore_mem>>)
    %dma_wait3A = arith.constant 0 : i32
    %dma_wait3A_284 = arith.constant 0 : i32
    %dma_wait3A_285 = tpu.memref_slice %arg20[%dma_wait3A, %dma_wait3A_284] : memref<2048x3xf32, #tpu.memory_space<vmem>> -> memref<128x3xf32, #tpu.memory_space<vmem>>
    %dma_wait3A_286 = arith.constant 0 : i32
    %dma_wait3A_287 = tpu.memref_slice %arg18[%dma_wait3A_286] : memref<2048xi32, #tpu.memory_space<vmem>> -> memref<128xi32, #tpu.memory_space<vmem>>
    %dma_wait3A_288 = arith.constant 0 : i32
    %dma_wait3A_289 = arith.constant 0 : i32
    %dma_wait3A_290 = tpu.memref_slice %arg9[%dma_wait3A_288, %dma_wait3A_289] : memref<262144x3xf32, #tpu.memory_space<hbm>> -> memref<262144x3xf32, #tpu.memory_space<hbm>>
    tpu.wait_indirect_dma semaphore(%arg25 : memref<!tpu.dma_semaphore, #tpu.memory_space<semaphore_mem>>) src(%dma_wait3A_290 : memref<262144x3xf32, #tpu.memory_space<hbm>>) dst(%dma_wait3A_285 : memref<128x3xf32, #tpu.memory_space<vmem>>)
    %dma_wait3A_291 = arith.constant 0 : i32
    %dma_wait3A_292 = tpu.memref_slice %arg21[%dma_wait3A_291] : memref<2048xf32, #tpu.memory_space<vmem>> -> memref<128xf32, #tpu.memory_space<vmem>>
    %dma_wait3A_293 = arith.constant 0 : i32
    %dma_wait3A_294 = tpu.memref_slice %arg18[%dma_wait3A_293] : memref<2048xi32, #tpu.memory_space<vmem>> -> memref<128xi32, #tpu.memory_space<vmem>>
    %dma_wait3A_295 = arith.constant 0 : i32
    %dma_wait3A_296 = tpu.memref_slice %arg10[%dma_wait3A_295] : memref<262144xf32, #tpu.memory_space<hbm>> -> memref<262144xf32, #tpu.memory_space<hbm>>
    tpu.wait_indirect_dma semaphore(%arg25 : memref<!tpu.dma_semaphore, #tpu.memory_space<semaphore_mem>>) src(%dma_wait3A_296 : memref<262144xf32, #tpu.memory_space<hbm>>) dst(%dma_wait3A_292 : memref<128xf32, #tpu.memory_space<vmem>>)
    %dma_wait3A_297 = arith.constant 128 : i32
    %dma_wait3A_298 = arith.constant 0 : i32
    %dma_wait3A_299 = tpu.memref_slice %arg20[%dma_wait3A_297, %dma_wait3A_298] : memref<2048x3xf32, #tpu.memory_space<vmem>> -> memref<128x3xf32, #tpu.memory_space<vmem>>
    %dma_wait3A_300 = arith.constant 128 : i32
    %dma_wait3A_301 = tpu.memref_slice %arg18[%dma_wait3A_300] : memref<2048xi32, #tpu.memory_space<vmem>> -> memref<128xi32, #tpu.memory_space<vmem>>
    %dma_wait3A_302 = arith.constant 0 : i32
    %dma_wait3A_303 = arith.constant 0 : i32
    %dma_wait3A_304 = tpu.memref_slice %arg9[%dma_wait3A_302, %dma_wait3A_303] : memref<262144x3xf32, #tpu.memory_space<hbm>> -> memref<262144x3xf32, #tpu.memory_space<hbm>>
    tpu.wait_indirect_dma semaphore(%arg25 : memref<!tpu.dma_semaphore, #tpu.memory_space<semaphore_mem>>) src(%dma_wait3A_304 : memref<262144x3xf32, #tpu.memory_space<hbm>>) dst(%dma_wait3A_299 : memref<128x3xf32, #tpu.memory_space<vmem>>)
    %dma_wait3A_305 = arith.constant 128 : i32
    %dma_wait3A_306 = tpu.memref_slice %arg21[%dma_wait3A_305] : memref<2048xf32, #tpu.memory_space<vmem>> -> memref<128xf32, #tpu.memory_space<vmem>>
    %dma_wait3A_307 = arith.constant 128 : i32
    %dma_wait3A_308 = tpu.memref_slice %arg18[%dma_wait3A_307] : memref<2048xi32, #tpu.memory_space<vmem>> -> memref<128xi32, #tpu.memory_space<vmem>>
    %dma_wait3A_309 = arith.constant 0 : i32
    %dma_wait3A_310 = tpu.memref_slice %arg10[%dma_wait3A_309] : memref<262144xf32, #tpu.memory_space<hbm>> -> memref<262144xf32, #tpu.memory_space<hbm>>
    tpu.wait_indirect_dma semaphore(%arg25 : memref<!tpu.dma_semaphore, #tpu.memory_space<semaphore_mem>>) src(%dma_wait3A_310 : memref<262144xf32, #tpu.memory_space<hbm>>) dst(%dma_wait3A_306 : memref<128xf32, #tpu.memory_space<vmem>>)
    %dma_wait3A_311 = arith.constant 256 : i32
    %dma_wait3A_312 = arith.constant 0 : i32
    %dma_wait3A_313 = tpu.memref_slice %arg20[%dma_wait3A_311, %dma_wait3A_312] : memref<2048x3xf32, #tpu.memory_space<vmem>> -> memref<128x3xf32, #tpu.memory_space<vmem>>
    %dma_wait3A_314 = arith.constant 256 : i32
    %dma_wait3A_315 = tpu.memref_slice %arg18[%dma_wait3A_314] : memref<2048xi32, #tpu.memory_space<vmem>> -> memref<128xi32, #tpu.memory_space<vmem>>
    %dma_wait3A_316 = arith.constant 0 : i32
    %dma_wait3A_317 = arith.constant 0 : i32
    %dma_wait3A_318 = tpu.memref_slice %arg9[%dma_wait3A_316, %dma_wait3A_317] : memref<262144x3xf32, #tpu.memory_space<hbm>> -> memref<262144x3xf32, #tpu.memory_space<hbm>>
    tpu.wait_indirect_dma semaphore(%arg25 : memref<!tpu.dma_semaphore, #tpu.memory_space<semaphore_mem>>) src(%dma_wait3A_318 : memref<262144x3xf32, #tpu.memory_space<hbm>>) dst(%dma_wait3A_313 : memref<128x3xf32, #tpu.memory_space<vmem>>)
    %dma_wait3A_319 = arith.constant 256 : i32
    %dma_wait3A_320 = tpu.memref_slice %arg21[%dma_wait3A_319] : memref<2048xf32, #tpu.memory_space<vmem>> -> memref<128xf32, #tpu.memory_space<vmem>>
    %dma_wait3A_321 = arith.constant 256 : i32
    %dma_wait3A_322 = tpu.memref_slice %arg18[%dma_wait3A_321] : memref<2048xi32, #tpu.memory_space<vmem>> -> memref<128xi32, #tpu.memory_space<vmem>>
    %dma_wait3A_323 = arith.constant 0 : i32
    %dma_wait3A_324 = tpu.memref_slice %arg10[%dma_wait3A_323] : memref<262144xf32, #tpu.memory_space<hbm>> -> memref<262144xf32, #tpu.memory_space<hbm>>
    tpu.wait_indirect_dma semaphore(%arg25 : memref<!tpu.dma_semaphore, #tpu.memory_space<semaphore_mem>>) src(%dma_wait3A_324 : memref<262144xf32, #tpu.memory_space<hbm>>) dst(%dma_wait3A_320 : memref<128xf32, #tpu.memory_space<vmem>>)
    %dma_wait3A_325 = arith.constant 384 : i32
    %dma_wait3A_326 = arith.constant 0 : i32
    %dma_wait3A_327 = tpu.memref_slice %arg20[%dma_wait3A_325, %dma_wait3A_326] : memref<2048x3xf32, #tpu.memory_space<vmem>> -> memref<128x3xf32, #tpu.memory_space<vmem>>
    %dma_wait3A_328 = arith.constant 384 : i32
    %dma_wait3A_329 = tpu.memref_slice %arg18[%dma_wait3A_328] : memref<2048xi32, #tpu.memory_space<vmem>> -> memref<128xi32, #tpu.memory_space<vmem>>
    %dma_wait3A_330 = arith.constant 0 : i32
    %dma_wait3A_331 = arith.constant 0 : i32
    %dma_wait3A_332 = tpu.memref_slice %arg9[%dma_wait3A_330, %dma_wait3A_331] : memref<262144x3xf32, #tpu.memory_space<hbm>> -> memref<262144x3xf32, #tpu.memory_space<hbm>>
    tpu.wait_indirect_dma semaphore(%arg25 : memref<!tpu.dma_semaphore, #tpu.memory_space<semaphore_mem>>) src(%dma_wait3A_332 : memref<262144x3xf32, #tpu.memory_space<hbm>>) dst(%dma_wait3A_327 : memref<128x3xf32, #tpu.memory_space<vmem>>)
    %dma_wait3A_333 = arith.constant 384 : i32
    %dma_wait3A_334 = tpu.memref_slice %arg21[%dma_wait3A_333] : memref<2048xf32, #tpu.memory_space<vmem>> -> memref<128xf32, #tpu.memory_space<vmem>>
    %dma_wait3A_335 = arith.constant 384 : i32
    %dma_wait3A_336 = tpu.memref_slice %arg18[%dma_wait3A_335] : memref<2048xi32, #tpu.memory_space<vmem>> -> memref<128xi32, #tpu.memory_space<vmem>>
    %dma_wait3A_337 = arith.constant 0 : i32
    %dma_wait3A_338 = tpu.memref_slice %arg10[%dma_wait3A_337] : memref<262144xf32, #tpu.memory_space<hbm>> -> memref<262144xf32, #tpu.memory_space<hbm>>
    tpu.wait_indirect_dma semaphore(%arg25 : memref<!tpu.dma_semaphore, #tpu.memory_space<semaphore_mem>>) src(%dma_wait3A_338 : memref<262144xf32, #tpu.memory_space<hbm>>) dst(%dma_wait3A_334 : memref<128xf32, #tpu.memory_space<vmem>>)
    %dma_wait3A_339 = arith.constant 512 : i32
    %dma_wait3A_340 = arith.constant 0 : i32
    %dma_wait3A_341 = tpu.memref_slice %arg20[%dma_wait3A_339, %dma_wait3A_340] : memref<2048x3xf32, #tpu.memory_space<vmem>> -> memref<128x3xf32, #tpu.memory_space<vmem>>
    %dma_wait3A_342 = arith.constant 512 : i32
    %dma_wait3A_343 = tpu.memref_slice %arg18[%dma_wait3A_342] : memref<2048xi32, #tpu.memory_space<vmem>> -> memref<128xi32, #tpu.memory_space<vmem>>
    %dma_wait3A_344 = arith.constant 0 : i32
    %dma_wait3A_345 = arith.constant 0 : i32
    %dma_wait3A_346 = tpu.memref_slice %arg9[%dma_wait3A_344, %dma_wait3A_345] : memref<262144x3xf32, #tpu.memory_space<hbm>> -> memref<262144x3xf32, #tpu.memory_space<hbm>>
    tpu.wait_indirect_dma semaphore(%arg25 : memref<!tpu.dma_semaphore, #tpu.memory_space<semaphore_mem>>) src(%dma_wait3A_346 : memref<262144x3xf32, #tpu.memory_space<hbm>>) dst(%dma_wait3A_341 : memref<128x3xf32, #tpu.memory_space<vmem>>)
    %dma_wait3A_347 = arith.constant 512 : i32
    %dma_wait3A_348 = tpu.memref_slice %arg21[%dma_wait3A_347] : memref<2048xf32, #tpu.memory_space<vmem>> -> memref<128xf32, #tpu.memory_space<vmem>>
    %dma_wait3A_349 = arith.constant 512 : i32
    %dma_wait3A_350 = tpu.memref_slice %arg18[%dma_wait3A_349] : memref<2048xi32, #tpu.memory_space<vmem>> -> memref<128xi32, #tpu.memory_space<vmem>>
    %dma_wait3A_351 = arith.constant 0 : i32
    %dma_wait3A_352 = tpu.memref_slice %arg10[%dma_wait3A_351] : memref<262144xf32, #tpu.memory_space<hbm>> -> memref<262144xf32, #tpu.memory_space<hbm>>
    tpu.wait_indirect_dma semaphore(%arg25 : memref<!tpu.dma_semaphore, #tpu.memory_space<semaphore_mem>>) src(%dma_wait3A_352 : memref<262144xf32, #tpu.memory_space<hbm>>) dst(%dma_wait3A_348 : memref<128xf32, #tpu.memory_space<vmem>>)
    %dma_wait3A_353 = arith.constant 640 : i32
    %dma_wait3A_354 = arith.constant 0 : i32
    %dma_wait3A_355 = tpu.memref_slice %arg20[%dma_wait3A_353, %dma_wait3A_354] : memref<2048x3xf32, #tpu.memory_space<vmem>> -> memref<128x3xf32, #tpu.memory_space<vmem>>
    %dma_wait3A_356 = arith.constant 640 : i32
    %dma_wait3A_357 = tpu.memref_slice %arg18[%dma_wait3A_356] : memref<2048xi32, #tpu.memory_space<vmem>> -> memref<128xi32, #tpu.memory_space<vmem>>
    %dma_wait3A_358 = arith.constant 0 : i32
    %dma_wait3A_359 = arith.constant 0 : i32
    %dma_wait3A_360 = tpu.memref_slice %arg9[%dma_wait3A_358, %dma_wait3A_359] : memref<262144x3xf32, #tpu.memory_space<hbm>> -> memref<262144x3xf32, #tpu.memory_space<hbm>>
    tpu.wait_indirect_dma semaphore(%arg25 : memref<!tpu.dma_semaphore, #tpu.memory_space<semaphore_mem>>) src(%dma_wait3A_360 : memref<262144x3xf32, #tpu.memory_space<hbm>>) dst(%dma_wait3A_355 : memref<128x3xf32, #tpu.memory_space<vmem>>)
    %dma_wait3A_361 = arith.constant 640 : i32
    %dma_wait3A_362 = tpu.memref_slice %arg21[%dma_wait3A_361] : memref<2048xf32, #tpu.memory_space<vmem>> -> memref<128xf32, #tpu.memory_space<vmem>>
    %dma_wait3A_363 = arith.constant 640 : i32
    %dma_wait3A_364 = tpu.memref_slice %arg18[%dma_wait3A_363] : memref<2048xi32, #tpu.memory_space<vmem>> -> memref<128xi32, #tpu.memory_space<vmem>>
    %dma_wait3A_365 = arith.constant 0 : i32
    %dma_wait3A_366 = tpu.memref_slice %arg10[%dma_wait3A_365] : memref<262144xf32, #tpu.memory_space<hbm>> -> memref<262144xf32, #tpu.memory_space<hbm>>
    tpu.wait_indirect_dma semaphore(%arg25 : memref<!tpu.dma_semaphore, #tpu.memory_space<semaphore_mem>>) src(%dma_wait3A_366 : memref<262144xf32, #tpu.memory_space<hbm>>) dst(%dma_wait3A_362 : memref<128xf32, #tpu.memory_space<vmem>>)
    %dma_wait3A_367 = arith.constant 768 : i32
    %dma_wait3A_368 = arith.constant 0 : i32
    %dma_wait3A_369 = tpu.memref_slice %arg20[%dma_wait3A_367, %dma_wait3A_368] : memref<2048x3xf32, #tpu.memory_space<vmem>> -> memref<128x3xf32, #tpu.memory_space<vmem>>
    %dma_wait3A_370 = arith.constant 768 : i32
    %dma_wait3A_371 = tpu.memref_slice %arg18[%dma_wait3A_370] : memref<2048xi32, #tpu.memory_space<vmem>> -> memref<128xi32, #tpu.memory_space<vmem>>
    %dma_wait3A_372 = arith.constant 0 : i32
    %dma_wait3A_373 = arith.constant 0 : i32
    %dma_wait3A_374 = tpu.memref_slice %arg9[%dma_wait3A_372, %dma_wait3A_373] : memref<262144x3xf32, #tpu.memory_space<hbm>> -> memref<262144x3xf32, #tpu.memory_space<hbm>>
    tpu.wait_indirect_dma semaphore(%arg25 : memref<!tpu.dma_semaphore, #tpu.memory_space<semaphore_mem>>) src(%dma_wait3A_374 : memref<262144x3xf32, #tpu.memory_space<hbm>>) dst(%dma_wait3A_369 : memref<128x3xf32, #tpu.memory_space<vmem>>)
    %dma_wait3A_375 = arith.constant 768 : i32
    %dma_wait3A_376 = tpu.memref_slice %arg21[%dma_wait3A_375] : memref<2048xf32, #tpu.memory_space<vmem>> -> memref<128xf32, #tpu.memory_space<vmem>>
    %dma_wait3A_377 = arith.constant 768 : i32
    %dma_wait3A_378 = tpu.memref_slice %arg18[%dma_wait3A_377] : memref<2048xi32, #tpu.memory_space<vmem>> -> memref<128xi32, #tpu.memory_space<vmem>>
    %dma_wait3A_379 = arith.constant 0 : i32
    %dma_wait3A_380 = tpu.memref_slice %arg10[%dma_wait3A_379] : memref<262144xf32, #tpu.memory_space<hbm>> -> memref<262144xf32, #tpu.memory_space<hbm>>
    tpu.wait_indirect_dma semaphore(%arg25 : memref<!tpu.dma_semaphore, #tpu.memory_space<semaphore_mem>>) src(%dma_wait3A_380 : memref<262144xf32, #tpu.memory_space<hbm>>) dst(%dma_wait3A_376 : memref<128xf32, #tpu.memory_space<vmem>>)
    %dma_wait3A_381 = arith.constant 896 : i32
    %dma_wait3A_382 = arith.constant 0 : i32
    %dma_wait3A_383 = tpu.memref_slice %arg20[%dma_wait3A_381, %dma_wait3A_382] : memref<2048x3xf32, #tpu.memory_space<vmem>> -> memref<128x3xf32, #tpu.memory_space<vmem>>
    %dma_wait3A_384 = arith.constant 896 : i32
    %dma_wait3A_385 = tpu.memref_slice %arg18[%dma_wait3A_384] : memref<2048xi32, #tpu.memory_space<vmem>> -> memref<128xi32, #tpu.memory_space<vmem>>
    %dma_wait3A_386 = arith.constant 0 : i32
    %dma_wait3A_387 = arith.constant 0 : i32
    %dma_wait3A_388 = tpu.memref_slice %arg9[%dma_wait3A_386, %dma_wait3A_387] : memref<262144x3xf32, #tpu.memory_space<hbm>> -> memref<262144x3xf32, #tpu.memory_space<hbm>>
    tpu.wait_indirect_dma semaphore(%arg25 : memref<!tpu.dma_semaphore, #tpu.memory_space<semaphore_mem>>) src(%dma_wait3A_388 : memref<262144x3xf32, #tpu.memory_space<hbm>>) dst(%dma_wait3A_383 : memref<128x3xf32, #tpu.memory_space<vmem>>)
    %dma_wait3A_389 = arith.constant 896 : i32
    %dma_wait3A_390 = tpu.memref_slice %arg21[%dma_wait3A_389] : memref<2048xf32, #tpu.memory_space<vmem>> -> memref<128xf32, #tpu.memory_space<vmem>>
    %dma_wait3A_391 = arith.constant 896 : i32
    %dma_wait3A_392 = tpu.memref_slice %arg18[%dma_wait3A_391] : memref<2048xi32, #tpu.memory_space<vmem>> -> memref<128xi32, #tpu.memory_space<vmem>>
    %dma_wait3A_393 = arith.constant 0 : i32
    %dma_wait3A_394 = tpu.memref_slice %arg10[%dma_wait3A_393] : memref<262144xf32, #tpu.memory_space<hbm>> -> memref<262144xf32, #tpu.memory_space<hbm>>
    tpu.wait_indirect_dma semaphore(%arg25 : memref<!tpu.dma_semaphore, #tpu.memory_space<semaphore_mem>>) src(%dma_wait3A_394 : memref<262144xf32, #tpu.memory_space<hbm>>) dst(%dma_wait3A_390 : memref<128xf32, #tpu.memory_space<vmem>>)
    %dma_wait3A_395 = arith.constant 1024 : i32
    %dma_wait3A_396 = arith.constant 0 : i32
    %dma_wait3A_397 = tpu.memref_slice %arg20[%dma_wait3A_395, %dma_wait3A_396] : memref<2048x3xf32, #tpu.memory_space<vmem>> -> memref<128x3xf32, #tpu.memory_space<vmem>>
    %dma_wait3A_398 = arith.constant 1024 : i32
    %dma_wait3A_399 = tpu.memref_slice %arg18[%dma_wait3A_398] : memref<2048xi32, #tpu.memory_space<vmem>> -> memref<128xi32, #tpu.memory_space<vmem>>
    %dma_wait3A_400 = arith.constant 0 : i32
    %dma_wait3A_401 = arith.constant 0 : i32
    %dma_wait3A_402 = tpu.memref_slice %arg9[%dma_wait3A_400, %dma_wait3A_401] : memref<262144x3xf32, #tpu.memory_space<hbm>> -> memref<262144x3xf32, #tpu.memory_space<hbm>>
    tpu.wait_indirect_dma semaphore(%arg25 : memref<!tpu.dma_semaphore, #tpu.memory_space<semaphore_mem>>) src(%dma_wait3A_402 : memref<262144x3xf32, #tpu.memory_space<hbm>>) dst(%dma_wait3A_397 : memref<128x3xf32, #tpu.memory_space<vmem>>)
    %dma_wait3A_403 = arith.constant 1024 : i32
    %dma_wait3A_404 = tpu.memref_slice %arg21[%dma_wait3A_403] : memref<2048xf32, #tpu.memory_space<vmem>> -> memref<128xf32, #tpu.memory_space<vmem>>
    %dma_wait3A_405 = arith.constant 1024 : i32
    %dma_wait3A_406 = tpu.memref_slice %arg18[%dma_wait3A_405] : memref<2048xi32, #tpu.memory_space<vmem>> -> memref<128xi32, #tpu.memory_space<vmem>>
    %dma_wait3A_407 = arith.constant 0 : i32
    %dma_wait3A_408 = tpu.memref_slice %arg10[%dma_wait3A_407] : memref<262144xf32, #tpu.memory_space<hbm>> -> memref<262144xf32, #tpu.memory_space<hbm>>
    tpu.wait_indirect_dma semaphore(%arg25 : memref<!tpu.dma_semaphore, #tpu.memory_space<semaphore_mem>>) src(%dma_wait3A_408 : memref<262144xf32, #tpu.memory_space<hbm>>) dst(%dma_wait3A_404 : memref<128xf32, #tpu.memory_space<vmem>>)
    %dma_wait3A_409 = arith.constant 1152 : i32
    %dma_wait3A_410 = arith.constant 0 : i32
    %dma_wait3A_411 = tpu.memref_slice %arg20[%dma_wait3A_409, %dma_wait3A_410] : memref<2048x3xf32, #tpu.memory_space<vmem>> -> memref<128x3xf32, #tpu.memory_space<vmem>>
    %dma_wait3A_412 = arith.constant 1152 : i32
    %dma_wait3A_413 = tpu.memref_slice %arg18[%dma_wait3A_412] : memref<2048xi32, #tpu.memory_space<vmem>> -> memref<128xi32, #tpu.memory_space<vmem>>
    %dma_wait3A_414 = arith.constant 0 : i32
    %dma_wait3A_415 = arith.constant 0 : i32
    %dma_wait3A_416 = tpu.memref_slice %arg9[%dma_wait3A_414, %dma_wait3A_415] : memref<262144x3xf32, #tpu.memory_space<hbm>> -> memref<262144x3xf32, #tpu.memory_space<hbm>>
    tpu.wait_indirect_dma semaphore(%arg25 : memref<!tpu.dma_semaphore, #tpu.memory_space<semaphore_mem>>) src(%dma_wait3A_416 : memref<262144x3xf32, #tpu.memory_space<hbm>>) dst(%dma_wait3A_411 : memref<128x3xf32, #tpu.memory_space<vmem>>)
    %dma_wait3A_417 = arith.constant 1152 : i32
    %dma_wait3A_418 = tpu.memref_slice %arg21[%dma_wait3A_417] : memref<2048xf32, #tpu.memory_space<vmem>> -> memref<128xf32, #tpu.memory_space<vmem>>
    %dma_wait3A_419 = arith.constant 1152 : i32
    %dma_wait3A_420 = tpu.memref_slice %arg18[%dma_wait3A_419] : memref<2048xi32, #tpu.memory_space<vmem>> -> memref<128xi32, #tpu.memory_space<vmem>>
    %dma_wait3A_421 = arith.constant 0 : i32
    %dma_wait3A_422 = tpu.memref_slice %arg10[%dma_wait3A_421] : memref<262144xf32, #tpu.memory_space<hbm>> -> memref<262144xf32, #tpu.memory_space<hbm>>
    tpu.wait_indirect_dma semaphore(%arg25 : memref<!tpu.dma_semaphore, #tpu.memory_space<semaphore_mem>>) src(%dma_wait3A_422 : memref<262144xf32, #tpu.memory_space<hbm>>) dst(%dma_wait3A_418 : memref<128xf32, #tpu.memory_space<vmem>>)
    %dma_wait3A_423 = arith.constant 1280 : i32
    %dma_wait3A_424 = arith.constant 0 : i32
    %dma_wait3A_425 = tpu.memref_slice %arg20[%dma_wait3A_423, %dma_wait3A_424] : memref<2048x3xf32, #tpu.memory_space<vmem>> -> memref<128x3xf32, #tpu.memory_space<vmem>>
    %dma_wait3A_426 = arith.constant 1280 : i32
    %dma_wait3A_427 = tpu.memref_slice %arg18[%dma_wait3A_426] : memref<2048xi32, #tpu.memory_space<vmem>> -> memref<128xi32, #tpu.memory_space<vmem>>
    %dma_wait3A_428 = arith.constant 0 : i32
    %dma_wait3A_429 = arith.constant 0 : i32
    %dma_wait3A_430 = tpu.memref_slice %arg9[%dma_wait3A_428, %dma_wait3A_429] : memref<262144x3xf32, #tpu.memory_space<hbm>> -> memref<262144x3xf32, #tpu.memory_space<hbm>>
    tpu.wait_indirect_dma semaphore(%arg25 : memref<!tpu.dma_semaphore, #tpu.memory_space<semaphore_mem>>) src(%dma_wait3A_430 : memref<262144x3xf32, #tpu.memory_space<hbm>>) dst(%dma_wait3A_425 : memref<128x3xf32, #tpu.memory_space<vmem>>)
    %dma_wait3A_431 = arith.constant 1280 : i32
    %dma_wait3A_432 = tpu.memref_slice %arg21[%dma_wait3A_431] : memref<2048xf32, #tpu.memory_space<vmem>> -> memref<128xf32, #tpu.memory_space<vmem>>
    %dma_wait3A_433 = arith.constant 1280 : i32
    %dma_wait3A_434 = tpu.memref_slice %arg18[%dma_wait3A_433] : memref<2048xi32, #tpu.memory_space<vmem>> -> memref<128xi32, #tpu.memory_space<vmem>>
    %dma_wait3A_435 = arith.constant 0 : i32
    %dma_wait3A_436 = tpu.memref_slice %arg10[%dma_wait3A_435] : memref<262144xf32, #tpu.memory_space<hbm>> -> memref<262144xf32, #tpu.memory_space<hbm>>
    tpu.wait_indirect_dma semaphore(%arg25 : memref<!tpu.dma_semaphore, #tpu.memory_space<semaphore_mem>>) src(%dma_wait3A_436 : memref<262144xf32, #tpu.memory_space<hbm>>) dst(%dma_wait3A_432 : memref<128xf32, #tpu.memory_space<vmem>>)
    %dma_wait3A_437 = arith.constant 1408 : i32
    %dma_wait3A_438 = arith.constant 0 : i32
    %dma_wait3A_439 = tpu.memref_slice %arg20[%dma_wait3A_437, %dma_wait3A_438] : memref<2048x3xf32, #tpu.memory_space<vmem>> -> memref<128x3xf32, #tpu.memory_space<vmem>>
    %dma_wait3A_440 = arith.constant 1408 : i32
    %dma_wait3A_441 = tpu.memref_slice %arg18[%dma_wait3A_440] : memref<2048xi32, #tpu.memory_space<vmem>> -> memref<128xi32, #tpu.memory_space<vmem>>
    %dma_wait3A_442 = arith.constant 0 : i32
    %dma_wait3A_443 = arith.constant 0 : i32
    %dma_wait3A_444 = tpu.memref_slice %arg9[%dma_wait3A_442, %dma_wait3A_443] : memref<262144x3xf32, #tpu.memory_space<hbm>> -> memref<262144x3xf32, #tpu.memory_space<hbm>>
    tpu.wait_indirect_dma semaphore(%arg25 : memref<!tpu.dma_semaphore, #tpu.memory_space<semaphore_mem>>) src(%dma_wait3A_444 : memref<262144x3xf32, #tpu.memory_space<hbm>>) dst(%dma_wait3A_439 : memref<128x3xf32, #tpu.memory_space<vmem>>)
    %dma_wait3A_445 = arith.constant 1408 : i32
    %dma_wait3A_446 = tpu.memref_slice %arg21[%dma_wait3A_445] : memref<2048xf32, #tpu.memory_space<vmem>> -> memref<128xf32, #tpu.memory_space<vmem>>
    %dma_wait3A_447 = arith.constant 1408 : i32
    %dma_wait3A_448 = tpu.memref_slice %arg18[%dma_wait3A_447] : memref<2048xi32, #tpu.memory_space<vmem>> -> memref<128xi32, #tpu.memory_space<vmem>>
    %dma_wait3A_449 = arith.constant 0 : i32
    %dma_wait3A_450 = tpu.memref_slice %arg10[%dma_wait3A_449] : memref<262144xf32, #tpu.memory_space<hbm>> -> memref<262144xf32, #tpu.memory_space<hbm>>
    tpu.wait_indirect_dma semaphore(%arg25 : memref<!tpu.dma_semaphore, #tpu.memory_space<semaphore_mem>>) src(%dma_wait3A_450 : memref<262144xf32, #tpu.memory_space<hbm>>) dst(%dma_wait3A_446 : memref<128xf32, #tpu.memory_space<vmem>>)
    %dma_wait3A_451 = arith.constant 1536 : i32
    %dma_wait3A_452 = arith.constant 0 : i32
    %dma_wait3A_453 = tpu.memref_slice %arg20[%dma_wait3A_451, %dma_wait3A_452] : memref<2048x3xf32, #tpu.memory_space<vmem>> -> memref<128x3xf32, #tpu.memory_space<vmem>>
    %dma_wait3A_454 = arith.constant 1536 : i32
    %dma_wait3A_455 = tpu.memref_slice %arg18[%dma_wait3A_454] : memref<2048xi32, #tpu.memory_space<vmem>> -> memref<128xi32, #tpu.memory_space<vmem>>
    %dma_wait3A_456 = arith.constant 0 : i32
    %dma_wait3A_457 = arith.constant 0 : i32
    %dma_wait3A_458 = tpu.memref_slice %arg9[%dma_wait3A_456, %dma_wait3A_457] : memref<262144x3xf32, #tpu.memory_space<hbm>> -> memref<262144x3xf32, #tpu.memory_space<hbm>>
    tpu.wait_indirect_dma semaphore(%arg25 : memref<!tpu.dma_semaphore, #tpu.memory_space<semaphore_mem>>) src(%dma_wait3A_458 : memref<262144x3xf32, #tpu.memory_space<hbm>>) dst(%dma_wait3A_453 : memref<128x3xf32, #tpu.memory_space<vmem>>)
    %dma_wait3A_459 = arith.constant 1536 : i32
    %dma_wait3A_460 = tpu.memref_slice %arg21[%dma_wait3A_459] : memref<2048xf32, #tpu.memory_space<vmem>> -> memref<128xf32, #tpu.memory_space<vmem>>
    %dma_wait3A_461 = arith.constant 1536 : i32
    %dma_wait3A_462 = tpu.memref_slice %arg18[%dma_wait3A_461] : memref<2048xi32, #tpu.memory_space<vmem>> -> memref<128xi32, #tpu.memory_space<vmem>>
    %dma_wait3A_463 = arith.constant 0 : i32
    %dma_wait3A_464 = tpu.memref_slice %arg10[%dma_wait3A_463] : memref<262144xf32, #tpu.memory_space<hbm>> -> memref<262144xf32, #tpu.memory_space<hbm>>
    tpu.wait_indirect_dma semaphore(%arg25 : memref<!tpu.dma_semaphore, #tpu.memory_space<semaphore_mem>>) src(%dma_wait3A_464 : memref<262144xf32, #tpu.memory_space<hbm>>) dst(%dma_wait3A_460 : memref<128xf32, #tpu.memory_space<vmem>>)
    %dma_wait3A_465 = arith.constant 1664 : i32
    %dma_wait3A_466 = arith.constant 0 : i32
    %dma_wait3A_467 = tpu.memref_slice %arg20[%dma_wait3A_465, %dma_wait3A_466] : memref<2048x3xf32, #tpu.memory_space<vmem>> -> memref<128x3xf32, #tpu.memory_space<vmem>>
    %dma_wait3A_468 = arith.constant 1664 : i32
    %dma_wait3A_469 = tpu.memref_slice %arg18[%dma_wait3A_468] : memref<2048xi32, #tpu.memory_space<vmem>> -> memref<128xi32, #tpu.memory_space<vmem>>
    %dma_wait3A_470 = arith.constant 0 : i32
    %dma_wait3A_471 = arith.constant 0 : i32
    %dma_wait3A_472 = tpu.memref_slice %arg9[%dma_wait3A_470, %dma_wait3A_471] : memref<262144x3xf32, #tpu.memory_space<hbm>> -> memref<262144x3xf32, #tpu.memory_space<hbm>>
    tpu.wait_indirect_dma semaphore(%arg25 : memref<!tpu.dma_semaphore, #tpu.memory_space<semaphore_mem>>) src(%dma_wait3A_472 : memref<262144x3xf32, #tpu.memory_space<hbm>>) dst(%dma_wait3A_467 : memref<128x3xf32, #tpu.memory_space<vmem>>)
    %dma_wait3A_473 = arith.constant 1664 : i32
    %dma_wait3A_474 = tpu.memref_slice %arg21[%dma_wait3A_473] : memref<2048xf32, #tpu.memory_space<vmem>> -> memref<128xf32, #tpu.memory_space<vmem>>
    %dma_wait3A_475 = arith.constant 1664 : i32
    %dma_wait3A_476 = tpu.memref_slice %arg18[%dma_wait3A_475] : memref<2048xi32, #tpu.memory_space<vmem>> -> memref<128xi32, #tpu.memory_space<vmem>>
    %dma_wait3A_477 = arith.constant 0 : i32
    %dma_wait3A_478 = tpu.memref_slice %arg10[%dma_wait3A_477] : memref<262144xf32, #tpu.memory_space<hbm>> -> memref<262144xf32, #tpu.memory_space<hbm>>
    tpu.wait_indirect_dma semaphore(%arg25 : memref<!tpu.dma_semaphore, #tpu.memory_space<semaphore_mem>>) src(%dma_wait3A_478 : memref<262144xf32, #tpu.memory_space<hbm>>) dst(%dma_wait3A_474 : memref<128xf32, #tpu.memory_space<vmem>>)
    %dma_wait3A_479 = arith.constant 1792 : i32
    %dma_wait3A_480 = arith.constant 0 : i32
    %dma_wait3A_481 = tpu.memref_slice %arg20[%dma_wait3A_479, %dma_wait3A_480] : memref<2048x3xf32, #tpu.memory_space<vmem>> -> memref<128x3xf32, #tpu.memory_space<vmem>>
    %dma_wait3A_482 = arith.constant 1792 : i32
    %dma_wait3A_483 = tpu.memref_slice %arg18[%dma_wait3A_482] : memref<2048xi32, #tpu.memory_space<vmem>> -> memref<128xi32, #tpu.memory_space<vmem>>
    %dma_wait3A_484 = arith.constant 0 : i32
    %dma_wait3A_485 = arith.constant 0 : i32
    %dma_wait3A_486 = tpu.memref_slice %arg9[%dma_wait3A_484, %dma_wait3A_485] : memref<262144x3xf32, #tpu.memory_space<hbm>> -> memref<262144x3xf32, #tpu.memory_space<hbm>>
    tpu.wait_indirect_dma semaphore(%arg25 : memref<!tpu.dma_semaphore, #tpu.memory_space<semaphore_mem>>) src(%dma_wait3A_486 : memref<262144x3xf32, #tpu.memory_space<hbm>>) dst(%dma_wait3A_481 : memref<128x3xf32, #tpu.memory_space<vmem>>)
    %dma_wait3A_487 = arith.constant 1792 : i32
    %dma_wait3A_488 = tpu.memref_slice %arg21[%dma_wait3A_487] : memref<2048xf32, #tpu.memory_space<vmem>> -> memref<128xf32, #tpu.memory_space<vmem>>
    %dma_wait3A_489 = arith.constant 1792 : i32
    %dma_wait3A_490 = tpu.memref_slice %arg18[%dma_wait3A_489] : memref<2048xi32, #tpu.memory_space<vmem>> -> memref<128xi32, #tpu.memory_space<vmem>>
    %dma_wait3A_491 = arith.constant 0 : i32
    %dma_wait3A_492 = tpu.memref_slice %arg10[%dma_wait3A_491] : memref<262144xf32, #tpu.memory_space<hbm>> -> memref<262144xf32, #tpu.memory_space<hbm>>
    tpu.wait_indirect_dma semaphore(%arg25 : memref<!tpu.dma_semaphore, #tpu.memory_space<semaphore_mem>>) src(%dma_wait3A_492 : memref<262144xf32, #tpu.memory_space<hbm>>) dst(%dma_wait3A_488 : memref<128xf32, #tpu.memory_space<vmem>>)
    %dma_wait3A_493 = arith.constant 1920 : i32
    %dma_wait3A_494 = arith.constant 0 : i32
    %dma_wait3A_495 = tpu.memref_slice %arg20[%dma_wait3A_493, %dma_wait3A_494] : memref<2048x3xf32, #tpu.memory_space<vmem>> -> memref<128x3xf32, #tpu.memory_space<vmem>>
    %dma_wait3A_496 = arith.constant 1920 : i32
    %dma_wait3A_497 = tpu.memref_slice %arg18[%dma_wait3A_496] : memref<2048xi32, #tpu.memory_space<vmem>> -> memref<128xi32, #tpu.memory_space<vmem>>
    %dma_wait3A_498 = arith.constant 0 : i32
    %dma_wait3A_499 = arith.constant 0 : i32
    %dma_wait3A_500 = tpu.memref_slice %arg9[%dma_wait3A_498, %dma_wait3A_499] : memref<262144x3xf32, #tpu.memory_space<hbm>> -> memref<262144x3xf32, #tpu.memory_space<hbm>>
    tpu.wait_indirect_dma semaphore(%arg25 : memref<!tpu.dma_semaphore, #tpu.memory_space<semaphore_mem>>) src(%dma_wait3A_500 : memref<262144x3xf32, #tpu.memory_space<hbm>>) dst(%dma_wait3A_495 : memref<128x3xf32, #tpu.memory_space<vmem>>)
    %dma_wait3A_501 = arith.constant 1920 : i32
    %dma_wait3A_502 = tpu.memref_slice %arg21[%dma_wait3A_501] : memref<2048xf32, #tpu.memory_space<vmem>> -> memref<128xf32, #tpu.memory_space<vmem>>
    %dma_wait3A_503 = arith.constant 1920 : i32
    %dma_wait3A_504 = tpu.memref_slice %arg18[%dma_wait3A_503] : memref<2048xi32, #tpu.memory_space<vmem>> -> memref<128xi32, #tpu.memory_space<vmem>>
    %dma_wait3A_505 = arith.constant 0 : i32
    %dma_wait3A_506 = tpu.memref_slice %arg10[%dma_wait3A_505] : memref<262144xf32, #tpu.memory_space<hbm>> -> memref<262144xf32, #tpu.memory_space<hbm>>
    tpu.wait_indirect_dma semaphore(%arg25 : memref<!tpu.dma_semaphore, #tpu.memory_space<semaphore_mem>>) src(%dma_wait3A_506 : memref<262144xf32, #tpu.memory_space<hbm>>) dst(%dma_wait3A_502 : memref<128xf32, #tpu.memory_space<vmem>>)
    %get3A_507 = arith.constant 3 : i32
    %get3A_508 = arith.index_cast %get3A_507 : i32 to index
    %get3A_509 = arith.constant 0 : index
    %get3A_510 = tpu.vector_load %arg24[%get3A_508, %get3A_509] {strides = array<i32>} : memref<16x16xf32, #tpu.memory_space<vmem>>, vector<16xf32>,
    %get3A_511 = arith.constant 4 : i32
    %get3A_512 = arith.index_cast %get3A_511 : i32 to index
    %get3A_513 = arith.constant 0 : index
    %get3A_514 = tpu.vector_load %arg24[%get3A_512, %get3A_513] {strides = array<i32>} : memref<16x16xf32, #tpu.memory_space<vmem>>, vector<16xf32>,
    %get3A_515 = arith.constant 5 : i32
    %get3A_516 = arith.index_cast %get3A_515 : i32 to index
    %get3A_517 = arith.constant 0 : index
    %get3A_518 = tpu.vector_load %arg24[%get3A_516, %get3A_517] {strides = array<i32>} : memref<16x16xf32, #tpu.memory_space<vmem>>, vector<16xf32>,
    %get3A_519 = arith.constant 6 : i32
    %get3A_520 = arith.index_cast %get3A_519 : i32 to index
    %get3A_521 = arith.constant 0 : index
    %get3A_522 = tpu.vector_load %arg24[%get3A_520, %get3A_521] {strides = array<i32>} : memref<16x16xf32, #tpu.memory_space<vmem>>, vector<16xf32>,
    %get3A_523 = arith.constant 7 : i32
    %get3A_524 = arith.index_cast %get3A_523 : i32 to index
    %get3A_525 = arith.constant 0 : index
    %get3A_526 = tpu.vector_load %arg24[%get3A_524, %get3A_525] {strides = array<i32>} : memref<16x16xf32, #tpu.memory_space<vmem>>, vector<16xf32>,
    %get3A_527 = arith.constant 8 : i32
    %get3A_528 = arith.index_cast %get3A_527 : i32 to index
    %get3A_529 = arith.constant 0 : index
    %get3A_530 = tpu.vector_load %arg24[%get3A_528, %get3A_529] {strides = array<i32>} : memref<16x16xf32, #tpu.memory_space<vmem>>, vector<16xf32>,
    %scan3A_531 = arith.constant 0 : i32
    %scan3A_532 = arith.constant 7.812500e-03 : f32
    %scan3A_533 = arith.constant 0 : i32
    %scan3A_534 = arith.constant 128 : i32
    %scan3A_535 = arith.addi %scan3A_533, %scan3A_534 : i32
    %scan3A_536 = arith.constant 1 : i32
    scf.for %scan3A_538 = %scan3A_533 to %scan3A_535 step %scan3A_536  : i32 {
      %mul3A_539 = arith.constant 16 : i32
      %mul3A_540 = arith.muli %scan3A_538, %mul3A_539 : i32
      %mul3A_541 = arith.constant 16 : i32
      %mul3A_542 = arith.muli %scan3A_538, %mul3A_541 : i32
      %add3A_543 = vector.broadcast %mul3A_542 : i32 to vector<16xi32>
      %add3A_544 = arith.addi %add3A_543, %iota3A : vector<16xi32>
      %get3A_545 = arith.index_cast %mul3A_540 : i32 to index
      %get3A_546 = tpu.vector_load %arg17[%get3A_545] {strides = array<i32>} : memref<2048xi32, #tpu.memory_space<vmem>>, vector<16xi32>,
      %get3A_547 = arith.index_cast %mul3A_540 : i32 to index
      %get3A_548 = tpu.vector_load %arg19[%get3A_547] {strides = array<i32>} : memref<2048xi32, #tpu.memory_space<vmem>>, vector<16xi32>,
      %broadcast_in_dim3A_549 = arith.constant 0 : i32
      %broadcast_in_dim3A_550 = vector.broadcast %broadcast_in_dim3A_549 : i32 to vector<16xi32>
      %gather3A = tpu.vector_load_idx %arg20[%add3A_544, %broadcast_in_dim3A_550] : memref<2048x3xf32, #tpu.memory_space<vmem>>[vector<16xi32>, vector<16xi32>], vector<16xf32>,
      %broadcast_in_dim3A_551 = arith.constant 1 : i32
      %broadcast_in_dim3A_552 = vector.broadcast %broadcast_in_dim3A_551 : i32 to vector<16xi32>
      %gather3A_553 = tpu.vector_load_idx %arg20[%add3A_544, %broadcast_in_dim3A_552] : memref<2048x3xf32, #tpu.memory_space<vmem>>[vector<16xi32>, vector<16xi32>], vector<16xf32>,
      %broadcast_in_dim3A_554 = arith.constant 2 : i32
      %broadcast_in_dim3A_555 = vector.broadcast %broadcast_in_dim3A_554 : i32 to vector<16xi32>
      %gather3A_556 = tpu.vector_load_idx %arg20[%add3A_544, %broadcast_in_dim3A_555] : memref<2048x3xf32, #tpu.memory_space<vmem>>[vector<16xi32>, vector<16xi32>], vector<16xf32>,
      %get3A_557 = arith.index_cast %mul3A_540 : i32 to index
      %get3A_558 = tpu.vector_load %arg21[%get3A_557] {strides = array<i32>} : memref<2048xf32, #tpu.memory_space<vmem>>, vector<16xf32>,
      %convert_element_type3A = arith.sitofp %get3A_546 : vector<16xi32> to vector<16xf32>
      %sub3A_559 = arith.subf %convert_element_type3A, %get3A_43 : vector<16xf32>
      %mul3A_560 = vector.broadcast %scan3A_532 : f32 to vector<16xf32>
      %mul3A_561 = arith.mulf %sub3A_559, %mul3A_560 : vector<16xf32>
      %convert_element_type3A_562 = arith.sitofp %get3A_548 : vector<16xi32> to vector<16xf32>
      %sub3A_563 = arith.subf %convert_element_type3A_562, %get3A_47 : vector<16xf32>
      %mul3A_564 = vector.broadcast %scan3A_532 : f32 to vector<16xf32>
      %mul3A_565 = arith.mulf %sub3A_563, %mul3A_564 : vector<16xf32>
      %gt3A = arith.constant 0 : i32
      %gt3A_566 = vector.broadcast %gt3A : i32 to vector<16xi32>
      %gt3A_567 = arith.cmpi sgt, %get3A_39, %gt3A_566 : vector<16xi32>
      %gt3A_568 = arith.constant 0.000000e+00 : f32
      %gt3A_569 = vector.broadcast %gt3A_568 : f32 to vector<16xf32>
      %gt3A_570 = arith.cmpf ogt, %get3A_558, %gt3A_569 : vector<16xf32>
      %select_n3A_571 = arith.select %gt3A_570, %get3A_522, %get3A_510 : vector<16xi1>, vector<16xf32>
      %jit3A_572 = arith.constant 0.000000e+00 : f32
      %broadcast_in_dim3A_573 = vector.broadcast %jit3A_572 : f32 to vector<16xf32>
      %select_n3A_574 = arith.select %gt3A_567, %select_n3A_571, %broadcast_in_dim3A_573 : vector<16xi1>, vector<16xf32>
      %select_n3A_575 = arith.select %gt3A_570, %get3A_526, %get3A_514 : vector<16xi1>, vector<16xf32>
      %jit3A_576 = arith.constant 0.000000e+00 : f32
      %broadcast_in_dim3A_577 = vector.broadcast %jit3A_576 : f32 to vector<16xf32>
      %select_n3A_578 = arith.select %gt3A_567, %select_n3A_575, %broadcast_in_dim3A_577 : vector<16xi1>, vector<16xf32>
      %select_n3A_579 = arith.select %gt3A_570, %get3A_530, %get3A_518 : vector<16xi1>, vector<16xf32>
      %jit3A_580 = arith.constant 0.000000e+00 : f32
      %broadcast_in_dim3A_581 = vector.broadcast %jit3A_580 : f32 to vector<16xf32>
      %select_n3A_582 = arith.select %gt3A_567, %select_n3A_579, %broadcast_in_dim3A_581 : vector<16xi1>, vector<16xf32>
      %mul3A_583 = arith.constant 8 : i32
      %mul3A_584 = vector.broadcast %mul3A_583 : i32 to vector<16xi32>
      %mul3A_585 = arith.muli %add3A_544, %mul3A_584 : vector<16xi32>
      %add3A_586 = arith.constant 0 : i32
      %add3A_587 = vector.broadcast %add3A_586 : i32 to vector<16xi32>
      %add3A_588 = arith.addi %mul3A_585, %add3A_587 : vector<16xi32>
      %mul3A_589 = arith.mulf %gather3A, %get3A_51 : vector<16xf32>
      tpu.vector_store_idx %arg22[%add3A_588], %mul3A_589 : memref<16384xf32, #tpu.memory_space<vmem>>[vector<16xi32>], vector<16xf32>,
      %add3A_590 = arith.constant 1 : i32
      %add3A_591 = vector.broadcast %add3A_590 : i32 to vector<16xi32>
      %add3A_592 = arith.addi %mul3A_585, %add3A_591 : vector<16xi32>
      %mul3A_593 = arith.mulf %gather3A_553, %get3A_51 : vector<16xf32>
      tpu.vector_store_idx %arg22[%add3A_592], %mul3A_593 : memref<16384xf32, #tpu.memory_space<vmem>>[vector<16xi32>], vector<16xf32>,
      %add3A_594 = arith.constant 2 : i32
      %add3A_595 = vector.broadcast %add3A_594 : i32 to vector<16xi32>
      %add3A_596 = arith.addi %mul3A_585, %add3A_595 : vector<16xi32>
      %mul3A_597 = arith.mulf %gather3A_556, %get3A_51 : vector<16xf32>
      tpu.vector_store_idx %arg22[%add3A_596], %mul3A_597 : memref<16384xf32, #tpu.memory_space<vmem>>[vector<16xi32>], vector<16xf32>,
      %add3A_598 = arith.constant 3 : i32
      %add3A_599 = vector.broadcast %add3A_598 : i32 to vector<16xi32>
      %add3A_600 = arith.addi %mul3A_585, %add3A_599 : vector<16xi32>
      %mul3A_601 = arith.mulf %mul3A_561, %get3A_51 : vector<16xf32>
      tpu.vector_store_idx %arg22[%add3A_600], %mul3A_601 : memref<16384xf32, #tpu.memory_space<vmem>>[vector<16xi32>], vector<16xf32>,
      %add3A_602 = arith.constant 4 : i32
      %add3A_603 = vector.broadcast %add3A_602 : i32 to vector<16xi32>
      %add3A_604 = arith.addi %mul3A_585, %add3A_603 : vector<16xi32>
      %mul3A_605 = arith.mulf %mul3A_565, %get3A_51 : vector<16xf32>
      tpu.vector_store_idx %arg22[%add3A_604], %mul3A_605 : memref<16384xf32, #tpu.memory_space<vmem>>[vector<16xi32>], vector<16xf32>,
      %add3A_606 = arith.constant 5 : i32
      %add3A_607 = vector.broadcast %add3A_606 : i32 to vector<16xi32>
      %add3A_608 = arith.addi %mul3A_585, %add3A_607 : vector<16xi32>
      %mul3A_609 = arith.mulf %select_n3A_574, %get3A_51 : vector<16xf32>
      tpu.vector_store_idx %arg22[%add3A_608], %mul3A_609 : memref<16384xf32, #tpu.memory_space<vmem>>[vector<16xi32>], vector<16xf32>,
      %add3A_610 = arith.constant 6 : i32
      %add3A_611 = vector.broadcast %add3A_610 : i32 to vector<16xi32>
      %add3A_612 = arith.addi %mul3A_585, %add3A_611 : vector<16xi32>
      %mul3A_613 = arith.mulf %select_n3A_578, %get3A_51 : vector<16xf32>
      tpu.vector_store_idx %arg22[%add3A_612], %mul3A_613 : memref<16384xf32, #tpu.memory_space<vmem>>[vector<16xi32>], vector<16xf32>,
      %add3A_614 = arith.constant 7 : i32
      %add3A_615 = vector.broadcast %add3A_614 : i32 to vector<16xi32>
      %add3A_616 = arith.addi %mul3A_585, %add3A_615 : vector<16xi32>
      %mul3A_617 = arith.mulf %select_n3A_582, %get3A_51 : vector<16xf32>
      tpu.vector_store_idx %arg22[%add3A_616], %mul3A_617 : memref<16384xf32, #tpu.memory_space<vmem>>[vector<16xi32>], vector<16xf32>,
    }
    %scan3A_537 = arith.constant 128 : i32
    "tpu.region"() ({
      %run_scoped3A = tpu.sem_alloc : memref<!tpu.dma_semaphore, #tpu.memory_space<semaphore_mem>>
      %dma_start3A_538 = arith.constant 0 : i32
      %dma_start3A_539 = tpu.memref_slice %arg11[%add3A, %dma_start3A_538] : memref<32x16384xf32, #tpu.memory_space<hbm>> -> memref<1x16384xf32, #tpu.memory_space<hbm>>
      %dma_start3A_540 = tpu.memref_squeeze %dma_start3A_539 : memref<1x16384xf32, #tpu.memory_space<hbm>> -> memref<16384xf32, #tpu.memory_space<hbm>>
      %dma_start3A_541 = arith.constant 0 : i32
      %dma_start3A_542 = tpu.memref_slice %arg11[%add3A, %dma_start3A_541] : memref<32x16384xf32, #tpu.memory_space<hbm>> -> memref<1x16384xf32, #tpu.memory_space<hbm>>
      %dma_start3A_543 = tpu.memref_squeeze %dma_start3A_542 : memref<1x16384xf32, #tpu.memory_space<hbm>> -> memref<16384xf32, #tpu.memory_space<hbm>>
      tpu.enqueue_dma source(%arg22 : memref<16384xf32, #tpu.memory_space<vmem>>) target(%dma_start3A_543 : memref<16384xf32, #tpu.memory_space<hbm>>) target_semaphore(%run_scoped3A : memref<!tpu.dma_semaphore, #tpu.memory_space<semaphore_mem>>)
      %dma_wait3A_544 = arith.constant 0 : i32
      %dma_wait3A_545 = tpu.memref_slice %arg11[%add3A, %dma_wait3A_544] : memref<32x16384xf32, #tpu.memory_space<hbm>> -> memref<1x16384xf32, #tpu.memory_space<hbm>>
      %dma_wait3A_546 = tpu.memref_squeeze %dma_wait3A_545 : memref<1x16384xf32, #tpu.memory_space<hbm>> -> memref<16384xf32, #tpu.memory_space<hbm>>
      %dma_wait3A_547 = arith.constant 0 : i32
      %dma_wait3A_548 = tpu.memref_slice %arg11[%add3A, %dma_wait3A_547] : memref<32x16384xf32, #tpu.memory_space<hbm>> -> memref<1x16384xf32, #tpu.memory_space<hbm>>
      %dma_wait3A_549 = tpu.memref_squeeze %dma_wait3A_548 : memref<1x16384xf32, #tpu.memory_space<hbm>> -> memref<16384xf32, #tpu.memory_space<hbm>>
      tpu.wait_dma2 semaphore(%run_scoped3A : memref<!tpu.dma_semaphore, #tpu.memory_space<semaphore_mem>>) src(%arg22 : memref<16384xf32, #tpu.memory_space<vmem>>) dst(%dma_wait3A_549 : memref<16384xf32, #tpu.memory_space<hbm>>)
      tpu.yield
    }) : () -> ()
    return
  }
}

module attributes {stable_mosaic.version = 14 : i64} {
  func.func @_stats_body(%arg0: i32, %arg1: memref<1x512x512xf32, #tpu.memory_space<vmem>>, %arg2: memref<1x1x128xf32, #tpu.memory_space<vmem>>, %arg3: memref<1x1x512xi32, #tpu.memory_space<vmem>>, %arg4: memref<1x1x512xi32, #tpu.memory_space<vmem>>, %arg5: memref<1x512x32xi32, #tpu.memory_space<vmem>>, %arg6: memref<1x512x32xi32, #tpu.memory_space<vmem>>, %arg7: memref<1x512x32xi32, #tpu.memory_space<vmem>>, %arg8: memref<512x512xf32, #tpu.memory_space<vmem>>) attributes {dimension_semantics = [#tpu.dimension_semantics<arbitrary>], iteration_bounds = array<i64: 16>, scalar_prefetch = 0 : i64, scratch_operands = 0 : i64, tpu.core_type = #tpu.core_type<tc>, window_params = [{transform_indices = @transform_0, window_bounds = array<i64: 1, 512, 512>}, {transform_indices = @transform_1, window_bounds = array<i64: 1, 1, 128>}, {transform_indices = @transform_2, window_bounds = array<i64: 1, 1, 512>}, {transform_indices = @transform_3, window_bounds = array<i64: 1, 1, 512>}, {transform_indices = @transform_4, window_bounds = array<i64: 1, 512, 32>}, {transform_indices = @transform_5, window_bounds = array<i64: 1, 512, 32>}, {transform_indices = @transform_6, window_bounds = array<i64: 1, 512, 32>}, {pipeline_mode = #tpu.pipeline_mode<synchronous>, transform_indices = @transform_7, window_bounds = array<i64: 512, 512>}]} {
    %get3A = arith.constant 0 : index
    %get3A_0 = arith.constant 0 : index
    %get3A_1 = arith.constant 0 : index
    %get3A_2 = vector.load %arg1[%get3A, %get3A_0, %get3A_1] : memref<1x512x512xf32, #tpu.memory_space<vmem>>, vector<1x512x512xf32>
    %get3A_3 = vector.shape_cast %get3A_2 : vector<1x512x512xf32> to vector<512x512xf32>
    %iota3A = tpu.iota {dimensions = array<i32: 0>} : vector<512x512xi32>
    %iota3A_4 = tpu.iota {dimensions = array<i32: 1>} : vector<512x512xi32>
    %iota3A_5 = tpu.iota {dimensions = array<i32: 0>} : vector<512x1xi32>
    %iota3A_6 = tpu.iota {dimensions = array<i32: 1>} : vector<1x512xi32>
    %reduce_max3A = arith.constant dense<0xFF800000> : vector<512xf32>
    %reduce_max3A_7 = vector.multi_reduction <maximumf>, %get3A_3, %reduce_max3A [1] : vector<512x512xf32> to vector<512xf32>
    %broadcast_in_dim3A = vector.shape_cast %reduce_max3A_7 : vector<512xf32> to vector<512x1xf32>
    %reduce_max3A_8 = arith.constant dense<0xFF800000> : vector<512xf32>
    %reduce_max3A_9 = vector.multi_reduction <maximumf>, %get3A_3, %reduce_max3A_8 [0] : vector<512x512xf32> to vector<512xf32>
    %broadcast_in_dim3A_10 = vector.shape_cast %reduce_max3A_9 : vector<512xf32> to vector<1x512xf32>
    %gt3A = arith.constant 0.000000e+00 : f32
    %gt3A_11 = vector.broadcast %gt3A : f32 to vector<512x1xf32>
    %gt3A_12 = arith.cmpf ogt, %broadcast_in_dim3A, %gt3A_11 : vector<512x1xf32>
    %jit3A = arith.constant 1048576 : i32
    %broadcast_in_dim3A_13 = vector.broadcast %jit3A : i32 to vector<512x1xi32>
    %select_n3A = arith.select %gt3A_12, %iota3A_5, %broadcast_in_dim3A_13 : vector<512x1xi1>, vector<512x1xi32>
    %reduce_min3A = vector.shape_cast %select_n3A : vector<512x1xi32> to vector<1x512x1xi32>
    %reduce_min3A_14 = arith.constant dense<2147483647> : vector<1xi32>
    %reduce_min3A_15 = vector.multi_reduction <minsi>, %reduce_min3A, %reduce_min3A_14 [1, 2] : vector<1x512x1xi32> to vector<1xi32>
    %reduce_min3A_16 = vector.shape_cast %reduce_min3A_15 : vector<1xi32> to vector<1x1x1xi32>
    %reduce_min3A_17 = vector.extract %reduce_min3A_16[0, 0, 0] : i32 from vector<1x1x1xi32>
    %gt3A_18 = arith.constant 0.000000e+00 : f32
    %gt3A_19 = vector.broadcast %gt3A_18 : f32 to vector<512x1xf32>
    %gt3A_20 = arith.cmpf ogt, %broadcast_in_dim3A, %gt3A_19 : vector<512x1xf32>
    %jit3A_21 = arith.constant -1 : i32
    %broadcast_in_dim3A_22 = vector.broadcast %jit3A_21 : i32 to vector<512x1xi32>
    %select_n3A_23 = arith.select %gt3A_20, %iota3A_5, %broadcast_in_dim3A_22 : vector<512x1xi1>, vector<512x1xi32>
    %reduce_max3A_24 = vector.shape_cast %select_n3A_23 : vector<512x1xi32> to vector<1x512x1xi32>
    %reduce_max3A_25 = arith.constant dense<-2147483648> : vector<1xi32>
    %reduce_max3A_26 = vector.multi_reduction <maxsi>, %reduce_max3A_24, %reduce_max3A_25 [1, 2] : vector<1x512x1xi32> to vector<1xi32>
    %reduce_max3A_27 = vector.shape_cast %reduce_max3A_26 : vector<1xi32> to vector<1x1x1xi32>
    %reduce_max3A_28 = vector.extract %reduce_max3A_27[0, 0, 0] : i32 from vector<1x1x1xi32>
    %gt3A_29 = arith.constant 0.000000e+00 : f32
    %gt3A_30 = vector.broadcast %gt3A_29 : f32 to vector<1x512xf32>
    %gt3A_31 = arith.cmpf ogt, %broadcast_in_dim3A_10, %gt3A_30 : vector<1x512xf32>
    %jit3A_32 = arith.constant 1048576 : i32
    %broadcast_in_dim3A_33 = vector.broadcast %jit3A_32 : i32 to vector<1x512xi32>
    %select_n3A_34 = arith.select %gt3A_31, %iota3A_6, %broadcast_in_dim3A_33 : vector<1x512xi1>, vector<1x512xi32>
    %reduce_min3A_35 = vector.shape_cast %select_n3A_34 : vector<1x512xi32> to vector<1x1x512xi32>
    %reduce_min3A_36 = arith.constant dense<2147483647> : vector<1xi32>
    %reduce_min3A_37 = vector.multi_reduction <minsi>, %reduce_min3A_35, %reduce_min3A_36 [1, 2] : vector<1x1x512xi32> to vector<1xi32>
    %reduce_min3A_38 = vector.shape_cast %reduce_min3A_37 : vector<1xi32> to vector<1x1x1xi32>
    %reduce_min3A_39 = vector.extract %reduce_min3A_38[0, 0, 0] : i32 from vector<1x1x1xi32>
    %gt3A_40 = arith.constant 0.000000e+00 : f32
    %gt3A_41 = vector.broadcast %gt3A_40 : f32 to vector<1x512xf32>
    %gt3A_42 = arith.cmpf ogt, %broadcast_in_dim3A_10, %gt3A_41 : vector<1x512xf32>
    %jit3A_43 = arith.constant -1 : i32
    %broadcast_in_dim3A_44 = vector.broadcast %jit3A_43 : i32 to vector<1x512xi32>
    %select_n3A_45 = arith.select %gt3A_42, %iota3A_6, %broadcast_in_dim3A_44 : vector<1x512xi1>, vector<1x512xi32>
    %reduce_max3A_46 = vector.shape_cast %select_n3A_45 : vector<1x512xi32> to vector<1x1x512xi32>
    %reduce_max3A_47 = arith.constant dense<-2147483648> : vector<1xi32>
    %reduce_max3A_48 = vector.multi_reduction <maxsi>, %reduce_max3A_46, %reduce_max3A_47 [1, 2] : vector<1x1x512xi32> to vector<1xi32>
    %reduce_max3A_49 = vector.shape_cast %reduce_max3A_48 : vector<1xi32> to vector<1x1x1xi32>
    %reduce_max3A_50 = vector.extract %reduce_max3A_49[0, 0, 0] : i32 from vector<1x1x1xi32>
    %lt3A = arith.constant 0 : i32
    %lt3A_51 = arith.cmpi slt, %reduce_max3A_28, %lt3A : i32
    %jit3A_52 = arith.constant 0 : i32
    %select_n3A_53 = arith.select %lt3A_51, %jit3A_52, %reduce_min3A_17 : i32
    %jit3A_54 = arith.constant 511 : i32
    %select_n3A_55 = arith.select %lt3A_51, %jit3A_54, %reduce_max3A_28 : i32
    %jit3A_56 = arith.constant 0 : i32
    %select_n3A_57 = arith.select %lt3A_51, %jit3A_56, %reduce_min3A_39 : i32
    %jit3A_58 = arith.constant 511 : i32
    %select_n3A_59 = arith.select %lt3A_51, %jit3A_58, %reduce_max3A_50 : i32
    %add3A = arith.constant 1 : i32
    %add3A_60 = arith.addi %select_n3A_55, %add3A : i32
    %sub3A = arith.subi %add3A_60, %select_n3A_53 : i32
    %add3A_61 = arith.constant 1 : i32
    %add3A_62 = arith.addi %select_n3A_59, %add3A_61 : i32
    %sub3A_63 = arith.subi %add3A_62, %select_n3A_57 : i32
    %convert_element_type3A = arith.sitofp %sub3A : i32 to f32
    %mul3A = arith.constant 2.000000e-01 : f32
    %mul3A_64 = arith.mulf %mul3A, %convert_element_type3A : f32
    %convert_element_type3A_65 = arith.fptosi %mul3A_64 : f32 to i32
    %convert_element_type3A_66 = arith.sitofp %sub3A_63 : i32 to f32
    %mul3A_67 = arith.constant 2.000000e-01 : f32
    %mul3A_68 = arith.mulf %mul3A_67, %convert_element_type3A_66 : f32
    %convert_element_type3A_69 = arith.fptosi %mul3A_68 : f32 to i32
    %sub3A_70 = arith.subi %select_n3A_53, %convert_element_type3A_65 : i32
    %max3A = arith.constant 0 : i32
    %max3A_71 = arith.maxsi %max3A, %sub3A_70 : i32
    %add3A_72 = arith.constant 1 : i32
    %add3A_73 = arith.addi %select_n3A_55, %add3A_72 : i32
    %add3A_74 = arith.addi %add3A_73, %convert_element_type3A_65 : i32
    %min3A = arith.constant 511 : i32
    %min3A_75 = arith.minsi %add3A_74, %min3A : i32
    %sub3A_76 = arith.subi %select_n3A_57, %convert_element_type3A_69 : i32
    %max3A_77 = arith.constant 0 : i32
    %max3A_78 = arith.maxsi %max3A_77, %sub3A_76 : i32
    %add3A_79 = arith.constant 1 : i32
    %add3A_80 = arith.addi %select_n3A_59, %add3A_79 : i32
    %add3A_81 = arith.addi %add3A_80, %convert_element_type3A_69 : i32
    %min3A_82 = arith.constant 511 : i32
    %min3A_83 = arith.minsi %add3A_81, %min3A_82 : i32
    %ge3A = vector.broadcast %max3A_71 : i32 to vector<512x512xi32>
    %ge3A_84 = arith.cmpi sge, %iota3A, %ge3A : vector<512x512xi32>
    %lt3A_85 = vector.broadcast %min3A_75 : i32 to vector<512x512xi32>
    %lt3A_86 = arith.cmpi slt, %iota3A, %lt3A_85 : vector<512x512xi32>
    %and3A = arith.andi %ge3A_84, %lt3A_86 : vector<512x512xi1>
    %ge3A_87 = vector.broadcast %max3A_78 : i32 to vector<512x512xi32>
    %ge3A_88 = arith.cmpi sge, %iota3A_4, %ge3A_87 : vector<512x512xi32>
    %and3A_89 = arith.andi %and3A, %ge3A_88 : vector<512x512xi1>
    %lt3A_90 = vector.broadcast %min3A_83 : i32 to vector<512x512xi32>
    %lt3A_91 = arith.cmpi slt, %iota3A_4, %lt3A_90 : vector<512x512xi32>
    %and3A_92 = arith.andi %and3A_89, %lt3A_91 : vector<512x512xi1>
    %jit3A_93 = arith.constant 0.000000e+00 : f32
    %broadcast_in_dim3A_94 = vector.broadcast %jit3A_93 : f32 to vector<512x512xf32>
    %select_n3A_95 = arith.select %and3A_92, %get3A_3, %broadcast_in_dim3A_94 : vector<512x512xi1>, vector<512x512xf32>
    %eq3A = arith.constant 0 : i32
    %eq3A_96 = arith.cmpi eq, %arg0, %eq3A : i32
    %convert_element_type3A_97 = arith.extui %eq3A_96 : i1 to i32
    %cond3A = arith.constant 0 : i32
    %cond3A_98 = arith.cmpi ne, %convert_element_type3A_97, %cond3A : i32
    scf.if %cond3A_98 {
      %swap3A_437 = arith.constant 0 : index
      %swap3A_438 = arith.constant 0 : index
      %swap3A_439 = vector.load %arg8[%swap3A_437, %swap3A_438] : memref<512x512xf32, #tpu.memory_space<vmem>>, vector<512x512xf32>
      tpu.vector_store %arg8[%swap3A_437, %swap3A_438], %get3A_3 {strides = array<i32>} : memref<512x512xf32, #tpu.memory_space<vmem>>, vector<512x512xf32>,
    } else {
    }
    %gt3A_99 = arith.constant 0 : i32
    %gt3A_100 = arith.cmpi sgt, %arg0, %gt3A_99 : i32
    %convert_element_type3A_101 = arith.extui %gt3A_100 : i1 to i32
    %cond3A_102 = arith.constant 0 : i32
    %cond3A_103 = arith.cmpi ne, %convert_element_type3A_101, %cond3A_102 : i32
    scf.if %cond3A_103 {
      %get3A_437 = arith.constant 0 : index
      %get3A_438 = arith.constant 0 : index
      %get3A_439 = vector.load %arg8[%get3A_437, %get3A_438] : memref<512x512xf32, #tpu.memory_space<vmem>>, vector<512x512xf32>
      %max3A_440 = arith.maximumf %get3A_439, %get3A_3 : vector<512x512xf32>
      %swap3A_441 = arith.constant 0 : index
      %swap3A_442 = arith.constant 0 : index
      %swap3A_443 = vector.load %arg8[%swap3A_441, %swap3A_442] : memref<512x512xf32, #tpu.memory_space<vmem>>, vector<512x512xf32>
      tpu.vector_store %arg8[%swap3A_441, %swap3A_442], %max3A_440 {strides = array<i32>} : memref<512x512xf32, #tpu.memory_space<vmem>>, vector<512x512xf32>,
    } else {
    }
    %reduce_sum3A = arith.constant dense<0.000000e+00> : vector<512xf32>
    %reduce_sum3A_104 = vector.multi_reduction <add>, %select_n3A_95, %reduce_sum3A [1] : vector<512x512xf32> to vector<512xf32>
    %broadcast_in_dim3A_105 = vector.shape_cast %reduce_sum3A_104 : vector<512xf32> to vector<512x1xf32>
    %iota3A_106 = tpu.iota {dimensions = array<i32: 0>} : vector<512x512xi32>
    %iota3A_107 = tpu.iota {dimensions = array<i32: 1>} : vector<512x512xi32>
    %le3A = arith.cmpi sle, %iota3A_106, %iota3A_107 : vector<512x512xi32>
    %convert_element_type3A_108 = arith.extui %le3A : vector<512x512xi1> to vector<512x512xi32>
    %convert_element_type3A_109 = arith.sitofp %convert_element_type3A_108 : vector<512x512xi32> to vector<512x512xf32>
    %convert_element_type3A_110 = arith.truncf %convert_element_type3A_109 : vector<512x512xf32> to vector<512x512xbf16>
    %convert_element_type3A_111 = arith.fptosi %broadcast_in_dim3A_105 : vector<512x1xf32> to vector<512x1xi32>
    %shift_right_logical3A = arith.constant 4 : i32
    %shift_right_logical3A_112 = vector.broadcast %shift_right_logical3A : i32 to vector<512x1xi32>
    %shift_right_logical3A_113 = arith.shrui %convert_element_type3A_111, %shift_right_logical3A_112 : vector<512x1xi32>
    %convert_element_type3A_114 = arith.sitofp %shift_right_logical3A_113 : vector<512x1xi32> to vector<512x1xbf16>
    %and3A_115 = arith.constant 15 : i32
    %and3A_116 = vector.broadcast %and3A_115 : i32 to vector<512x1xi32>
    %and3A_117 = arith.andi %convert_element_type3A_111, %and3A_116 : vector<512x1xi32>
    %convert_element_type3A_118 = arith.sitofp %and3A_117 : vector<512x1xi32> to vector<512x1xbf16>
    %dot_general3A = arith.constant dense<0.000000e+00> : vector<1x512xf32>
    %dot_general3A_119 = tpu.matmul %convert_element_type3A_114, %convert_element_type3A_110, %dot_general3A {dimension_numbers = #tpu.dot_dimension_numbers<[0], [0], [1], [1], [0, 1, 1, 1], [], []>, transpose_lhs_hint = false} : vector<512x1xbf16>, vector<512x512xbf16>, vector<1x512xf32> -> vector<1x512xf32>
    %dot_general3A_120 = arith.constant dense<0.000000e+00> : vector<1x512xf32>
    %dot_general3A_121 = tpu.matmul %convert_element_type3A_118, %convert_element_type3A_110, %dot_general3A_120 {dimension_numbers = #tpu.dot_dimension_numbers<[0], [0], [1], [1], [0, 1, 1, 1], [], []>, transpose_lhs_hint = false} : vector<512x1xbf16>, vector<512x512xbf16>, vector<1x512xf32> -> vector<1x512xf32>
    %mul3A_122 = arith.constant 1.600000e+01 : f32
    %mul3A_123 = vector.broadcast %mul3A_122 : f32 to vector<1x512xf32>
    %mul3A_124 = arith.mulf %dot_general3A_119, %mul3A_123 : vector<1x512xf32>
    %add3A_125 = arith.addf %mul3A_124, %dot_general3A_121 : vector<1x512xf32>
    %iota3A_126 = tpu.iota {dimensions = array<i32: 1>} : vector<1x512xi32>
    %sub3A_127 = vector.broadcast %max3A_71 : i32 to vector<1x512xi32>
    %sub3A_128 = arith.subi %iota3A_126, %sub3A_127 : vector<1x512xi32>
    %add3A_129 = arith.constant 1 : i32
    %add3A_130 = vector.broadcast %add3A_129 : i32 to vector<1x512xi32>
    %add3A_131 = arith.addi %sub3A_128, %add3A_130 : vector<1x512xi32>
    %sub3A_132 = arith.subi %min3A_75, %max3A_71 : i32
    %jit3A_133 = arith.constant 0 : i32
    %max3A_134 = vector.broadcast %jit3A_133 : i32 to vector<1x512xi32>
    %max3A_135 = arith.maxsi %max3A_134, %add3A_131 : vector<1x512xi32>
    %min3A_136 = vector.broadcast %sub3A_132 : i32 to vector<1x512xi32>
    %min3A_137 = arith.minsi %min3A_136, %max3A_135 : vector<1x512xi32>
    %sub3A_138 = arith.subi %min3A_83, %max3A_78 : i32
    %mul3A_139 = vector.broadcast %sub3A_138 : i32 to vector<1x512xi32>
    %mul3A_140 = arith.muli %min3A_137, %mul3A_139 : vector<1x512xi32>
    %convert_element_type3A_141 = arith.sitofp %mul3A_140 : vector<1x512xi32> to vector<1x512xf32>
    %convert_element_type3A_142 = arith.fptosi %add3A_125 : vector<1x512xf32> to vector<1x512xi32>
    %swap3A = arith.constant 0 : index
    %swap3A_143 = arith.constant 0 : index
    %swap3A_144 = arith.constant 0 : index
    %swap3A_145 = vector.load %arg3[%swap3A, %swap3A_143, %swap3A_144] : memref<1x1x512xi32, #tpu.memory_space<vmem>>, vector<1x1x512xi32>
    %swap3A_146 = vector.shape_cast %swap3A_145 : vector<1x1x512xi32> to vector<1x512xi32>
    %swap3A_147 = vector.shape_cast %convert_element_type3A_142 : vector<1x512xi32> to vector<1x1x512xi32>
    tpu.vector_store %arg3[%swap3A, %swap3A_143, %swap3A_144], %swap3A_147 {strides = array<i32>} : memref<1x1x512xi32, #tpu.memory_space<vmem>>, vector<1x1x512xi32>,
    %sub3A_148 = arith.subf %convert_element_type3A_141, %add3A_125 : vector<1x512xf32>
    %convert_element_type3A_149 = arith.fptosi %sub3A_148 : vector<1x512xf32> to vector<1x512xi32>
    %swap3A_150 = arith.constant 0 : index
    %swap3A_151 = arith.constant 0 : index
    %swap3A_152 = arith.constant 0 : index
    %swap3A_153 = vector.load %arg4[%swap3A_150, %swap3A_151, %swap3A_152] : memref<1x1x512xi32, #tpu.memory_space<vmem>>, vector<1x1x512xi32>
    %swap3A_154 = vector.shape_cast %swap3A_153 : vector<1x1x512xi32> to vector<1x512xi32>
    %swap3A_155 = vector.shape_cast %convert_element_type3A_149 : vector<1x512xi32> to vector<1x1x512xi32>
    tpu.vector_store %arg4[%swap3A_150, %swap3A_151, %swap3A_152], %swap3A_155 {strides = array<i32>} : memref<1x1x512xi32, #tpu.memory_space<vmem>>, vector<1x1x512xi32>,
    %iota3A_156 = tpu.iota {dimensions = array<i32: 0>} : vector<512x32xi32>
    %jit3A_157 = arith.constant 16 : i32
    %div3A = vector.broadcast %jit3A_157 : i32 to vector<512x32xi32>
    %div3A_158 = arith.divsi %iota3A_156, %div3A : vector<512x32xi32>
    %sign3A = arith.constant 0 : i32
    %sign3A_159 = vector.broadcast %sign3A : i32 to vector<512x32xi32>
    %sign3A_160 = arith.cmpi sgt, %iota3A_156, %sign3A_159 : vector<512x32xi32>
    %sign3A_161 = arith.extui %sign3A_160 : vector<512x32xi1> to vector<512x32xi32>
    %sign3A_162 = arith.constant 0 : i32
    %sign3A_163 = vector.broadcast %sign3A_162 : i32 to vector<512x32xi32>
    %sign3A_164 = arith.cmpi slt, %iota3A_156, %sign3A_163 : vector<512x32xi32>
    %sign3A_165 = arith.extui %sign3A_164 : vector<512x32xi1> to vector<512x32xi32>
    %sign3A_166 = arith.subi %sign3A_161, %sign3A_165 : vector<512x32xi32>
    %sign3A_167 = arith.constant 0 : i32
    %sign3A_168 = arith.cmpi sgt, %jit3A_157, %sign3A_167 : i32
    %sign3A_169 = arith.extui %sign3A_168 : i1 to i32
    %sign3A_170 = arith.constant 0 : i32
    %sign3A_171 = arith.cmpi slt, %jit3A_157, %sign3A_170 : i32
    %sign3A_172 = arith.extui %sign3A_171 : i1 to i32
    %sign3A_173 = arith.subi %sign3A_169, %sign3A_172 : i32
    %ne3A = vector.broadcast %sign3A_173 : i32 to vector<512x32xi32>
    %ne3A_174 = arith.cmpi ne, %sign3A_166, %ne3A : vector<512x32xi32>
    %rem3A = vector.broadcast %jit3A_157 : i32 to vector<512x32xi32>
    %rem3A_175 = arith.remsi %iota3A_156, %rem3A : vector<512x32xi32>
    %ne3A_176 = arith.constant 0 : i32
    %ne3A_177 = vector.broadcast %ne3A_176 : i32 to vector<512x32xi32>
    %ne3A_178 = arith.cmpi ne, %rem3A_175, %ne3A_177 : vector<512x32xi32>
    %and3A_179 = arith.andi %ne3A_174, %ne3A_178 : vector<512x32xi1>
    %sub3A_180 = arith.constant 1 : i32
    %sub3A_181 = vector.broadcast %sub3A_180 : i32 to vector<512x32xi32>
    %sub3A_182 = arith.subi %div3A_158, %sub3A_181 : vector<512x32xi32>
    %select_n3A_183 = arith.select %and3A_179, %sub3A_182, %div3A_158 : vector<512x32xi1>, vector<512x32xi32>
    %iota3A_184 = tpu.iota {dimensions = array<i32: 1>} : vector<512x32xi32>
    %eq3A_185 = arith.cmpi eq, %select_n3A_183, %iota3A_184 : vector<512x32xi32>
    %convert_element_type3A_186 = arith.extui %eq3A_185 : vector<512x32xi1> to vector<512x32xi32>
    %convert_element_type3A_187 = arith.sitofp %convert_element_type3A_186 : vector<512x32xi32> to vector<512x32xf32>
    %convert_element_type3A_188 = arith.truncf %convert_element_type3A_187 : vector<512x32xf32> to vector<512x32xbf16>
    %iota3A_189 = tpu.iota {dimensions = array<i32: 0>} : vector<32x32xi32>
    %iota3A_190 = tpu.iota {dimensions = array<i32: 1>} : vector<32x32xi32>
    %le3A_191 = arith.cmpi sle, %iota3A_189, %iota3A_190 : vector<32x32xi32>
    %convert_element_type3A_192 = arith.extui %le3A_191 : vector<32x32xi1> to vector<32x32xi32>
    %convert_element_type3A_193 = arith.sitofp %convert_element_type3A_192 : vector<32x32xi32> to vector<32x32xf32>
    %convert_element_type3A_194 = arith.truncf %convert_element_type3A_193 : vector<32x32xf32> to vector<32x32xbf16>
    %convert_element_type3A_195 = arith.truncf %select_n3A_95 : vector<512x512xf32> to vector<512x512xbf16>
    %dot_general3A_196 = arith.constant dense<0.000000e+00> : vector<512x32xf32>
    %dot_general3A_197 = tpu.matmul %convert_element_type3A_195, %convert_element_type3A_188, %dot_general3A_196 {dimension_numbers = #tpu.dot_dimension_numbers<[1], [0], [0], [1], [0, 0, 1, 1], [], []>, transpose_lhs_hint = false} : vector<512x512xbf16>, vector<512x32xbf16>, vector<512x32xf32> -> vector<512x32xf32>
    %convert_element_type3A_198 = arith.truncf %dot_general3A_197 : vector<512x32xf32> to vector<512x32xbf16>
    %dot_general3A_199 = arith.constant dense<0.000000e+00> : vector<512x32xf32>
    %dot_general3A_200 = tpu.matmul %convert_element_type3A_198, %convert_element_type3A_194, %dot_general3A_199 {dimension_numbers = #tpu.dot_dimension_numbers<[1], [0], [0], [1], [0, 0, 1, 1], [], []>, transpose_lhs_hint = false} : vector<512x32xbf16>, vector<32x32xbf16>, vector<512x32xf32> -> vector<512x32xf32>
    %convert_element_type3A_201 = arith.fptosi %dot_general3A_200 : vector<512x32xf32> to vector<512x32xi32>
    %swap3A_202 = arith.constant 0 : index
    %swap3A_203 = arith.constant 0 : index
    %swap3A_204 = arith.constant 0 : index
    %swap3A_205 = vector.load %arg5[%swap3A_202, %swap3A_203, %swap3A_204] : memref<1x512x32xi32, #tpu.memory_space<vmem>>, vector<1x512x32xi32>
    %swap3A_206 = vector.shape_cast %swap3A_205 : vector<1x512x32xi32> to vector<512x32xi32>
    %swap3A_207 = vector.shape_cast %convert_element_type3A_201 : vector<512x32xi32> to vector<1x512x32xi32>
    tpu.vector_store %arg5[%swap3A_202, %swap3A_203, %swap3A_204], %swap3A_207 {strides = array<i32>} : memref<1x512x32xi32, #tpu.memory_space<vmem>>, vector<1x512x32xi32>,
    %ge3A_208 = vector.broadcast %max3A_71 : i32 to vector<512x1xi32>
    %ge3A_209 = arith.cmpi sge, %iota3A_5, %ge3A_208 : vector<512x1xi32>
    %lt3A_210 = vector.broadcast %min3A_75 : i32 to vector<512x1xi32>
    %lt3A_211 = arith.cmpi slt, %iota3A_5, %lt3A_210 : vector<512x1xi32>
    %and3A_212 = arith.andi %ge3A_209, %lt3A_211 : vector<512x1xi1>
    %convert_element_type3A_213 = arith.extui %and3A_212 : vector<512x1xi1> to vector<512x1xi32>
    %convert_element_type3A_214 = arith.sitofp %convert_element_type3A_213 : vector<512x1xi32> to vector<512x1xf32>
    %iota3A_215 = tpu.iota {dimensions = array<i32: 1>} : vector<512x32xi32>
    %add3A_216 = arith.constant 1 : i32
    %add3A_217 = vector.broadcast %add3A_216 : i32 to vector<512x32xi32>
    %add3A_218 = arith.addi %iota3A_215, %add3A_217 : vector<512x32xi32>
    %mul3A_219 = arith.constant 16 : i32
    %mul3A_220 = vector.broadcast %mul3A_219 : i32 to vector<512x32xi32>
    %mul3A_221 = arith.muli %add3A_218, %mul3A_220 : vector<512x32xi32>
    %min3A_222 = vector.broadcast %min3A_83 : i32 to vector<512x32xi32>
    %min3A_223 = arith.minsi %mul3A_221, %min3A_222 : vector<512x32xi32>
    %sub3A_224 = vector.broadcast %max3A_78 : i32 to vector<512x32xi32>
    %sub3A_225 = arith.subi %min3A_223, %sub3A_224 : vector<512x32xi32>
    %max3A_226 = arith.constant 0 : i32
    %max3A_227 = vector.broadcast %max3A_226 : i32 to vector<512x32xi32>
    %max3A_228 = arith.maxsi %max3A_227, %sub3A_225 : vector<512x32xi32>
    %convert_element_type3A_229 = arith.sitofp %max3A_228 : vector<512x32xi32> to vector<512x32xf32>
    %mul3A_230 = vector.broadcast %convert_element_type3A_214 : vector<512x1xf32> to vector<512x32xf32>
    %mul3A_231 = arith.mulf %convert_element_type3A_229, %mul3A_230 : vector<512x32xf32>
    %sub3A_232 = arith.subf %mul3A_231, %dot_general3A_200 : vector<512x32xf32>
    %convert_element_type3A_233 = arith.fptosi %sub3A_232 : vector<512x32xf32> to vector<512x32xi32>
    %swap3A_234 = arith.constant 0 : index
    %swap3A_235 = arith.constant 0 : index
    %swap3A_236 = arith.constant 0 : index
    %swap3A_237 = vector.load %arg6[%swap3A_234, %swap3A_235, %swap3A_236] : memref<1x512x32xi32, #tpu.memory_space<vmem>>, vector<1x512x32xi32>
    %swap3A_238 = vector.shape_cast %swap3A_237 : vector<1x512x32xi32> to vector<512x32xi32>
    %swap3A_239 = vector.shape_cast %convert_element_type3A_233 : vector<512x32xi32> to vector<1x512x32xi32>
    tpu.vector_store %arg6[%swap3A_234, %swap3A_235, %swap3A_236], %swap3A_239 {strides = array<i32>} : memref<1x512x32xi32, #tpu.memory_space<vmem>>, vector<1x512x32xi32>,
    %iota3A_240 = tpu.iota {dimensions = array<i32: 0>} : vector<512x32xi32>
    %iota3A_241 = tpu.iota {dimensions = array<i32: 1>} : vector<512x32xi32>
    %jit3A_242 = arith.constant 16 : i32
    %div3A_243 = vector.broadcast %jit3A_242 : i32 to vector<512x32xi32>
    %div3A_244 = arith.divsi %iota3A_240, %div3A_243 : vector<512x32xi32>
    %sign3A_245 = arith.constant 0 : i32
    %sign3A_246 = vector.broadcast %sign3A_245 : i32 to vector<512x32xi32>
    %sign3A_247 = arith.cmpi sgt, %iota3A_240, %sign3A_246 : vector<512x32xi32>
    %sign3A_248 = arith.extui %sign3A_247 : vector<512x32xi1> to vector<512x32xi32>
    %sign3A_249 = arith.constant 0 : i32
    %sign3A_250 = vector.broadcast %sign3A_249 : i32 to vector<512x32xi32>
    %sign3A_251 = arith.cmpi slt, %iota3A_240, %sign3A_250 : vector<512x32xi32>
    %sign3A_252 = arith.extui %sign3A_251 : vector<512x32xi1> to vector<512x32xi32>
    %sign3A_253 = arith.subi %sign3A_248, %sign3A_252 : vector<512x32xi32>
    %sign3A_254 = arith.constant 0 : i32
    %sign3A_255 = arith.cmpi sgt, %jit3A_242, %sign3A_254 : i32
    %sign3A_256 = arith.extui %sign3A_255 : i1 to i32
    %sign3A_257 = arith.constant 0 : i32
    %sign3A_258 = arith.cmpi slt, %jit3A_242, %sign3A_257 : i32
    %sign3A_259 = arith.extui %sign3A_258 : i1 to i32
    %sign3A_260 = arith.subi %sign3A_256, %sign3A_259 : i32
    %ne3A_261 = vector.broadcast %sign3A_260 : i32 to vector<512x32xi32>
    %ne3A_262 = arith.cmpi ne, %sign3A_253, %ne3A_261 : vector<512x32xi32>
    %rem3A_263 = vector.broadcast %jit3A_242 : i32 to vector<512x32xi32>
    %rem3A_264 = arith.remsi %iota3A_240, %rem3A_263 : vector<512x32xi32>
    %ne3A_265 = arith.constant 0 : i32
    %ne3A_266 = vector.broadcast %ne3A_265 : i32 to vector<512x32xi32>
    %ne3A_267 = arith.cmpi ne, %rem3A_264, %ne3A_266 : vector<512x32xi32>
    %and3A_268 = arith.andi %ne3A_262, %ne3A_267 : vector<512x32xi1>
    %sub3A_269 = arith.constant 1 : i32
    %sub3A_270 = vector.broadcast %sub3A_269 : i32 to vector<512x32xi32>
    %sub3A_271 = arith.subi %div3A_244, %sub3A_270 : vector<512x32xi32>
    %select_n3A_272 = arith.select %and3A_268, %sub3A_271, %div3A_244 : vector<512x32xi1>, vector<512x32xi32>
    %eq3A_273 = arith.cmpi eq, %select_n3A_272, %iota3A_241 : vector<512x32xi32>
    %jit3A_274 = arith.constant 16 : i32
    %eq3A_275 = arith.constant 0 : i32
    %eq3A_276 = arith.cmpi eq, %jit3A_274, %eq3A_275 : i32
    %jit3A_277 = arith.constant 1 : i32
    %select_n3A_278 = arith.select %eq3A_276, %jit3A_277, %jit3A_274 : i32
    %rem3A_279 = vector.broadcast %select_n3A_278 : i32 to vector<512x32xi32>
    %rem3A_280 = arith.remsi %iota3A_240, %rem3A_279 : vector<512x32xi32>
    %ne3A_281 = arith.constant 0 : i32
    %ne3A_282 = vector.broadcast %ne3A_281 : i32 to vector<512x32xi32>
    %ne3A_283 = arith.cmpi ne, %rem3A_280, %ne3A_282 : vector<512x32xi32>
    %lt3A_284 = arith.constant 0 : i32
    %lt3A_285 = vector.broadcast %lt3A_284 : i32 to vector<512x32xi32>
    %lt3A_286 = arith.cmpi slt, %rem3A_280, %lt3A_285 : vector<512x32xi32>
    %lt3A_287 = arith.constant 0 : i32
    %lt3A_288 = arith.cmpi slt, %select_n3A_278, %lt3A_287 : i32
    %ne3A_289 = vector.broadcast %lt3A_288 : i1 to vector<512x32xi1>
    %ne3A_290 = vector.broadcast %ne3A_289 : vector<512x32xi1> to vector<512x32xi1>
    %ne3A_291 = arith.xori %lt3A_286, %ne3A_290 : vector<512x32xi1>
    %and3A_292 = arith.andi %ne3A_291, %ne3A_283 : vector<512x32xi1>
    %add3A_293 = vector.broadcast %select_n3A_278 : i32 to vector<512x32xi32>
    %add3A_294 = arith.addi %rem3A_280, %add3A_293 : vector<512x32xi32>
    %select_n3A_295 = arith.select %and3A_292, %add3A_294, %rem3A_280 : vector<512x32xi1>, vector<512x32xi32>
    %shift_left3A = arith.constant 1 : i32
    %shift_left3A_296 = vector.broadcast %shift_left3A : i32 to vector<512x32xi32>
    %shift_left3A_297 = arith.shli %shift_left3A_296, %select_n3A_295 : vector<512x32xi32>
    %jit3A_298 = arith.constant 0 : i32
    %broadcast_in_dim3A_299 = vector.broadcast %jit3A_298 : i32 to vector<512x32xi32>
    %select_n3A_300 = arith.select %eq3A_273, %shift_left3A_297, %broadcast_in_dim3A_299 : vector<512x32xi1>, vector<512x32xi32>
    %convert_element_type3A_301 = arith.sitofp %select_n3A_300 : vector<512x32xi32> to vector<512x32xbf16>
    %dot_general3A_302 = arith.constant dense<0.000000e+00> : vector<512x32xf32>
    %dot_general3A_303 = tpu.matmul %convert_element_type3A_195, %convert_element_type3A_301, %dot_general3A_302 {dimension_numbers = #tpu.dot_dimension_numbers<[1], [0], [0], [1], [0, 0, 1, 1], [], []>, transpose_lhs_hint = false} : vector<512x512xbf16>, vector<512x32xbf16>, vector<512x32xf32> -> vector<512x32xf32>
    %convert_element_type3A_304 = arith.fptosi %dot_general3A_303 : vector<512x32xf32> to vector<512x32xi32>
    %swap3A_305 = arith.constant 0 : index
    %swap3A_306 = arith.constant 0 : index
    %swap3A_307 = arith.constant 0 : index
    %swap3A_308 = vector.load %arg7[%swap3A_305, %swap3A_306, %swap3A_307] : memref<1x512x32xi32, #tpu.memory_space<vmem>>, vector<1x512x32xi32>
    %swap3A_309 = vector.shape_cast %swap3A_308 : vector<1x512x32xi32> to vector<512x32xi32>
    %swap3A_310 = vector.shape_cast %convert_element_type3A_304 : vector<512x32xi32> to vector<1x512x32xi32>
    tpu.vector_store %arg7[%swap3A_305, %swap3A_306, %swap3A_307], %swap3A_310 {strides = array<i32>} : memref<1x512x32xi32, #tpu.memory_space<vmem>>, vector<1x512x32xi32>,
    %reduce_sum3A_311 = vector.shape_cast %broadcast_in_dim3A_105 : vector<512x1xf32> to vector<1x512x1xf32>
    %reduce_sum3A_312 = arith.constant dense<0.000000e+00> : vector<1xf32>
    %reduce_sum3A_313 = vector.multi_reduction <add>, %reduce_sum3A_311, %reduce_sum3A_312 [1, 2] : vector<1x512x1xf32> to vector<1xf32>
    %reduce_sum3A_314 = vector.shape_cast %reduce_sum3A_313 : vector<1xf32> to vector<1x1x1xf32>
    %reduce_sum3A_315 = vector.extract %reduce_sum3A_314[0, 0, 0] : f32 from vector<1x1x1xf32>
    %convert_element_type3A_316 = arith.fptosi %reduce_sum3A_315 : f32 to i32
    %sub3A_317 = arith.subi %min3A_75, %max3A_71 : i32
    %sub3A_318 = arith.subi %min3A_83, %max3A_78 : i32
    %mul3A_319 = arith.muli %sub3A_317, %sub3A_318 : i32
    %sub3A_320 = arith.subi %mul3A_319, %convert_element_type3A_316 : i32
    %convert_element_type3A_321 = arith.fptosi %select_n3A_95 : vector<512x512xf32> to vector<512x512xi32>
    %mul3A_322 = arith.muli %iota3A, %convert_element_type3A_321 : vector<512x512xi32>
    %reduce_sum3A_323 = vector.shape_cast %mul3A_322 : vector<512x512xi32> to vector<1x512x512xi32>
    %reduce_sum3A_324 = arith.constant dense<0> : vector<1xi32>
    %reduce_sum3A_325 = vector.multi_reduction <add>, %reduce_sum3A_323, %reduce_sum3A_324 [1, 2] : vector<1x512x512xi32> to vector<1xi32>
    %reduce_sum3A_326 = vector.shape_cast %reduce_sum3A_325 : vector<1xi32> to vector<1x1x1xi32>
    %reduce_sum3A_327 = vector.extract %reduce_sum3A_326[0, 0, 0] : i32 from vector<1x1x1xi32>
    %mul3A_328 = arith.muli %iota3A_4, %convert_element_type3A_321 : vector<512x512xi32>
    %reduce_sum3A_329 = vector.shape_cast %mul3A_328 : vector<512x512xi32> to vector<1x512x512xi32>
    %reduce_sum3A_330 = arith.constant dense<0> : vector<1xi32>
    %reduce_sum3A_331 = vector.multi_reduction <add>, %reduce_sum3A_329, %reduce_sum3A_330 [1, 2] : vector<1x512x512xi32> to vector<1xi32>
    %reduce_sum3A_332 = vector.shape_cast %reduce_sum3A_331 : vector<1xi32> to vector<1x1x1xi32>
    %reduce_sum3A_333 = vector.extract %reduce_sum3A_332[0, 0, 0] : i32 from vector<1x1x1xi32>
    %convert_element_type3A_334 = arith.sitofp %convert_element_type3A_316 : i32 to f32
    %convert_element_type3A_335 = arith.sitofp %reduce_sum3A_327 : i32 to f32
    %div3A_336 = arith.divf %convert_element_type3A_335, %convert_element_type3A_334 : f32
    %convert_element_type3A_337 = arith.sitofp %reduce_sum3A_333 : i32 to f32
    %div3A_338 = arith.divf %convert_element_type3A_337, %convert_element_type3A_334 : f32
    %gt3A_339 = arith.constant 0 : i32
    %gt3A_340 = arith.cmpi sgt, %sub3A_320, %gt3A_339 : i32
    %convert_element_type3A_341 = arith.extui %gt3A_340 : i1 to i32
    %convert_element_type3A_342 = arith.sitofp %convert_element_type3A_341 : i32 to f32
    %max3A_343 = arith.constant 1 : i32
    %max3A_344 = arith.maxsi %convert_element_type3A_316, %max3A_343 : i32
    %convert_element_type3A_345 = arith.sitofp %max3A_344 : i32 to f32
    %max3A_346 = arith.constant 1 : i32
    %max3A_347 = arith.maxsi %sub3A_320, %max3A_346 : i32
    %convert_element_type3A_348 = arith.sitofp %max3A_347 : i32 to f32
    %convert_element_type3A_349 = arith.sitofp %select_n3A_57 : i32 to f32
    %mul3A_350 = arith.constant 0.001953125 : f32
    %mul3A_351 = arith.mulf %convert_element_type3A_349, %mul3A_350 : f32
    %convert_element_type3A_352 = arith.sitofp %select_n3A_53 : i32 to f32
    %mul3A_353 = arith.constant 0.001953125 : f32
    %mul3A_354 = arith.mulf %convert_element_type3A_352, %mul3A_353 : f32
    %convert_element_type3A_355 = arith.sitofp %select_n3A_59 : i32 to f32
    %mul3A_356 = arith.constant 0.001953125 : f32
    %mul3A_357 = arith.mulf %convert_element_type3A_355, %mul3A_356 : f32
    %convert_element_type3A_358 = arith.sitofp %select_n3A_55 : i32 to f32
    %mul3A_359 = arith.constant 0.001953125 : f32
    %mul3A_360 = arith.mulf %convert_element_type3A_358, %mul3A_359 : f32
    %convert_element_type3A_361 = arith.sitofp %max3A_71 : i32 to f32
    %convert_element_type3A_362 = arith.sitofp %min3A_75 : i32 to f32
    %convert_element_type3A_363 = arith.sitofp %max3A_78 : i32 to f32
    %convert_element_type3A_364 = arith.sitofp %min3A_83 : i32 to f32
    %iota3A_365 = tpu.iota {dimensions = array<i32: 2>} : vector<1x1x128xi32>
    %broadcast_in_dim3A_366 = arith.constant 0.000000e+00 : f32
    %broadcast_in_dim3A_367 = vector.broadcast %broadcast_in_dim3A_366 : f32 to vector<1x1x128xf32>
    %eq3A_368 = arith.constant 0 : i32
    %eq3A_369 = vector.broadcast %eq3A_368 : i32 to vector<1x1x128xi32>
    %eq3A_370 = arith.cmpi eq, %iota3A_365, %eq3A_369 : vector<1x1x128xi32>
    %broadcast_in_dim3A_371 = vector.broadcast %mul3A_351 : f32 to vector<1x1x128xf32>
    %select_n3A_372 = arith.select %eq3A_370, %broadcast_in_dim3A_371, %broadcast_in_dim3A_367 : vector<1x1x128xi1>, vector<1x1x128xf32>
    %eq3A_373 = arith.constant 1 : i32
    %eq3A_374 = vector.broadcast %eq3A_373 : i32 to vector<1x1x128xi32>
    %eq3A_375 = arith.cmpi eq, %iota3A_365, %eq3A_374 : vector<1x1x128xi32>
    %broadcast_in_dim3A_376 = vector.broadcast %mul3A_354 : f32 to vector<1x1x128xf32>
    %select_n3A_377 = arith.select %eq3A_375, %broadcast_in_dim3A_376, %select_n3A_372 : vector<1x1x128xi1>, vector<1x1x128xf32>
    %eq3A_378 = arith.constant 2 : i32
    %eq3A_379 = vector.broadcast %eq3A_378 : i32 to vector<1x1x128xi32>
    %eq3A_380 = arith.cmpi eq, %iota3A_365, %eq3A_379 : vector<1x1x128xi32>
    %broadcast_in_dim3A_381 = vector.broadcast %mul3A_357 : f32 to vector<1x1x128xf32>
    %select_n3A_382 = arith.select %eq3A_380, %broadcast_in_dim3A_381, %select_n3A_377 : vector<1x1x128xi1>, vector<1x1x128xf32>
    %eq3A_383 = arith.constant 3 : i32
    %eq3A_384 = vector.broadcast %eq3A_383 : i32 to vector<1x1x128xi32>
    %eq3A_385 = arith.cmpi eq, %iota3A_365, %eq3A_384 : vector<1x1x128xi32>
    %broadcast_in_dim3A_386 = vector.broadcast %mul3A_360 : f32 to vector<1x1x128xf32>
    %select_n3A_387 = arith.select %eq3A_385, %broadcast_in_dim3A_386, %select_n3A_382 : vector<1x1x128xi1>, vector<1x1x128xf32>
    %eq3A_388 = arith.constant 4 : i32
    %eq3A_389 = vector.broadcast %eq3A_388 : i32 to vector<1x1x128xi32>
    %eq3A_390 = arith.cmpi eq, %iota3A_365, %eq3A_389 : vector<1x1x128xi32>
    %broadcast_in_dim3A_391 = vector.broadcast %div3A_336 : f32 to vector<1x1x128xf32>
    %select_n3A_392 = arith.select %eq3A_390, %broadcast_in_dim3A_391, %select_n3A_387 : vector<1x1x128xi1>, vector<1x1x128xf32>
    %eq3A_393 = arith.constant 5 : i32
    %eq3A_394 = vector.broadcast %eq3A_393 : i32 to vector<1x1x128xi32>
    %eq3A_395 = arith.cmpi eq, %iota3A_365, %eq3A_394 : vector<1x1x128xi32>
    %broadcast_in_dim3A_396 = vector.broadcast %div3A_338 : f32 to vector<1x1x128xf32>
    %select_n3A_397 = arith.select %eq3A_395, %broadcast_in_dim3A_396, %select_n3A_392 : vector<1x1x128xi1>, vector<1x1x128xf32>
    %eq3A_398 = arith.constant 6 : i32
    %eq3A_399 = vector.broadcast %eq3A_398 : i32 to vector<1x1x128xi32>
    %eq3A_400 = arith.cmpi eq, %iota3A_365, %eq3A_399 : vector<1x1x128xi32>
    %broadcast_in_dim3A_401 = vector.broadcast %convert_element_type3A_342 : f32 to vector<1x1x128xf32>
    %select_n3A_402 = arith.select %eq3A_400, %broadcast_in_dim3A_401, %select_n3A_397 : vector<1x1x128xi1>, vector<1x1x128xf32>
    %eq3A_403 = arith.constant 7 : i32
    %eq3A_404 = vector.broadcast %eq3A_403 : i32 to vector<1x1x128xi32>
    %eq3A_405 = arith.cmpi eq, %iota3A_365, %eq3A_404 : vector<1x1x128xi32>
    %broadcast_in_dim3A_406 = vector.broadcast %convert_element_type3A_345 : f32 to vector<1x1x128xf32>
    %select_n3A_407 = arith.select %eq3A_405, %broadcast_in_dim3A_406, %select_n3A_402 : vector<1x1x128xi1>, vector<1x1x128xf32>
    %eq3A_408 = arith.constant 8 : i32
    %eq3A_409 = vector.broadcast %eq3A_408 : i32 to vector<1x1x128xi32>
    %eq3A_410 = arith.cmpi eq, %iota3A_365, %eq3A_409 : vector<1x1x128xi32>
    %broadcast_in_dim3A_411 = vector.broadcast %convert_element_type3A_348 : f32 to vector<1x1x128xf32>
    %select_n3A_412 = arith.select %eq3A_410, %broadcast_in_dim3A_411, %select_n3A_407 : vector<1x1x128xi1>, vector<1x1x128xf32>
    %eq3A_413 = arith.constant 9 : i32
    %eq3A_414 = vector.broadcast %eq3A_413 : i32 to vector<1x1x128xi32>
    %eq3A_415 = arith.cmpi eq, %iota3A_365, %eq3A_414 : vector<1x1x128xi32>
    %broadcast_in_dim3A_416 = vector.broadcast %convert_element_type3A_361 : f32 to vector<1x1x128xf32>
    %select_n3A_417 = arith.select %eq3A_415, %broadcast_in_dim3A_416, %select_n3A_412 : vector<1x1x128xi1>, vector<1x1x128xf32>
    %eq3A_418 = arith.constant 10 : i32
    %eq3A_419 = vector.broadcast %eq3A_418 : i32 to vector<1x1x128xi32>
    %eq3A_420 = arith.cmpi eq, %iota3A_365, %eq3A_419 : vector<1x1x128xi32>
    %broadcast_in_dim3A_421 = vector.broadcast %convert_element_type3A_362 : f32 to vector<1x1x128xf32>
    %select_n3A_422 = arith.select %eq3A_420, %broadcast_in_dim3A_421, %select_n3A_417 : vector<1x1x128xi1>, vector<1x1x128xf32>
    %eq3A_423 = arith.constant 11 : i32
    %eq3A_424 = vector.broadcast %eq3A_423 : i32 to vector<1x1x128xi32>
    %eq3A_425 = arith.cmpi eq, %iota3A_365, %eq3A_424 : vector<1x1x128xi32>
    %broadcast_in_dim3A_426 = vector.broadcast %convert_element_type3A_363 : f32 to vector<1x1x128xf32>
    %select_n3A_427 = arith.select %eq3A_425, %broadcast_in_dim3A_426, %select_n3A_422 : vector<1x1x128xi1>, vector<1x1x128xf32>
    %eq3A_428 = arith.constant 12 : i32
    %eq3A_429 = vector.broadcast %eq3A_428 : i32 to vector<1x1x128xi32>
    %eq3A_430 = arith.cmpi eq, %iota3A_365, %eq3A_429 : vector<1x1x128xi32>
    %broadcast_in_dim3A_431 = vector.broadcast %convert_element_type3A_364 : f32 to vector<1x1x128xf32>
    %select_n3A_432 = arith.select %eq3A_430, %broadcast_in_dim3A_431, %select_n3A_427 : vector<1x1x128xi1>, vector<1x1x128xf32>
    %swap3A_433 = arith.constant 0 : index
    %swap3A_434 = arith.constant 0 : index
    %swap3A_435 = arith.constant 0 : index
    %swap3A_436 = vector.load %arg2[%swap3A_433, %swap3A_434, %swap3A_435] : memref<1x1x128xf32, #tpu.memory_space<vmem>>, vector<1x1x128xf32>
    tpu.vector_store %arg2[%swap3A_433, %swap3A_434, %swap3A_435], %select_n3A_432 {strides = array<i32>} : memref<1x1x128xf32, #tpu.memory_space<vmem>>, vector<1x1x128xf32>,
    return
  }
  func.func @transform_0(%arg0: i32) -> (i32, i32, i32) {
    %c0_i32 = arith.constant 0 : i32
    %c0_i32_0 = arith.constant 0 : i32
    %c0_i32_1 = arith.constant 0 : i32
    return %arg0, %c0_i32, %c0_i32_0 : i32, i32, i32
  }
  func.func @transform_1(%arg0: i32) -> (i32, i32, i32) {
    %c0_i32 = arith.constant 0 : i32
    %c0_i32_0 = arith.constant 0 : i32
    %c0_i32_1 = arith.constant 0 : i32
    return %arg0, %c0_i32, %c0_i32_0 : i32, i32, i32
  }
  func.func @transform_2(%arg0: i32) -> (i32, i32, i32) {
    %c0_i32 = arith.constant 0 : i32
    %c0_i32_0 = arith.constant 0 : i32
    %c0_i32_1 = arith.constant 0 : i32
    return %arg0, %c0_i32, %c0_i32_0 : i32, i32, i32
  }
  func.func @transform_3(%arg0: i32) -> (i32, i32, i32) {
    %c0_i32 = arith.constant 0 : i32
    %c0_i32_0 = arith.constant 0 : i32
    %c0_i32_1 = arith.constant 0 : i32
    return %arg0, %c0_i32, %c0_i32_0 : i32, i32, i32
  }
  func.func @transform_4(%arg0: i32) -> (i32, i32, i32) {
    %c0_i32 = arith.constant 0 : i32
    %c0_i32_0 = arith.constant 0 : i32
    %c0_i32_1 = arith.constant 0 : i32
    return %arg0, %c0_i32, %c0_i32_0 : i32, i32, i32
  }
  func.func @transform_5(%arg0: i32) -> (i32, i32, i32) {
    %c0_i32 = arith.constant 0 : i32
    %c0_i32_0 = arith.constant 0 : i32
    %c0_i32_1 = arith.constant 0 : i32
    return %arg0, %c0_i32, %c0_i32_0 : i32, i32, i32
  }
  func.func @transform_6(%arg0: i32) -> (i32, i32, i32) {
    %c0_i32 = arith.constant 0 : i32
    %c0_i32_0 = arith.constant 0 : i32
    %c0_i32_1 = arith.constant 0 : i32
    return %arg0, %c0_i32, %c0_i32_0 : i32, i32, i32
  }
  func.func @transform_7(%arg0: i32) -> (i32, i32) {
    %c0_i32 = arith.constant 0 : i32
    %c0_i32_0 = arith.constant 0 : i32
    %c0_i32_1 = arith.constant 0 : i32
    return %c0_i32, %c0_i32_0 : i32, i32
  }
}

</mosaic_0001>

<sc_bundles>
// kernel: kernel.4.cloned.1.call-start
scs
__scs_entry_jumppad:
0x0: {  	(pc) =	sbr.rel $0x88, $3  }
0x1: {  	(tag) =	ssettag $0x0;
	lr =	simm.s32 $0x1  }
0x2: {  	[smem:$0x3F9E] =	sst lr;
	_ =	strace $0xD0000000  }
0x3: {  	_ = 	snop  }
0x4: {  	_ = 	snop  }
0x5: {  	_ = 	snop  }
0x6: {  	_ = 	snop  }
0x7: {  	_ = 	snop  }
__scs_overlays_trampoline_lowered:
0x8: {  	[smem:$0x3FAD] =	sst s0  }
0x9: {  	[smem:$0x3FAE] =	sst s1  }
0xa: {  	[smem:$0x3FAF] =	sst s2  }
0xb: {  	[smem:$0x3FB0] =	sst s3  }
0xc: {  	[smem:$0x3FB1] =	sst s4  }
0xd: {  	[smem:$0x3FB2] =	sst s5  }
0xe: {  	[smem:$0x3FB3] =	sst s6  }
0xf: {  	[smem:$0x3FB4] =	sst s7  }
0x10: {  	[smem:$0x3FB5] =	sst s8  }
0x11: {  	[smem:$0x3FB6] =	sst s9;
	s0 =	simm.s32 @!p0 $0x0  }
0x12: {  	s1 =	sld [smem:$0x3F9C];
	s0 =	simm.s32 @p0 $0x1  }
0x13: {  	[smem:$0x3FB7] =	sst s0;
	s0 =	simm.s32 @!p1 $0x0  }
0x14: {  	s2 =	sld [smem:$0x3F9B];
	s0 =	simm.s32 @p1 $0x1  }
0x15: {  	[smem:$0x3FB8] =	sst s0;
	s0 =	simm.s32 @!p2 $0x0  }
0x16: {  	s3 =	sld [smem:$0x3FDB];
	s0 =	simm.s32 @p2 $0x1  }
0x17: {  	s4 =	simm.s32 $0x1BF5;
	[smem:$0x3FBA] =	sst s0  }
0x18: {  	s0 =	sld [smem:$0x3F9D];
	_ =	swait.ge [sflag:s4], $0x0  }
0x19: {  	s7 =	sld [smem:$0x3F9E]  }
0x1a: {  	s8 =	sadd.s32 $0xFFFFE003, lr  }
0x1b: {  	s9 =	sadd.s32 $0xFFFFFEF7, lr;
	s5 =	simm.s32 $0xFFFFFFFF;
	p2 =	slt.u32 s8, $0xFFFFF086  }
0x1c: {  	p1 =	slt.u32 s9, $0xF7A;
	s5 =	simm.s32 @!p2 $0x0  }
0x1d: {  	s5 =	simm.s32 @p1 $0x1;
	p0 =	seq.s32 s7, s2  }
0x1e: {  	s7 =	smul.u32 @!p0 $0xF7A, s2;
	p2 =	seq.s32 @!p0 s5, $0x0  }
0x1f: {  	s9 =	smul.u32 $0xF7A, s1;
	s8 =	simm.s32 @!p0 $0x1BF5;
	p2 =	por !p2, p0  }
0x20: {  	[sflag:s8] =	ssyncset.s32 @!p0 $0xFFFFF086;
	s6 =	sadd.s32 @!p0 s3, s7;
	s7 =	simm.s32 @!p0 $0x108  }
0x21: {  	s3 =	sadd.s32 s3, s9;
	s6 =	sadd.s32 @!p0 $0x88, s6;
	s7 =	simm.s32 @p2 $0x1082  }
0x22: {  	[simem:s7], [sflag:s8] =	dma.local @!p0 [hbm:s6], $0xF7A  }
0x23: {  	s9 =	sor.u32 $0xD0000000, s2;
	s6 =	simm.s32 $0x108;
	_ =	swait.ge @!p0 [sflag:s8], $0x0  }
0x24: {  	s3 =	sadd.s32 $0x88, s3;
	s6 =	simm.s32 @!p1 $0x1082;
	[sflag:s4] =	ssyncset.s32 $0xFFFFF086  }
0x25: {  	[simem:s6], [sflag:s4] =	dma.local [hbm:s3], $0xF7A  }
0x26: {  	[smem:$0x3F9E] =	sst s1;
	(tag) =	ssettag s2;
	_ =	strace s9  }
0x27: {  	s1 =	sld [smem:$0x3FAE]  }
0x28: {  	s2 =	sld [smem:$0x3FAF]  }
0x29: {  	s4 =	sld [smem:$0x3FB1]  }
0x2a: {  	p0 =	seq.s32 s5, $0x0;
	s5 =	sld [smem:$0x3FB2]  }
0x2b: {  	s6 =	sld [smem:$0x3FB3]  }
0x2c: {  	s7 =	sld [smem:$0x3FB4]  }
0x2d: {  	s3 =	simm.s32 $0x108;
	s8 =	sld [smem:$0x3FB5]  }
0x2e: {  	s3 =	simm.s32 @!p0 $0x1082;
	s9 =	sld [smem:$0x3FB6]  }
0x2f: {  	lr =	sadd.s32 s0, s3;
	s0 =	sld [smem:$0x3FAD]  }
0x30: {  	s3 =	sld [smem:$0x3FB0]  }
0x31: {  	[smem:$0x3FB9] =	sst s10  }
0x32: {  	s10 =	sld [smem:$0x3FB7];
	_ =	sdelay $0x3  }
0x33: {  	p0 =	seq.s32 s10, $0x1;
	s10 =	sld [smem:$0x3FB9];
	_ =	sdelay $0x3  }
0x34: {  	[smem:$0x3FB9] =	sst s10  }
0x35: {  	s10 =	sld [smem:$0x3FB8];
	_ =	sdelay $0x3  }
0x36: {  	p1 =	seq.s32 s10, $0x1;
	s10 =	sld [smem:$0x3FB9];
	_ =	sdelay $0x3  }
0x37: {  	[smem:$0x3FB9] =	sst s10  }
0x38: {  	s10 =	sld [smem:$0x3FBA]  }
0x39: {  	_ = 	snop;
	(pc) =	sbr.ind lr, $3  }
0x3a: {  	_ = 	snop  }
0x3b: {  	_ = 	snop  }
0x3c: {  	p2 =	seq.s32 s10, $0x1;
	s10 =	sld [smem:$0x3FB9]  }
0x3d: {  	_ =	shalt  }
0x3e: {  	_ =	shalt  }
0x3f: {  	_ =	shalt  }
0x40: {  	_ =	shalt  }
0x41: {  	_ =	shalt  }
0x42: {  	_ =	shalt  }
0x43: {  	_ =	shalt  }
0x44: {  	_ =	shalt  }
0x45: {  	_ =	shalt  }
0x46: {  	_ =	shalt  }
0x47: {  	_ =	shalt  }
0x48: {  	_ =	shalt  }
0x49: {  	_ =	shalt  }
0x4a: {  	_ =	shalt  }
0x4b: {  	_ =	shalt  }
0x4c: {  	_ =	shalt  }
0x4d: {  	_ =	shalt  }
0x4e: {  	_ =	shalt  }
0x4f: {  	_ =	shalt  }
0x50: {  	_ =	shalt  }
0x51: {  	_ =	shalt  }
0x52: {  	_ =	shalt  }
0x53: {  	_ =	shalt  }
0x54: {  	_ =	shalt  }
0x55: {  	_ =	shalt  }
0x56: {  	_ =	shalt  }
0x57: {  	_ =	shalt  }
0x58: {  	_ =	shalt  }
0x59: {  	_ =	shalt  }
0x5a: {  	_ =	shalt  }
0x5b: {  	_ =	shalt  }
0x5c: {  	_ =	shalt  }
0x5d: {  	_ =	shalt  }
0x5e: {  	_ =	shalt  }
0x5f: {  	_ =	shalt  }
0x60: {  	_ =	shalt  }
0x61: {  	_ =	shalt  }
0x62: {  	_ =	shalt  }
0x63: {  	_ =	shalt  }
0x64: {  	_ =	shalt  }
0x65: {  	_ =	shalt  }
0x66: {  	_ =	shalt  }
0x67: {  	_ =	shalt  }
0x68: {  	_ =	shalt  }
0x69: {  	_ =	shalt  }
0x6a: {  	_ =	shalt  }
0x6b: {  	_ =	shalt  }
0x6c: {  	_ =	shalt  }
0x6d: {  	_ =	shalt  }
0x6e: {  	_ =	shalt  }
0x6f: {  	_ =	shalt  }
0x70: {  	_ =	shalt  }
0x71: {  	_ =	shalt  }
0x72: {  	_ =	shalt  }
0x73: {  	_ =	shalt  }
0x74: {  	_ =	shalt  }
0x75: {  	_ =	shalt  }
0x76: {  	_ =	shalt  }
0x77: {  	_ =	shalt  }
0x78: {  	_ =	shalt  }
0x79: {  	_ =	shalt  }
0x7a: {  	_ =	shalt  }
0x7b: {  	_ =	shalt  }
0x7c: {  	_ =	shalt  }
0x7d: {  	_ =	shalt  }
0x7e: {  	_ =	shalt  }
0x7f: {  	_ =	shalt  }
0x80: {  	_ =	shalt  }
0x81: {  	_ =	shalt  }
0x82: {  	_ =	shalt  }
0x83: {  	_ =	shalt  }
0x84: {  	_ =	shalt  }
0x85: {  	_ =	shalt  }
0x86: {  	_ =	shalt  }
0x87: {  	_ =	shalt  }
.Lfunc_end0:
.L_simem_size_0:
called_computation_lowered:
.L_overlay_start_0:
0x88: {  	s2 =	sld [smem:$0x3FD9]  }
0x89: {  	s3 =	sld [smem:$0x3FFE];
	_ =	sdelay $0x1  }
0x8a: {  	s1 =	srdreg.scid  }
0x8b: {  	s0 =	sand.u32 $0x1, s1  }
0x8c: {  	s14 =	sshll.u32 s0, $0xA;
	s2 =	sadd.s32 s3, s2  }
0x8d: {  	s2 =	sadd.s32 s2, s14  }
0x8e: {  	[smem:$0x3FC5] =	sst s2  }
0x8f: {  	_ = 	snop  }
0x90: {  	s2 =	sld [smem:$0x3FD0];
	_ =	sdelay $0x2  }
0x91: {  	s15 =	simm.s32 $0xA;
	s4 =	simm.s32 $0x10  }
0x92: {  	[smem:s4], [sflag:s15] =	dma.local [hbm:s2], $0x1  }
0x93: {  	_ =	swait.eq [sflag:s15], $0x1  }
0x94: {  	[sflag:s15] =	ssyncset.done $0x0  }
0x95: {  	[sflag:s15] =	ssyncadd.s32 $0xFFFFFFFF  }
0x96: {  	s16 =	sld [smem:$0x10];
	(tm) =	ssettm $0x1  }
0x97: {  	s17 =	sld [smem:$0x3FFB];
	_ =	sdelay $0x3  }
0x98: {  	_ =	strace s17  }
0x99: {  	s3 =	sld [smem:$0x3FFC];
	_ =	sdelay $0x3  }
0x9a: {  	_ =	strace s3  }
0x9b: {  	s3 =	sld [smem:$0x3FFD];
	_ =	sdelay $0x3  }
0x9c: {  	_ =	strace s3  }
0x9d: {  	_ =	strace $0x8FFFFFFF  }
0x9e: {  	s18 =	sld [smem:$0x3FDB];
	_ =	sdelay $0x1  }
0x9f: {  	s19 =	simm.s32 $_scs_section_size  }
0xa0: {  	s5 =	simm.s32 $_size__tile_overlayer_lowered;
	s6 =	simm.s32 $_tile_overlayer_lowered  }
0xa1: {  	s22 =	simm.s32 $0x1BFF;
	s21 =	sshll.u32 s6, $0x1;
	s3 =	sadd.s32 s19, s18  }
0xa2: {  	s7 =	simm.s32 $0x0;
	s20 =	sshll.u32 s5, $0x1;
	s5 =	sadd.s32 s21, s3  }
0xa3: {  	[timem:s7], [sflag:s22] =	dma.local [hbm:s5], s20  }
0xa4: {  	_ =	swait.ge [sflag:s22], s20  }
0xa5: {  	s4 =	ssub.s32 $0x0, s20;
	[sflag:s22] =	ssyncset.done $0x0  }
0xa6: {  	[sflag:s22] =	ssyncadd.s32 s4;
	_ =	sdelay $0x1  }
0xa7: {  	s23 =	simm.s32 $0x1B8B  }
0xa8: {  	_ =	swait.ge [sflag:s23], $0x1  }
0xa9: {  	[sflag:s23] =	ssyncset.done $0x0  }
0xaa: {  	s25 =	simm.s32 $0x1B8E;
	s24 =	sld [smem:$0x3FFE];
	[sflag:s23] =	ssyncadd.s32 $0xFFFFFFFF  }
0xab: {  	s26 =	simm.s32 $execute0_lowered;
	[smem:$0x3FD2] =	sst s25  }
0xac: {  	s5 =	sshll.u32 s26, $0x1;
	_ =	strace $0x80000046;
	[dreg:$0x1] =	wrdreg $0xFFFFFFFF  }
0xad: {  	s28 =	simm.s32 $_size_execute0_lowered;
	s3 =	sadd.s32 s3, s5;
	[dreg:$0x0] =	wrdreg $0x0  }
0xae: {  	s5 =	sshll.u32 s28, $0x1;
	[dreg:$0x2] =	wrdreg s3  }
0xaf: {  	[dreg:$0x3] =	wrdreg s5  }
0xb0: {  	[dreg:$0x4] =	wrdreg $0xC0  }
0xb1: {  	_ =	task [dreg:s7], $0x5FFFF  }
0xb2: {  	[dreg:$0x1] =	wrdreg $0xFFFFFFFF  }
0xb3: {  	[dreg:$0x0] =	wrdreg $0x60  }
0xb4: {  	[dreg:$0x2] =	wrdreg s24  }
0xb5: {  	[dreg:$0x3] =	wrdreg s16  }
0xb6: {  	[dreg:$0x4] =	wrdreg $0x9  }
0xb7: {  	_ =	task.clear_ibuf [dreg:s7], $0x5FFFF;
	_ =	strace $0x90000046  }
0xb8: {  	s29 =	simm.s32 $0x9;
	_ =	strace $0x80000048  }
0xb9: {  	_ =	swait.ge [sflag:s29], $0x1  }
0xba: {  	[sflag:s29] =	ssyncadd.s32 $0xFFFFFFFF  }
0xbb: {  	_ =	strace $0x90000048  }
0xbc: {  	_ =	sfence  }
0xbd: {  	s30 =	sld [smem:$0x0];
	_ =	sdelay $0x2  }
0xbe: {  	s31 =	sshll.u32 s1, $0xD;
	s1 =	sshrl.u32 s1, $0x2  }
0xbf: {  	s3 =	sand.u32 $0x4000, s31;
	s1 =	sadd.s32 s1, s30  }
0xc0: {  	s0 =	sor.u32 s3, s0;
	s1 =	sshll.u32 s1, $0x11  }
0xc1: {  	s0 =	sor.u32 s1, s0  }
0xc2: {  	s0 =	sadd.s32 $0x8F2B, s0  }
0xc3: {  	[sflag:s0] =	ssyncadd.remote.s32 $0x1  }
0xc4: {  	_ =	sfence.sel $0xFFFF  }
0xc5: {  	[dreg:$0x0] =	wrdreg $0xFFFFFFFF;
	(pc) =	sbr.abs _section_cstart, $3  }
0xc6: {  	[dreg:$0x1] =	wrdreg $0xFFFFFFFF  }
0xc7: {  	_ =	task.clear_ibuf [dreg:s7], $0x2FFFF;
	_ =	strace $0x9FFFFFFF  }
0xc8: {  	(tm) =	ssettm $0x7FFFFFFF  }
0xc9: {  	_ =	shalt  }
tec
execute0_lowered:
.L_overlay_start_1:
0x0: {  	(tag) =	ssettag $0x1  }
0x1: {  	s0 =	srdreg.scid  }
0x2: {  	s5 =	stileid.u32;
	s2 =	rddreg [dreg:$0x0];
	s3 =	simm.s32 $0x1  }
0x3: {  	s4 =	rddreg [dreg:$0x1];
	s11 =	simm.s32 $0x0;
	s12 =	simm.s32 $0x200  }
0x4: {  	s15 =	simm.s32 $0x4200;
	s0 =	sand.u32 $0x1, s0;
	s1 =	sshll.u32 s5, $0x1  }
0x5: {  	[smem:$0x7FF] =	sst s11;
	s9 =	sadd.s32 $0x17200, s2;
	s10 =	sadd.s32 $0xF200, s2  }
0x6: {  	s1 =	sor.u32 s0, s1;
	_ =	strace $0x80000047;
	[dreg:$0x3] =	wrdreg s9  }
0x7: {  	p1 =	seq.s32 s0, $0x1;
	s0 =	ssub.s32 $0x2, s0;
	[dreg:$0x4] =	wrdreg s10  }
0x8: {  	p0 =	seq.s32 s1, $0x0;
	s23 =	sshll.u32 s1, $0x6;
	s6 =	sshll.u32 s1, $0x8  }
0x9: {  	s7 =	sshll.u32 s1, $0x4;
	s8 =	sshll.u32 s1, $0x5;
	s24 =	sshrl.u32 s0, $0x1  }
0xa: {  	p0 =	por !p0, !p1;
	s6 =	sadd.s32 s6, s2;
	s7 =	sadd.s32 s7, s2  }
0xb: {  	s8 =	sadd.s32 s8, s2;
	s0 =	ssub.s32 s0, s24;
	s26 =	sadd.s32 $0x4800, s6  }
0xc: {  	p0 =	por !p0, !p0;
	s28 =	sadd.s32 $0x2800, s6;
	[dreg:$0x8] =	wrdreg s26  }
0xd: {  	s29 =	sadd.s32 $0x7000, s7;
	s30 =	sadd.s32 $0x2000, s8;
	[dreg:$0x9] =	wrdreg s28  }
0xe: {  	s0 =	smax.u32 s0, $0x1;
	s3 =	simm.s32 @!p0 $0x0;
	[dreg:$0xa] =	wrdreg s29  }
0xf: {  	v0 =	vimm.s32 $0x10000;
	vm1 =	vcmask $0x300;
	vm2 =	vcmask $0x704;
	[dreg:$0xb] =	wrdreg s30;
	s3 =	ssub.s32 s5, s3;
	s5 =	sadd.s32 s23, s2  }
0x10: {  	vm3 =	vcmask $0xB08;
	vm4 =	vcmask $0xF0C;
	vm5 =	vcmask $0x1310;
	[dreg:$0xd] =	wrdreg s0;
	s3 =	sshll.u32 s3, $0xB;
	s5 =	sadd.s32 $0x6800, s5  }
0x11: {  	vm6 =	vcmask $0x1714;
	vm7 =	vcmask $0x1B18;
	vm8 =	vcmask $0x1F1C;
	s1 =	sshll.u32 s1, $0xB;
	s3 =	sand.u32 $0x1FFFF800, s3;
	[dreg:$0x5] =	wrdreg s5  }
0x12: {  	vm9 =	vcmask $0x2320;
	vm10 =	vcmask $0x2724;
	vm11 =	vcmask $0x2B28;
	s3 =	sadd.s32 s3, s2;
	s2 =	sadd.s32 s1, s2;
	s1 =	sadd.s32 s4, s1  }
0x13: {  	vm12 =	vcmask $0x2F2C;
	vm13 =	vcmask $0x3330;
	vm14 =	vcmask $0x3734;
	s7 =	simm.s32 $0xF200;
	[dreg:$0x6] =	wrdreg s1;
	s25 =	sadd.s32 $0x7200, s3  }
0x14: {  	vm0 =	vcmask $0x3B38;
	v1 =	vimm.s32 $0x0;
	v4 =	vlaneseq.u32;
	s31 =	sadd.s32 $0x57200, s2;
	s1 =	simm.s32 $0x2;
	[dreg:$0x7] =	wrdreg s25  }
0x15: {  	v2 =	vimm.s32 $0x1;
	v3 =	vimm.s32 $0xFF;
	v4 =	vmul.u32 $0x8, v4;
	s2 =	simm.s32 $0x0;
	[dreg:$0xc] =	wrdreg s31;
	s25 =	simm.s32 $0xAA00  }
.LBB2_1:
0x16: {  	[dreg:$0xe] =	wrdreg s2  }
0x17: {  	s0 =	rddreg [dreg:$0x5]  }
0x18: {  	[tilespmem:s11], [sflag:$0x2] =	stream.linear.gather [hbm4b:s0+s11], $0x200, $0x38;
	[tilespmem:$0x13380] =	vst v63  }
0x19: {  	_ =	swait.ge [sflag:s1], $0x200  }
0x1a: {  	[sflag:s1] =	ssyncset.done $0x0  }
0x1b: {  	s10 =	rddreg [dreg:$0x6];
	[sflag:s1] =	ssyncadd.s32 $0xFFFFFE00  }
0x1c: {  	[tilespmem:s12], [sflag:$0x2] =	stream.linear.gather [hbm4b:s10+s11], $0x4000, $0x38;
	[tilespmem:$0x13380] =	vst v63  }
0x1d: {  	_ =	swait.ge [sflag:s1], $0x4000  }
0x1e: {  	[sflag:s1] =	ssyncset.done $0x0  }
0x1f: {  	s13 =	rddreg [dreg:$0x7];
	[sflag:s1] =	ssyncadd.s32 $0xFFFFC000  }
0x20: {  	[tilespmem:s15], [sflag:$0x2] =	stream.linear.gather [hbm4b:s13+s11], $0x4000, $0x38;
	[tilespmem:$0x13380] =	vst v63  }
0x21: {  	_ =	swait.ge [sflag:s1], $0x4000  }
0x22: {  	[sflag:s1] =	ssyncset.done $0x0  }
0x23: {  	s15 =	simm.s32 $0x8200;
	s14 =	rddreg [dreg:$0x8];
	[sflag:s1] =	ssyncadd.s32 $0xFFFFC000  }
0x24: {  	[tilespmem:s15], [sflag:$0x2] =	stream.linear.gather [hbm4b:s14+s11], $0x800, $0x38;
	[tilespmem:$0x13380] =	vst v63  }
0x25: {  	_ =	swait.ge [sflag:s1], $0x800  }
0x26: {  	[sflag:s1] =	ssyncset.done $0x0  }
0x27: {  	s17 =	simm.s32 $0x8A00;
	s16 =	rddreg [dreg:$0x9];
	[sflag:s1] =	ssyncadd.s32 $0xFFFFF800  }
0x28: {  	[tilespmem:s17], [sflag:$0x2] =	stream.linear.gather [hbm4b:s16+s11], $0x800, $0x38;
	[tilespmem:$0x13380] =	vst v63  }
0x29: {  	_ =	swait.ge [sflag:s1], $0x800  }
0x2a: {  	[sflag:s1] =	ssyncset.done $0x0  }
0x2b: {  	s19 =	simm.s32 $0x13200;
	s18 =	rddreg [dreg:$0xa];
	[sflag:s1] =	ssyncadd.s32 $0xFFFFF800  }
0x2c: {  	[tilespmem:s19], [sflag:$0x2] =	stream.linear.gather [hbm4b:s18+s11], $0x80, $0x38;
	[tilespmem:$0x13380] =	vst v63  }
0x2d: {  	_ =	swait.ge [sflag:s1], $0x80  }
0x2e: {  	[sflag:s1] =	ssyncset.done $0x0  }
0x2f: {  	s21 =	simm.s32 $0x13280;
	s20 =	rddreg [dreg:$0xb];
	[sflag:s1] =	ssyncadd.s32 $0xFFFFFF80  }
0x30: {  	[tilespmem:s21], [sflag:$0x2] =	stream.linear.gather [hbm4b:s20+s11], $0x100, $0x38;
	[tilespmem:$0x13380] =	vst v63  }
0x31: {  	_ =	swait.ge [sflag:s1], $0x100  }
0x32: {  	[sflag:s1] =	ssyncset.done $0x0  }
0x33: {  	[sflag:s1] =	ssyncadd.s32 $0xFFFFFF00  }
0x34: {  	v8 =	vld [tilespmem:$0x13200];
	_ =	sdelay $0x1  }
0x35: {  	(v2sf) =	vpush v0, $0x0;
	_ =	sdelay $0x2  }
0x36: {  	(v2sf) =	vpush v8, $0x0  }
0x37: {  	(v2sf) =	vpush v0, $0xF  }
0x38: {  	(v2sf) =	vpush v8, $0xF  }
0x39: {  	(v2sf) =	vpush v0, $0x1  }
0x3a: {  	(v2sf) =	vpush v8, $0x1  }
0x3b: {  	(v2sf) =	vpush v0, $0x2  }
0x3c: {  	(v2sf) =	vpush v8, $0x2  }
0x3d: {  	(v2sf) =	vpush v0, $0x3  }
0x3e: {  	(v2sf) =	vpush v8, $0x3  }
0x3f: {  	(v2sf) =	vpush v0, $0x4  }
0x40: {  	(v2sf) =	vpush v8, $0x4;
	_ =	sdelay $0x1  }
0x41: {  	s22 =	spop (v2sf);
	(v2sf) =	vpush v0, $0x5;
	_ =	sdelay $0x2  }
0x42: {  	s9 =	spop (v2sf);
	(v2sf) =	vpush v8, $0x5  }
0x43: {  	s3 =	spop (v2sf)  }
0x44: {  	(drf) =	srem.u32 s22, s9;
	(v2sf) =	vpush v0, $0x6;
	s0 =	spop (v2sf)  }
0x45: {  	(v2sf) =	vpush v8, $0x6;
	s4 =	spop (v2sf)  }
0x46: {  	(drf) =	srem.u32 s3, s0;
	s1 =	spop (v2sf)  }
0x47: {  	(v2sf) =	vpush v0, $0x7;
	s5 =	spop (v2sf);
	(drf) =	srem.u32 s4, s1  }
0x48: {  	(v2sf) =	vpush v8, $0x7;
	s10 =	spop (v2sf)  }
0x49: {  	s23 =	spop (v2sf);
	(drf) =	srem.u32 s5, s10  }
0x4a: {  	(v2sf) =	vpush v0, $0x8;
	s11 =	spop (v2sf)  }
0x4b: {  	(v2sf) =	vpush v8, $0x8;
	s24 =	spop (v2sf)  }
0x4c: {  	(v2sf) =	vpush v0, $0x9;
	(drf) =	srem.u32 s23, s11;
	s12 =	spop (v2sf)  }
0x4d: {  	(v2sf) =	vpush v8, $0x9;
	s26 =	spop (drf)  }
0x4e: {  	(v2sf) =	vpush v0, $0xA;
	s8 =	spop (v2sf)  }
0x4f: {  	(v2sf) =	vpush v8, $0xA;
	(drf) =	srem.u32 s24, s12;
	s28 =	spop (drf)  }
0x50: {  	(v2sf) =	vpush v0, $0xB;
	s4 =	spop (drf)  }
0x51: {  	(v2sf) =	vpush v8, $0xB;
	s6 =	spop (v2sf)  }
0x52: {  	(v2sf) =	vpush v0, $0xC;
	s5 =	spop (drf)  }
0x53: {  	(v2sf) =	vpush v8, $0xC;
	s17 =	spop (v2sf)  }
0x54: {  	(v2sf) =	vpush v0, $0xD;
	s13 =	spop (v2sf)  }
0x55: {  	(v2sf) =	vpush v8, $0xD;
	s29 =	spop (drf)  }
0x56: {  	(v2sf) =	vpush v0, $0xE;
	s21 =	spop (v2sf)  }
0x57: {  	(v2sf) =	vpush v8, $0xE;
	s14 =	spop (v2sf)  }
0x58: {  	s16 =	spop (drf)  }
0x59: {  	s22 =	spop (v2sf)  }
0x5a: {  	s18 =	spop (v2sf)  }
0x5b: {  	s23 =	spop (v2sf)  }
0x5c: {  	s19 =	spop (v2sf)  }
0x5d: {  	s24 =	spop (v2sf)  }
0x5e: {  	(drf) =	srem.u32 s8, s6;
	s20 =	spop (v2sf)  }
0x5f: {  	(drf) =	srem.u32 s17, s13;
	s30 =	spop (v2sf)  }
0x60: {  	(drf) =	srem.u32 s21, s14;
	s21 =	spop (v2sf)  }
0x61: {  	(drf) =	srem.u32 s22, s18;
	s31 =	spop (v2sf)  }
0x62: {  	v5 =	vmov s28;
	(drf) =	srem.u32 s23, s19;
	s8 =	spop (v2sf)  }
0x63: {  	v5 =	vsel vm1, s26, v5;
	(drf) =	srem.u32 s24, s20;
	s24 =	spop (v2sf)  }
0x64: {  	v5 =	vsel vm2, s4, v5;
	(drf) =	srem.u32 s30, s21;
	s4 =	spop (v2sf)  }
0x65: {  	v5 =	vsel vm3, s5, v5;
	(drf) =	srem.u32 s31, s8;
	s26 =	spop (v2sf)  }
0x66: {  	v5 =	vsel vm4, s29, v5;
	(drf) =	srem.u32 s24, s4;
	s5 =	spop (v2sf)  }
0x67: {  	v5 =	vsel vm5, s16, v5;
	s28 =	spop (drf);
	(drf) =	srem.u32 s26, s5  }
0x68: {  	v5 =	vsel vm6, s28, v5;
	s29 =	spop (drf)  }
0x69: {  	v5 =	vsel vm7, s29, v5;
	s30 =	spop (drf)  }
0x6a: {  	v5 =	vsel vm8, s30, v5;
	s31 =	spop (drf)  }
0x6b: {  	v5 =	vsel vm9, s31, v5;
	s3 =	spop (drf)  }
0x6c: {  	v5 =	vsel vm10, s3, v5;
	s15 =	spop (drf)  }
0x6d: {  	v5 =	vsel vm11, s15, v5;
	s16 =	spop (drf)  }
0x6e: {  	v5 =	vsel vm12, s16, v5;
	s17 =	spop (drf)  }
0x6f: {  	v5 =	vsel vm13, s17, v5;
	s22 =	spop (drf)  }
0x70: {  	v5 =	vsel vm14, s22, v5;
	s23 =	spop (drf)  }
0x71: {  	v5 =	vsel vm0, s23, v5  }
0x72: {  	v5 =	vmul.u32 v5, v5;
	_ =	sdelay $0x1  }
0x73: {  	(v2sf) =	vpush v5, $0x0  }
0x74: {  	(v2sf) =	vpush v5, $0xF  }
0x75: {  	(v2sf) =	vpush v5, $0x1  }
0x76: {  	(v2sf) =	vpush v5, $0x2  }
0x77: {  	(v2sf) =	vpush v5, $0x3  }
0x78: {  	(v2sf) =	vpush v5, $0x4  }
0x79: {  	(v2sf) =	vpush v5, $0x5  }
0x7a: {  	(v2sf) =	vpush v5, $0x6  }
0x7b: {  	(v2sf) =	vpush v5, $0x7  }
0x7c: {  	(v2sf) =	vpush v5, $0x8  }
0x7d: {  	(v2sf) =	vpush v5, $0x9;
	_ =	sdelay $0x1  }
0x7e: {  	(v2sf) =	vpush v5, $0xA;
	_ =	sdelay $0x1  }
0x7f: {  	(v2sf) =	vpush v5, $0xB  }
0x80: {  	s24 =	spop (v2sf)  }
0x81: {  	(v2sf) =	vpush v5, $0xC;
	s26 =	spop (v2sf)  }
0x82: {  	(drf) =	srem.u32 s24, s9;
	s28 =	spop (v2sf)  }
0x83: {  	(v2sf) =	vpush v5, $0xD;
	s29 =	spop (v2sf)  }
0x84: {  	(drf) =	srem.u32 s26, s0;
	s30 =	spop (v2sf)  }
0x85: {  	s31 =	spop (v2sf)  }
0x86: {  	(v2sf) =	vpush v5, $0xE;
	(drf) =	srem.u32 s28, s1;
	s23 =	spop (v2sf)  }
0x87: {  	(drf) =	srem.u32 s29, s10;
	s24 =	spop (v2sf)  }
0x88: {  	(drf) =	srem.u32 s30, s11;
	s26 =	spop (v2sf)  }
0x89: {  	(drf) =	srem.u32 s31, s12;
	s28 =	spop (v2sf)  }
0x8a: {  	(drf) =	srem.u32 s23, s6;
	s29 =	spop (v2sf)  }
0x8b: {  	(drf) =	srem.u32 s24, s13;
	s13 =	spop (drf)  }
0x8c: {  	s30 =	spop (v2sf)  }
0x8d: {  	(drf) =	srem.u32 s26, s14;
	s14 =	spop (drf)  }
0x8e: {  	s31 =	spop (v2sf)  }
0x8f: {  	s15 =	spop (drf)  }
0x90: {  	(drf) =	srem.u32 s28, s18;
	s6 =	spop (v2sf)  }
0x91: {  	(drf) =	srem.u32 s29, s19;
	v5 =	vmov s14;
	s16 =	spop (drf)  }
0x92: {  	(drf) =	srem.u32 s30, s20;
	v5 =	vsel vm1, s13, v5;
	s12 =	spop (v2sf)  }
0x93: {  	(drf) =	srem.u32 s31, s21;
	v5 =	vsel vm2, s15, v5;
	s17 =	spop (drf)  }
0x94: {  	(drf) =	srem.u32 s6, s8;
	v5 =	vsel vm3, s16, v5;
	s18 =	spop (drf)  }
0x95: {  	(drf) =	srem.u32 s12, s4;
	s19 =	spop (v2sf);
	v5 =	vsel vm4, s17, v5  }
0x96: {  	(drf) =	srem.u32 s19, s5;
	s20 =	spop (drf);
	v5 =	vsel vm5, s18, v5  }
0x97: {  	s21 =	spop (drf);
	v5 =	vsel vm6, s20, v5  }
0x98: {  	s22 =	spop (drf);
	v5 =	vsel vm7, s21, v5  }
0x99: {  	v9 =	vld [tilespmem:$0x13210];
	s23 =	spop (drf);
	v5 =	vsel vm8, s22, v5  }
0x9a: {  	v10 =	vld [tilespmem:$0x13220];
	s24 =	spop (drf);
	v5 =	vsel vm9, s23, v5  }
0x9b: {  	v14 =	vld [tilespmem:$0x13250];
	s26 =	spop (drf);
	v5 =	vsel vm10, s24, v5  }
0x9c: {  	v11 =	vld [tilespmem:$0x13230];
	s28 =	spop (drf);
	v5 =	vsel vm11, s26, v5  }
0x9d: {  	v12 =	vld [tilespmem:$0x13240];
	s29 =	spop (drf);
	v5 =	vsel vm12, s28, v5  }
0x9e: {  	v7 =	vld [tilespmem:$0x13280];
	s30 =	spop (drf);
	v5 =	vsel vm13, s29, v5  }
0x9f: {  	v6 =	vld [tilespmem:$0x13290];
	s31 =	spop (drf);
	v13 =	vsel vm14, s30, v5  }
0xa0: {  	vm15 =	vgt.s32 v14, $0x0;
	s0 =	simm.s32 $0x0;
	v5 =	vld [tilespmem:$0x132A0];
	v13 =	vsel vm0, s31, v13  }
.LBB2_2:
0xa1: {  	s4 =	sshra.s32 s0, $0x2  }
0xa2: {  	v14 =	vld [tilespmem:s4+$0x8200];
	_ =	sdelay $0x4  }
0xa3: {  	(v2sf) =	vpush v14, $0x0  }
0xa4: {  	(v2sf) =	vpush v8, $0x0  }
0xa5: {  	(v2sf) =	vpush v14, $0xF  }
0xa6: {  	(v2sf) =	vpush v8, $0xF;
	_ =	sdelay $0x8  }
0xa7: {  	(v2sf) =	vpush v14, $0x1;
	_ =	sdelay $0x2  }
0xa8: {  	s28 =	spop (v2sf);
	(v2sf) =	vpush v8, $0x1  }
0xa9: {  	s8 =	spop (v2sf);
	(v2sf) =	vpush v14, $0x2  }
0xaa: {  	s1 =	spop (v2sf);
	(v2sf) =	vpush v8, $0x2  }
0xab: {  	s22 =	spop (v2sf);
	(v2sf) =	vpush v14, $0x3  }
0xac: {  	(drf) =	srem.u32 s28, s8;
	(v2sf) =	vpush v8, $0x3  }
0xad: {  	(drf) =	srem.u32 s1, s22;
	(v2sf) =	vpush v14, $0x4  }
0xae: {  	(v2sf) =	vpush v8, $0x4  }
0xaf: {  	(v2sf) =	vpush v14, $0x5  }
0xb0: {  	(v2sf) =	vpush v8, $0x5  }
0xb1: {  	(v2sf) =	vpush v14, $0x6  }
0xb2: {  	(v2sf) =	vpush v8, $0x6  }
0xb3: {  	(v2sf) =	vpush v14, $0x7  }
0xb4: {  	s30 =	spop (v2sf);
	(v2sf) =	vpush v8, $0x7  }
0xb5: {  	[dreg:$0xf] =	wrdreg s0;
	s0 =	spop (drf);
	(v2sf) =	vpush v14, $0x8  }
0xb6: {  	s29 =	spop (drf);
	(v2sf) =	vpush v8, $0x8  }
0xb7: {  	s24 =	spop (v2sf);
	(v2sf) =	vpush v14, $0x9  }
0xb8: {  	s31 =	spop (v2sf);
	(v2sf) =	vpush v8, $0x9  }
0xb9: {  	s15 =	spop (v2sf);
	(v2sf) =	vpush v14, $0xA  }
0xba: {  	s2 =	spop (v2sf);
	(v2sf) =	vpush v8, $0xA  }
0xbb: {  	s26 =	spop (v2sf)  }
0xbc: {  	s3 =	spop (v2sf)  }
0xbd: {  	s14 =	spop (v2sf)  }
0xbe: {  	s5 =	spop (v2sf)  }
0xbf: {  	s13 =	spop (v2sf)  }
0xc0: {  	[dreg:$0x15] =	wrdreg s29;
	s6 =	spop (v2sf)  }
0xc1: {  	(drf) =	srem.u32 s30, s24;
	s19 =	spop (v2sf)  }
0xc2: {  	(drf) =	srem.u32 s31, s15;
	s1 =	spop (v2sf)  }
0xc3: {  	(drf) =	srem.u32 s2, s26;
	s31 =	spop (v2sf)  }
0xc4: {  	(drf) =	srem.u32 s3, s14;
	s3 =	spop (v2sf)  }
0xc5: {  	(drf) =	srem.u32 s5, s13;
	s20 =	spop (v2sf);
	(v2sf) =	vpush v14, $0xB  }
0xc6: {  	(drf) =	srem.u32 s6, s19;
	s5 =	spop (v2sf);
	(v2sf) =	vpush v8, $0xB  }
0xc7: {  	(drf) =	srem.u32 s1, s31;
	s30 =	spop (v2sf);
	(v2sf) =	vpush v14, $0xC  }
0xc8: {  	v15 =	vld [tilespmem:s4+$0x8A00];
	(drf) =	srem.u32 s3, s20;
	s6 =	spop (v2sf);
	(v2sf) =	vpush v8, $0xC  }
0xc9: {  	(drf) =	srem.u32 s5, s30;
	s21 =	spop (v2sf);
	(v2sf) =	vpush v14, $0xD  }
0xca: {  	s29 =	spop (drf);
	(drf) =	srem.u32 s6, s21;
	(v2sf) =	vpush v8, $0xD  }
0xcb: {  	s11 =	spop (drf);
	(v2sf) =	vpush v14, $0xE  }
0xcc: {  	s16 =	spop (drf);
	(v2sf) =	vpush v8, $0xE  }
0xcd: {  	s12 =	spop (drf);
	(v2sf) =	vpush v15, $0x0  }
0xce: {  	s17 =	spop (drf);
	(v2sf) =	vpush v15, $0xF  }
0xcf: {  	s9 =	spop (drf);
	(v2sf) =	vpush v15, $0x1  }
0xd0: {  	s10 =	spop (drf);
	(v2sf) =	vpush v15, $0x2  }
0xd1: {  	s18 =	spop (drf)  }
0xd2: {  	(v2sf) =	vpush v15, $0x3;
	s23 =	spop (drf)  }
0xd3: {  	[dreg:$0x10] =	wrdreg s4;
	(v2sf) =	vpush v15, $0x4;
	s28 =	spop (drf)  }
0xd4: {  	[dreg:$0x1b] =	wrdreg s9;
	s1 =	spop (v2sf)  }
0xd5: {  	[dreg:$0x17] =	wrdreg s28;
	s28 =	spop (v2sf)  }
0xd6: {  	[dreg:$0x19] =	wrdreg s18;
	s9 =	spop (v2sf)  }
0xd7: {  	(drf) =	srem.u32 s1, s28;
	s18 =	spop (v2sf)  }
0xd8: {  	[dreg:$0x18] =	wrdreg s23;
	s23 =	spop (v2sf)  }
0xd9: {  	[dreg:$0x1a] =	wrdreg s10;
	(v2sf) =	vpush v15, $0x5;
	s10 =	spop (v2sf)  }
0xda: {  	(drf) =	srem.u32 s9, s18;
	s2 =	spop (v2sf)  }
0xdb: {  	(v2sf) =	vpush v15, $0x6;
	(drf) =	srem.u32 s23, s10;
	s23 =	spop (v2sf)  }
0xdc: {  	(drf) =	srem.u32 s2, s23;
	s3 =	spop (v2sf)  }
0xdd: {  	(v2sf) =	vpush v15, $0x7;
	(drf) =	srem.u32 s3, s8;
	s4 =	spop (v2sf)  }
0xde: {  	(drf) =	srem.u32 s4, s22;
	s5 =	spop (v2sf)  }
0xdf: {  	(v2sf) =	vpush v15, $0x8;
	s6 =	spop (v2sf)  }
0xe0: {  	(drf) =	srem.u32 s5, s24;
	s5 =	spop (drf)  }
0xe1: {  	[dreg:$0x12] =	wrdreg s8;
	(v2sf) =	vpush v15, $0x9;
	s8 =	spop (v2sf)  }
0xe2: {  	(v2sf) =	vpush v15, $0xA;
	(drf) =	srem.u32 s6, s15;
	s9 =	spop (v2sf)  }
0xe3: {  	s6 =	spop (drf)  }
0xe4: {  	(v2sf) =	vpush v15, $0xB;
	(drf) =	srem.u32 s8, s26;
	s8 =	spop (drf)  }
0xe5: {  	(v2sf) =	vpush v15, $0xC;
	(drf) =	srem.u32 s9, s14;
	s9 =	spop (drf)  }
0xe6: {  	[dreg:$0x11] =	wrdreg s0;
	(v2sf) =	vpush v15, $0xD;
	s0 =	spop (drf)  }
0xe7: {  	[dreg:$0x14] =	wrdreg s24;
	(v2sf) =	vpush v15, $0xE;
	s24 =	spop (drf)  }
0xe8: {  	[dreg:$0x13] =	wrdreg s22;
	s22 =	spop (v2sf)  }
0xe9: {  	[dreg:$0x16] =	wrdreg s13;
	s1 =	spop (drf)  }
0xea: {  	(drf) =	srem.u32 s22, s13;
	s13 =	spop (v2sf)  }
0xeb: {  	s2 =	spop (drf)  }
0xec: {  	(drf) =	srem.u32 s13, s19;
	s22 =	spop (v2sf)  }
0xed: {  	s13 =	rddreg [dreg:$0x15];
	s3 =	spop (drf)  }
0xee: {  	(drf) =	srem.u32 s22, s31;
	s22 =	spop (v2sf)  }
0xef: {  	v14 =	vmov s13;
	s13 =	rddreg [dreg:$0x11];
	s4 =	spop (drf)  }
0xf0: {  	v14 =	vsel vm1, s13, v14;
	(drf) =	srem.u32 s22, s20;
	s13 =	spop (v2sf)  }
0xf1: {  	v15 =	vmov s24;
	(drf) =	srem.u32 s13, s30;
	s24 =	spop (v2sf)  }
0xf2: {  	v14 =	vsel vm2, s29, v14;
	s13 =	rddreg [dreg:$0x1a];
	(drf) =	srem.u32 s24, s21  }
0xf3: {  	v15 =	vsel vm1, s0, v15;
	v14 =	vsel vm3, s11, v14;
	s29 =	spop (v2sf);
	s11 =	rddreg [dreg:$0x1b]  }
0xf4: {  	v15 =	vsel vm2, s1, v15;
	v14 =	vsel vm4, s16, v14;
	(drf) =	srem.u32 s29, s28;
	s1 =	spop (v2sf)  }
0xf5: {  	v15 =	vsel vm3, s2, v15;
	v14 =	vsel vm5, s12, v14;
	(drf) =	srem.u32 s1, s18;
	s2 =	spop (v2sf)  }
0xf6: {  	v15 =	vsel vm4, s3, v15;
	v14 =	vsel vm6, s17, v14;
	(drf) =	srem.u32 s2, s10;
	s3 =	spop (v2sf)  }
0xf7: {  	v15 =	vsel vm5, s4, v15;
	v14 =	vsel vm7, s11, v14;
	(drf) =	srem.u32 s3, s23;
	s12 =	spop (drf)  }
0xf8: {  	s17 =	rddreg [dreg:$0x19];
	v14 =	vsel vm8, s13, v14;
	v15 =	vsel vm6, s12, v15;
	s16 =	spop (drf)  }
0xf9: {  	s24 =	rddreg [dreg:$0x18];
	v14 =	vsel vm9, s17, v14;
	v15 =	vsel vm7, s16, v15;
	s22 =	spop (drf)  }
0xfa: {  	s2 =	rddreg [dreg:$0x17];
	v14 =	vsel vm10, s24, v14;
	v15 =	vsel vm8, s22, v15;
	s29 =	spop (drf)  }
0xfb: {  	v14 =	vsel vm11, s2, v14;
	v15 =	vsel vm9, s29, v15;
	s3 =	spop (drf)  }
0xfc: {  	v14 =	vsel vm12, s5, v14;
	v15 =	vsel vm10, s3, v15;
	s4 =	spop (drf)  }
0xfd: {  	v14 =	vsel vm13, s6, v14;
	v15 =	vsel vm11, s4, v15;
	s5 =	spop (drf)  }
0xfe: {  	vm0 =	vcmask $0x3B38;
	v14 =	vsel vm14, s8, v14;
	v15 =	vsel vm12, s5, v15;
	s6 =	spop (drf)  }
0xff: {  	v14 =	vsel vm0, s9, v14;
	v15 =	vsel vm13, s6, v15;
	s8 =	spop (drf)  }
0x100: {  	v14 =	vmul.u32 v13, v14;
	v15 =	vsel vm14, s8, v15;
	s9 =	spop (drf)  }
0x101: {  	v15 =	vsel vm0, s9, v15  }
0x102: {  	v14 =	vadd.s32 v15, v14  }
0x103: {  	(v2sf) =	vpush v14, $0x0  }
0x104: {  	(v2sf) =	vpush v14, $0xF  }
0x105: {  	(v2sf) =	vpush v14, $0x1  }
0x106: {  	(v2sf) =	vpush v14, $0x2  }
0x107: {  	(v2sf) =	vpush v14, $0x3  }
0x108: {  	(v2sf) =	vpush v14, $0x4  }
0x109: {  	(v2sf) =	vpush v14, $0x5  }
0x10a: {  	(v2sf) =	vpush v14, $0x6  }
0x10b: {  	(v2sf) =	vpush v14, $0x7  }
0x10c: {  	(v2sf) =	vpush v14, $0x8  }
0x10d: {  	(v2sf) =	vpush v14, $0x9;
	_ =	sdelay $0x1  }
0x10e: {  	(v2sf) =	vpush v14, $0xA;
	_ =	sdelay $0x1  }
0x10f: {  	(v2sf) =	vpush v14, $0xB  }
0x110: {  	s11 =	spop (v2sf)  }
0x111: {  	s8 =	rddreg [dreg:$0x12];
	(v2sf) =	vpush v14, $0xC;
	s12 =	spop (v2sf)  }
0x112: {  	(drf) =	srem.u32 s11, s8;
	s13 =	spop (v2sf)  }
0x113: {  	s24 =	rddreg [dreg:$0x13];
	(v2sf) =	vpush v14, $0xD;
	s16 =	spop (v2sf)  }
0x114: {  	(drf) =	srem.u32 s12, s24;
	s17 =	spop (v2sf)  }
0x115: {  	s29 =	rddreg [dreg:$0x14];
	s22 =	spop (v2sf)  }
0x116: {  	(v2sf) =	vpush v14, $0xE;
	(drf) =	srem.u32 s13, s29;
	s9 =	spop (v2sf)  }
0x117: {  	s24 =	rddreg [dreg:$0x16];
	s1 =	spop (v2sf)  }
0x118: {  	(drf) =	srem.u32 s16, s15;
	s6 =	spop (v2sf)  }
0x119: {  	(drf) =	srem.u32 s17, s26;
	s8 =	spop (v2sf)  }
0x11a: {  	(drf) =	srem.u32 s22, s14;
	s13 =	spop (v2sf)  }
0x11b: {  	(drf) =	srem.u32 s9, s24;
	s29 =	spop (drf)  }
0x11c: {  	(drf) =	srem.u32 s1, s19;
	s16 =	spop (v2sf)  }
0x11d: {  	(drf) =	srem.u32 s6, s31;
	s31 =	spop (drf)  }
0x11e: {  	s17 =	spop (v2sf)  }
0x11f: {  	s9 =	spop (drf)  }
0x120: {  	(drf) =	srem.u32 s8, s20;
	s22 =	spop (v2sf)  }
0x121: {  	(drf) =	srem.u32 s13, s30;
	v14 =	vmov s31;
	s13 =	spop (drf)  }
0x122: {  	(drf) =	srem.u32 s16, s21;
	v14 =	vsel vm1, s29, v14;
	s26 =	spop (v2sf)  }
0x123: {  	(drf) =	srem.u32 s17, s28;
	v14 =	vsel vm2, s9, v14;
	s14 =	spop (drf)  }
0x124: {  	(drf) =	srem.u32 s22, s18;
	v14 =	vsel vm3, s13, v14;
	s16 =	spop (drf)  }
0x125: {  	(drf) =	srem.u32 s26, s10;
	s17 =	spop (v2sf);
	v14 =	vsel vm4, s14, v14  }
0x126: {  	s18 =	spop (drf);
	(drf) =	srem.u32 s17, s23;
	v14 =	vsel vm5, s16, v14  }
0x127: {  	s19 =	spop (drf);
	v14 =	vsel vm6, s18, v14  }
0x128: {  	s20 =	spop (drf);
	v14 =	vsel vm7, s19, v14  }
0x129: {  	s21 =	spop (drf);
	v14 =	vsel vm8, s20, v14  }
0x12a: {  	s22 =	spop (drf);
	v14 =	vsel vm9, s21, v14  }
0x12b: {  	s23 =	spop (drf);
	v14 =	vsel vm10, s22, v14  }
0x12c: {  	s11 =	simm.s32 $0x0;
	s24 =	spop (drf);
	v14 =	vsel vm11, s23, v14  }
0x12d: {  	v15 =	vld.idx.msk [tilespmem:v3+s11+$0x0], $0xffff;
	s26 =	spop (drf);
	v14 =	vsel vm12, s24, v14  }
0x12e: {  	s28 =	spop (drf);
	v14 =	vsel vm13, s26, v14  }
0x12f: {  	s29 =	spop (drf);
	v14 =	vsel vm14, s28, v14  }
0x130: {  	v14 =	vsel vm0, s29, v14  }
0x131: {  	v16 =	vadd.s32 $0x1, v14  }
0x132: {  	vm0 =	vlt.s32 v15, v16  }
0x133: {  	v14 =	vsel vm0, $0x100, v1  }
0x134: {  	v15 =	vor.u32 $0x7F, v14;
	_ =	sdelay $0x4  }
0x135: {  	v15 =	vld.idx.msk [tilespmem:v15+s11+$0x0], $0xffff;
	_ =	sdelay $0x4  }
0x136: {  	v17 =	vor.u32 $0x80, v14;
	vm0 =	vlt.s32 v15, v16  }
0x137: {  	v14 =	vsel vm0, v17, v14  }
0x138: {  	v15 =	vor.u32 $0x3F, v14;
	_ =	sdelay $0x4  }
0x139: {  	v15 =	vld.idx.msk [tilespmem:v15+s11+$0x0], $0xffff;
	_ =	sdelay $0x4  }
0x13a: {  	v17 =	vor.u32 $0x40, v14;
	vm0 =	vlt.s32 v15, v16  }
0x13b: {  	v14 =	vsel vm0, v17, v14  }
0x13c: {  	v15 =	vor.u32 $0x1F, v14;
	_ =	sdelay $0x4  }
0x13d: {  	v15 =	vld.idx.msk [tilespmem:v15+s11+$0x0], $0xffff;
	_ =	sdelay $0x4  }
0x13e: {  	v17 =	vor.u32 $0x20, v14;
	vm0 =	vlt.s32 v15, v16  }
0x13f: {  	v14 =	vsel vm0, v17, v14  }
0x140: {  	v15 =	vadd.s32 $0xF, v14;
	_ =	sdelay $0x4  }
0x141: {  	v15 =	vld.idx.msk [tilespmem:v15+s11+$0x0], $0xffff;
	_ =	sdelay $0x4  }
0x142: {  	v17 =	vadd.s32 $0x10, v14;
	vm0 =	vlt.s32 v15, v16  }
0x143: {  	v14 =	vsel vm0, v17, v14  }
0x144: {  	v15 =	vadd.s32 $0x7, v14;
	_ =	sdelay $0x4  }
0x145: {  	v15 =	vld.idx.msk [tilespmem:v15+s11+$0x0], $0xffff;
	_ =	sdelay $0x4  }
0x146: {  	v17 =	vadd.s32 $0x8, v14;
	vm0 =	vlt.s32 v15, v16  }
0x147: {  	v14 =	vsel vm0, v17, v14  }
0x148: {  	v15 =	vadd.s32 $0x3, v14;
	_ =	sdelay $0x4  }
0x149: {  	v15 =	vld.idx.msk [tilespmem:v15+s11+$0x0], $0xffff;
	_ =	sdelay $0x4  }
0x14a: {  	v17 =	vadd.s32 $0x4, v14;
	vm0 =	vlt.s32 v15, v16  }
0x14b: {  	v14 =	vsel vm0, v17, v14  }
0x14c: {  	v15 =	vadd.s32 $0x1, v14;
	_ =	sdelay $0x4  }
0x14d: {  	v15 =	vld.idx.msk [tilespmem:v15+s11+$0x0], $0xffff;
	_ =	sdelay $0x4  }
0x14e: {  	v17 =	vadd.s32 $0x2, v14;
	vm0 =	vlt.s32 v15, v16  }
0x14f: {  	v14 =	vsel vm0, v17, v14;
	_ =	sdelay $0x4  }
0x150: {  	v15 =	vld.idx.msk [tilespmem:v14+s11+$0x0], $0xffff;
	_ =	sdelay $0x4  }
0x151: {  	vm0 =	vlt.s32 v15, v16  }
0x152: {  	v15 =	vsel vm0, $0x1, v1  }
0x153: {  	v15 =	vadd.s32 v15, v14  }
0x154: {  	v14 =	vmin.u32 v15, $0x1FF  }
0x155: {  	v27 =	vmax.u32 v14, $0x1  }
0x156: {  	v17 =	vsub.s32 v27, v2  }
0x157: {  	v18 =	vshll.u32 v14, $0x5  }
0x158: {  	v19 =	vor.u32 $0xF, v18;
	_ =	sdelay $0x2  }
0x159: {  	v17 =	vld.idx.msk [tilespmem:v17+s11+$0x0], $0xffff  }
0x15a: {  	s12 =	simm.s32 $0x200  }
0x15b: {  	v19 =	vld.idx.msk [tilespmem:v19+s12+$0x0], $0xffff;
	_ =	sdelay $0x1  }
0x15c: {  	vm0 =	veq.s32 v15, $0x0  }
0x15d: {  	v15 =	vsel vm0, $0x0, v17  }
0x15e: {  	v15 =	vsub.s32 v16, v15  }
0x15f: {  	vm0 =	vlt.s32 v19, v15  }
0x160: {  	v28 =	vsel vm0, $0x10, v1  }
0x161: {  	v30 =	vadd.s32 $0xFFFFFFFF, v18;
	v29 =	vor.u32 $0x8, v28  }
0x162: {  	v20 =	vadd.s32 v29, v30;
	_ =	sdelay $0x4  }
0x163: {  	v20 =	vld.idx.msk [tilespmem:v20+s12+$0x0], $0xffff;
	_ =	sdelay $0x4  }
0x164: {  	vm0 =	vlt.s32 v20, v15  }
0x165: {  	v16 =	vsel vm0, v29, v28  }
0x166: {  	v17 =	vor.u32 $0x4, v16  }
0x167: {  	v31 =	vadd.s32 v17, v30;
	_ =	sdelay $0x4  }
0x168: {  	v20 =	vld.idx.msk [tilespmem:v31+s12+$0x0], $0xffff;
	_ =	sdelay $0x4  }
0x169: {  	vm0 =	vlt.s32 v20, v15  }
0x16a: {  	v16 =	vsel vm0, v17, v16  }
0x16b: {  	v17 =	vor.u32 $0x2, v16  }
0x16c: {  	v19 =	vadd.s32 v17, v30;
	_ =	sdelay $0x4  }
0x16d: {  	v19 =	vld.idx.msk [tilespmem:v19+s12+$0x0], $0xffff;
	_ =	sdelay $0x4  }
0x16e: {  	vm0 =	vlt.s32 v19, v15  }
0x16f: {  	v16 =	vsel vm0, v17, v16  }
0x170: {  	v17 =	vadd.s32 v18, v16;
	_ =	sdelay $0x4  }
0x171: {  	v17 =	vld.idx.msk [tilespmem:v17+s12+$0x0], $0xffff;
	_ =	sdelay $0x4  }
0x172: {  	vm0 =	vlt.s32 v17, v15  }
0x173: {  	v17 =	vsel vm0, $0x1, v1  }
0x174: {  	v32 =	vadd.s32 v17, v16  }
0x175: {  	v17 =	vmin.u32 v32, $0x1F  }
0x176: {  	v33 =	vmax.u32 v17, $0x1  }
0x177: {  	v16 =	vsub.s32 v33, v2  }
0x178: {  	v16 =	vor.u32 v18, v16  }
0x179: {  	v18 =	vor.u32 v18, v17  }
0x17a: {  	vm7 =	vmmov vm5;
	vm5 =	vmmov vm2;
	vm10 =	vmmov vm1  }
0x17b: {  	vm13 =	vmmov vm4;
	vm4 =	vmmov vm6;
	vm6 =	vmmov vm3  }
0x17c: {  	vm1 =	vlt.s32 v14, v10;
	vm0 =	vge.s32 v14, v9;
	v17 =	vshll.u32 v17, $0x4  }
0x17d: {  	s15 =	simm.s32 $0x4200;
	vm0 =	vmand vm0, vm1;
	vm2 =	vge.s32 v17, v11;
	vm3 =	vlt.s32 v17, v12;
	v34 =	vld.idx.msk [tilespmem:v16+s12+$0x0], $0xffff  }
0x17e: {  	v39 =	vor.u32 $0x1, v17;
	v42 =	vor.u32 $0x2, v17;
	v22 =	vor.u32 $0x3, v17;
	v16 =	vld.idx.msk [tilespmem:v18+s15+$0x0], $0xffff  }
0x17f: {  	v23 =	vor.u32 $0x4, v17;
	v25 =	vor.u32 $0x5, v17;
	v53 =	vor.u32 $0x6, v17  }
0x180: {  	v60 =	vor.u32 $0x7, v17;
	v62 =	vor.u32 $0x8, v17;
	vm1 =	vmand vm2, vm3  }
0x181: {  	v28 =	vor.u32 $0x9, v17;
	vm2 =	veq.s32 v32, $0x0;
	vm1 =	vmand vm0, vm1  }
0x182: {  	v32 =	vor.u32 $0xC, v17;
	v37 =	vsel vm1, $0x1, v1;
	vm1 =	vge.s32 v39, v11  }
0x183: {  	v35 =	vsel vm2, $0x0, v34;
	v36 =	vand.u32 $0x1, v16;
	vm2 =	vlt.s32 v39, v12  }
0x184: {  	v40 =	vshrl.u32 v16, $0x1;
	v43 =	vshrl.u32 v16, $0x2;
	v46 =	vshrl.u32 v16, $0x3  }
0x185: {  	v49 =	vshrl.u32 v16, $0x4;
	v52 =	vshrl.u32 v16, $0x5;
	v56 =	vshrl.u32 v16, $0x6  }
0x186: {  	v61 =	vshrl.u32 v16, $0x7;
	v33 =	vshrl.u32 v16, $0x8;
	v15 =	vsub.s32 v15, v35  }
0x187: {  	v38 =	vsub.s32 v37, v36;
	vm1 =	vmand vm1, vm2;
	v41 =	vand.u32 $0x1, v40  }
0x188: {  	vm2 =	vlt.s32 v42, v12;
	v44 =	vand.u32 $0x1, v43;
	v47 =	vand.u32 $0x1, v46  }
0x189: {  	v50 =	vand.u32 $0x1, v49;
	v57 =	vand.u32 $0x1, v56;
	v34 =	vand.u32 $0x1, v33  }
0x18a: {  	v37 =	vshrl.u32 v16, $0x9;
	v40 =	vshrl.u32 v16, $0xA;
	v49 =	vor.u32 $0xD, v17  }
0x18b: {  	v56 =	vor.u32 $0xE, v17;
	v19 =	vsel vm15, v38, v36;
	vm1 =	vmand vm0, vm1  }
0x18c: {  	v38 =	vor.u32 $0xA, v17;
	vm3 =	vlt.s32 v19, v15;
	v21 =	vsel vm1, $0x1, v1  }
0x18d: {  	vm1 =	vge.s32 v42, v11;
	v18 =	vsel vm3, $0x1, v1;
	v21 =	vsub.s32 v21, v41  }
0x18e: {  	vm1 =	vmand vm1, vm2;
	vm2 =	vge.s32 v22, v11;
	v20 =	vsel vm15, v21, v41  }
0x18f: {  	vm3 =	vlt.s32 v22, v12;
	vm1 =	vmand vm0, vm1;
	v20 =	vadd.s32 v19, v20  }
0x190: {  	v41 =	vand.u32 $0x1, v40;
	v45 =	vsel vm1, $0x1, v1;
	vm1 =	vlt.s32 v20, v15  }
0x191: {  	v21 =	vsub.s32 v45, v44;
	v19 =	vsel vm1, $0x1, v1;
	vm1 =	vmand vm2, vm3  }
0x192: {  	v18 =	vor.u32 v18, v17;
	v21 =	vsel vm15, v21, v44;
	vm1 =	vmand vm0, vm1  }
0x193: {  	vm3 =	vlt.s32 v23, v12;
	v44 =	vor.u32 $0xB, v17;
	v48 =	vsel vm1, $0x1, v1  }
0x194: {  	v17 =	vor.u32 $0xF, v17;
	vm1 =	vge.s32 v23, v11;
	v24 =	vsub.s32 v48, v47  }
0x195: {  	v21 =	vadd.s32 v21, v20;
	vm1 =	vmand vm1, vm3;
	v22 =	vsel vm15, v24, v47  }
0x196: {  	vm2 =	vlt.s32 v21, v15;
	vm1 =	vmand vm0, vm1;
	v22 =	vadd.s32 v22, v21  }
0x197: {  	v20 =	vsel vm2, $0x1, v1;
	v51 =	vsel vm1, $0x1, v1;
	vm2 =	vlt.s32 v22, v15  }
0x198: {  	vm1 =	vge.s32 v25, v11;
	v21 =	vsel vm2, $0x1, v1;
	vm2 =	vlt.s32 v25, v12  }
0x199: {  	v18 =	vadd.s32 v19, v18;
	v24 =	vsub.s32 v51, v50;
	vm1 =	vmand vm1, vm2  }
0x19a: {  	v48 =	vshrl.u32 v16, $0xC;
	v23 =	vsel vm15, v24, v50;
	vm1 =	vmand vm0, vm1  }
0x19b: {  	v22 =	vadd.s32 v23, v22;
	v23 =	vand.u32 $0x1, v52;
	v54 =	vsel vm1, $0x1, v1  }
0x19c: {  	vm2 =	vlt.s32 v53, v12;
	vm1 =	vge.s32 v53, v11;
	v55 =	vsub.s32 v54, v23  }
0x19d: {  	v47 =	vshrl.u32 v16, $0xB;
	vm1 =	vmand vm1, vm2;
	v23 =	vsel vm15, v55, v23  }
0x19e: {  	vm3 =	vlt.s32 v22, v15;
	vm1 =	vmand vm0, vm1;
	v22 =	vadd.s32 v23, v22  }
0x19f: {  	vm2 =	vlt.s32 v60, v12;
	v58 =	vsel vm1, $0x1, v1;
	vm1 =	vlt.s32 v22, v15  }
0x1a0: {  	v24 =	vsub.s32 v58, v57;
	v26 =	vsel vm1, $0x1, v1;
	vm1 =	vge.s32 v60, v11  }
0x1a1: {  	v59 =	vsel vm3, $0x1, v1;
	v23 =	vsel vm15, v24, v57;
	vm1 =	vmand vm1, vm2  }
0x1a2: {  	v22 =	vadd.s32 v23, v22;
	v23 =	vand.u32 $0x1, v61;
	vm1 =	vmand vm0, vm1  }
0x1a3: {  	vm2 =	vlt.s32 v62, v12;
	v27 =	vsel vm1, $0x1, v1;
	vm1 =	vge.s32 v62, v11  }
0x1a4: {  	vm3 =	vlt.s32 v22, v15;
	v27 =	vsub.s32 v27, v23;
	vm1 =	vmand vm1, vm2  }
0x1a5: {  	v63 =	vsel vm3, $0x1, v1;
	v23 =	vsel vm15, v27, v23;
	vm1 =	vmand vm0, vm1  }
0x1a6: {  	vm3 =	vlt.s32 v28, v12;
	v22 =	vadd.s32 v23, v22;
	v35 =	vsel vm1, $0x1, v1  }
0x1a7: {  	vm2 =	vge.s32 v28, v11;
	vm1 =	vlt.s32 v22, v15;
	v27 =	vsub.s32 v35, v34  }
0x1a8: {  	v23 =	vsel vm15, v27, v34;
	v36 =	vsel vm1, $0x1, v1;
	vm1 =	vmand vm2, vm3  }
0x1a9: {  	vm2 =	vlt.s32 v38, v12;
	v22 =	vadd.s32 v23, v22;
	vm1 =	vmand vm0, vm1  }
0x1aa: {  	v23 =	vand.u32 $0x1, v37;
	v29 =	vsel vm1, $0x1, v1;
	vm1 =	vge.s32 v38, v11  }
0x1ab: {  	vm3 =	vlt.s32 v22, v15;
	vm1 =	vmand vm1, vm2;
	v39 =	vsub.s32 v29, v23  }
0x1ac: {  	v30 =	vsel vm3, $0x1, v1;
	vm1 =	vmand vm0, vm1;
	v23 =	vsel vm15, v39, v23  }
0x1ad: {  	vm2 =	vge.s32 v44, v11;
	v42 =	vsel vm1, $0x1, v1;
	v22 =	vadd.s32 v23, v22  }
0x1ae: {  	vm3 =	vlt.s32 v44, v12;
	v43 =	vsub.s32 v42, v41;
	vm1 =	vlt.s32 v22, v15  }
0x1af: {  	v23 =	vsel vm15, v43, v41;
	v45 =	vsel vm1, $0x1, v1;
	vm1 =	vmand vm2, vm3  }
0x1b0: {  	v18 =	vadd.s32 v20, v18;
	v22 =	vadd.s32 v23, v22;
	vm1 =	vmand vm0, vm1  }
0x1b1: {  	v51 =	vshrl.u32 v16, $0xD;
	vm2 =	vlt.s32 v22, v15;
	v31 =	vsel vm1, $0x1, v1  }
0x1b2: {  	vm1 =	vge.s32 v32, v11;
	v46 =	vsel vm2, $0x1, v1;
	vm2 =	vlt.s32 v32, v12  }
0x1b3: {  	v18 =	vadd.s32 v21, v18;
	v29 =	vand.u32 $0x1, v47;
	vm1 =	vmand vm1, vm2  }
0x1b4: {  	v18 =	vadd.s32 v59, v18;
	v31 =	vsub.s32 v31, v29;
	vm1 =	vmand vm0, vm1  }
0x1b5: {  	v29 =	vsel vm15, v31, v29;
	v31 =	vand.u32 $0x1, v48;
	v33 =	vsel vm1, $0x1, v1  }
0x1b6: {  	vm2 =	vlt.s32 v49, v12;
	vm1 =	vge.s32 v49, v11;
	v50 =	vsub.s32 v33, v31  }
0x1b7: {  	v22 =	vadd.s32 v29, v22;
	vm1 =	vmand vm1, vm2;
	v29 =	vsel vm15, v50, v31  }
0x1b8: {  	vm1 =	vmand vm0, vm1;
	v31 =	vand.u32 $0x1, v51;
	v29 =	vadd.s32 v29, v22  }
0x1b9: {  	v52 =	vsel vm1, $0x1, v1;
	vm1 =	vlt.s32 v22, v15;
	vm2 =	vlt.s32 v29, v15  }
0x1ba: {  	v53 =	vsub.s32 v52, v31;
	v54 =	vsel vm1, $0x1, v1;
	vm1 =	vge.s32 v56, v11  }
0x1bb: {  	v55 =	vsel vm2, $0x1, v1;
	v22 =	vsel vm15, v53, v31;
	vm2 =	vlt.s32 v56, v12  }
0x1bc: {  	v60 =	vshrl.u32 v16, $0xE;
	v22 =	vadd.s32 v22, v29;
	vm1 =	vmand vm1, vm2  }
0x1bd: {  	v16 =	vshrl.u32 v16, $0xF;
	vm2 =	vlt.s32 v22, v15;
	vm1 =	vmand vm0, vm1  }
0x1be: {  	v59 =	vadd.s32 v26, v18;
	v57 =	vsel vm2, $0x1, v1;
	v58 =	vsel vm1, $0x1, v1  }
0x1bf: {  	vm1 =	vge.s32 v17, v11;
	vm2 =	vlt.s32 v17, v12;
	v17 =	vadd.s32 v63, v59  }
0x1c0: {  	v18 =	vand.u32 $0x1, v60;
	vm1 =	vmand vm1, vm2;
	v17 =	vadd.s32 v36, v17  }
0x1c1: {  	v16 =	vand.u32 $0x1, v16;
	vm0 =	vmand vm0, vm1;
	v17 =	vadd.s32 v30, v17  }
0x1c2: {  	v20 =	vsub.s32 v58, v18;
	v61 =	vsel vm0, $0x1, v1;
	v17 =	vadd.s32 v45, v17  }
0x1c3: {  	v18 =	vsel vm15, v20, v18;
	v62 =	vsub.s32 v61, v16;
	v17 =	vadd.s32 v46, v17  }
0x1c4: {  	v18 =	vadd.s32 v18, v22;
	v16 =	vsel vm15, v62, v16;
	v17 =	vadd.s32 v54, v17  }
0x1c5: {  	s30 =	rddreg [dreg:$0xf];
	vm0 =	vlt.s32 v18, v15;
	v16 =	vadd.s32 v16, v18;
	v17 =	vadd.s32 v55, v17  }
0x1c6: {  	s31 =	rddreg [dreg:$0x10];
	p0 =	sne.s32 s30, $0x1FC0;
	v63 =	vsel vm0, $0x1, v1;
	vm0 =	vlt.s32 v16, v15;
	v15 =	vadd.s32 v57, v17  }
.Ltmp0:
0x1c7: {  	[tilespmem:s31+$0x9200] =	vst v14;
	v14 =	vshll.u32 v14, $0x9;
	v16 =	vsel vm0, $0x1, v1;
	v15 =	vadd.s32 v63, v15;
	(pc) =	sbr.rel @p0 .LBB2_2-.Ltmp0, $4  }
0x1c8: {  	vm3 =	vmmov vm6;
	vm6 =	vmmov vm4;
	v15 =	vadd.s32 v16, v15  }
0x1c9: {  	vm4 =	vmmov vm13;
	vm13 =	vcmask $0x3330;
	v15 =	vmin.u32 v15, $0x1FF  }
0x1ca: {  	vm2 =	vmmov vm5;
	vm5 =	vmmov vm7;
	[tilespmem:s31+$0xA200] =	vst v15;
	v14 =	vor.u32 v14, v15  }
0x1cb: {  	s0 =	sadd.s32 $0x40, s30;
	vm7 =	vcmask $0x1B18;
	vm1 =	vmmov vm10;
	vm10 =	vcmask $0x2724;
	[tilespmem:s31+$0x9A00] =	vst v14  }
0x1cc: {  	s1 =	rddreg [dreg:$0x3];
	s3 =	simm.s32 $0x80;
	s4 =	simm.s32 $0x9A00  }
0x1cd: {  	[tilespmem:s25], [sflag:$0x1] =	stream.indirect.gather [hbm4b:s1+s3], $0x3, s4, s3, $0xb8;
	[tilespmem:$0x13380] =	vst v63  }
0x1ce: {  	s0 =	simm.s32 $0xEA00;
	s2 =	rddreg [dreg:$0x4]  }
0x1cf: {  	[tilespmem:s0], [sflag:$0x1] =	stream.indirect.gather [hbm4b:s2+s3], $0x1, s4, s3, $0xb8;
	[tilespmem:$0x13380] =	vst v63  }
0x1d0: {  	s23 =	simm.s32 $0x9A80;
	s5 =	simm.s32 $0xAE00  }
0x1d1: {  	[tilespmem:s5], [sflag:$0x1] =	stream.indirect.gather [hbm4b:s1+s3], $0x3, s23, s3, $0xb8;
	[tilespmem:$0x13380] =	vst v63  }
0x1d2: {  	s24 =	simm.s32 $0xEA80  }
0x1d3: {  	[tilespmem:s24], [sflag:$0x1] =	stream.indirect.gather [hbm4b:s2+s3], $0x1, s23, s3, $0xb8;
	[tilespmem:$0x13380] =	vst v63  }
0x1d4: {  	s26 =	simm.s32 $0x9B00;
	s28 =	simm.s32 $0xB200  }
0x1d5: {  	[tilespmem:s28], [sflag:$0x1] =	stream.indirect.gather [hbm4b:s1+s3], $0x3, s26, s3, $0xb8;
	[tilespmem:$0x13380] =	vst v63  }
0x1d6: {  	s29 =	simm.s32 $0xEB00  }
0x1d7: {  	[tilespmem:s29], [sflag:$0x1] =	stream.indirect.gather [hbm4b:s2+s3], $0x1, s26, s3, $0xb8;
	[tilespmem:$0x13380] =	vst v63  }
0x1d8: {  	s30 =	simm.s32 $0x9B80;
	s31 =	simm.s32 $0xB600  }
0x1d9: {  	[tilespmem:s31], [sflag:$0x1] =	stream.indirect.gather [hbm4b:s1+s3], $0x3, s30, s3, $0xb8;
	[tilespmem:$0x13380] =	vst v63  }
0x1da: {  	s6 =	simm.s32 $0xEB80  }
0x1db: {  	[tilespmem:s6], [sflag:$0x1] =	stream.indirect.gather [hbm4b:s2+s3], $0x1, s30, s3, $0xb8;
	[tilespmem:$0x13380] =	vst v63  }
0x1dc: {  	s8 =	simm.s32 $0x9C00;
	s9 =	simm.s32 $0xBA00  }
0x1dd: {  	[tilespmem:s9], [sflag:$0x1] =	stream.indirect.gather [hbm4b:s1+s3], $0x3, s8, s3, $0xb8;
	[tilespmem:$0x13380] =	vst v63  }
0x1de: {  	s10 =	simm.s32 $0xEC00  }
0x1df: {  	[tilespmem:s10], [sflag:$0x1] =	stream.indirect.gather [hbm4b:s2+s3], $0x1, s8, s3, $0xb8;
	[tilespmem:$0x13380] =	vst v63  }
0x1e0: {  	s13 =	simm.s32 $0x9C80;
	s14 =	simm.s32 $0xBE00  }
0x1e1: {  	[tilespmem:s14], [sflag:$0x1] =	stream.indirect.gather [hbm4b:s1+s3], $0x3, s13, s3, $0xb8;
	[tilespmem:$0x13380] =	vst v63  }
0x1e2: {  	s16 =	simm.s32 $0xEC80  }
0x1e3: {  	[tilespmem:s16], [sflag:$0x1] =	stream.indirect.gather [hbm4b:s2+s3], $0x1, s13, s3, $0xb8;
	[tilespmem:$0x13380] =	vst v63  }
0x1e4: {  	s17 =	simm.s32 $0x9D00;
	s18 =	simm.s32 $0xC200  }
0x1e5: {  	[tilespmem:s18], [sflag:$0x1] =	stream.indirect.gather [hbm4b:s1+s3], $0x3, s17, s3, $0xb8;
	[tilespmem:$0x13380] =	vst v63  }
0x1e6: {  	s19 =	simm.s32 $0xED00  }
0x1e7: {  	[tilespmem:s19], [sflag:$0x1] =	stream.indirect.gather [hbm4b:s2+s3], $0x1, s17, s3, $0xb8;
	[tilespmem:$0x13380] =	vst v63  }
0x1e8: {  	s20 =	simm.s32 $0x9D80;
	s21 =	simm.s32 $0xC600  }
0x1e9: {  	[tilespmem:s21], [sflag:$0x1] =	stream.indirect.gather [hbm4b:s1+s3], $0x3, s20, s3, $0xb8;
	[tilespmem:$0x13380] =	vst v63  }
0x1ea: {  	s22 =	simm.s32 $0xED80  }
0x1eb: {  	[tilespmem:s22], [sflag:$0x1] =	stream.indirect.gather [hbm4b:s2+s3], $0x1, s20, s3, $0xb8;
	[tilespmem:$0x13380] =	vst v63  }
0x1ec: {  	s23 =	simm.s32 $0x9E00;
	s24 =	simm.s32 $0xCA00  }
0x1ed: {  	[tilespmem:s24], [sflag:$0x1] =	stream.indirect.gather [hbm4b:s1+s3], $0x3, s23, s3, $0xb8;
	[tilespmem:$0x13380] =	vst v63  }
0x1ee: {  	s26 =	simm.s32 $0xEE00  }
0x1ef: {  	[tilespmem:s26], [sflag:$0x1] =	stream.indirect.gather [hbm4b:s2+s3], $0x1, s23, s3, $0xb8;
	[tilespmem:$0x13380] =	vst v63  }
0x1f0: {  	s28 =	simm.s32 $0x9E80;
	s29 =	simm.s32 $0xCE00  }
0x1f1: {  	[tilespmem:s29], [sflag:$0x1] =	stream.indirect.gather [hbm4b:s1+s3], $0x3, s28, s3, $0xb8;
	[tilespmem:$0x13380] =	vst v63  }
0x1f2: {  	s30 =	simm.s32 $0xEE80  }
0x1f3: {  	[tilespmem:s30], [sflag:$0x1] =	stream.indirect.gather [hbm4b:s2+s3], $0x1, s28, s3, $0xb8;
	[tilespmem:$0x13380] =	vst v63  }
0x1f4: {  	s31 =	simm.s32 $0x9F00;
	s6 =	simm.s32 $0xD200  }
0x1f5: {  	[tilespmem:s6], [sflag:$0x1] =	stream.indirect.gather [hbm4b:s1+s3], $0x3, s31, s3, $0xb8;
	[tilespmem:$0x13380] =	vst v63  }
0x1f6: {  	s8 =	simm.s32 $0xEF00  }
0x1f7: {  	[tilespmem:s8], [sflag:$0x1] =	stream.indirect.gather [hbm4b:s2+s3], $0x1, s31, s3, $0xb8;
	[tilespmem:$0x13380] =	vst v63  }
0x1f8: {  	s9 =	simm.s32 $0x9F80;
	s10 =	simm.s32 $0xD600  }
0x1f9: {  	[tilespmem:s10], [sflag:$0x1] =	stream.indirect.gather [hbm4b:s1+s3], $0x3, s9, s3, $0xb8;
	[tilespmem:$0x13380] =	vst v63  }
0x1fa: {  	s13 =	simm.s32 $0xEF80  }
0x1fb: {  	[tilespmem:s13], [sflag:$0x1] =	stream.indirect.gather [hbm4b:s2+s3], $0x1, s9, s3, $0xb8;
	[tilespmem:$0x13380] =	vst v63  }
0x1fc: {  	s14 =	simm.s32 $0xA000;
	s16 =	simm.s32 $0xDA00  }
0x1fd: {  	[tilespmem:s16], [sflag:$0x1] =	stream.indirect.gather [hbm4b:s1+s3], $0x3, s14, s3, $0xb8;
	[tilespmem:$0x13380] =	vst v63  }
0x1fe: {  	s17 =	simm.s32 $0xF000  }
0x1ff: {  	[tilespmem:s17], [sflag:$0x1] =	stream.indirect.gather [hbm4b:s2+s3], $0x1, s14, s3, $0xb8;
	[tilespmem:$0x13380] =	vst v63  }
0x200: {  	s18 =	simm.s32 $0xA080;
	s19 =	simm.s32 $0xDE00  }
0x201: {  	[tilespmem:s19], [sflag:$0x1] =	stream.indirect.gather [hbm4b:s1+s3], $0x3, s18, s3, $0xb8;
	[tilespmem:$0x13380] =	vst v63  }
0x202: {  	s20 =	simm.s32 $0xF080  }
0x203: {  	[tilespmem:s20], [sflag:$0x1] =	stream.indirect.gather [hbm4b:s2+s3], $0x1, s18, s3, $0xb8;
	[tilespmem:$0x13380] =	vst v63  }
0x204: {  	s21 =	simm.s32 $0xA100;
	s22 =	simm.s32 $0xE200  }
0x205: {  	[tilespmem:s22], [sflag:$0x1] =	stream.indirect.gather [hbm4b:s1+s3], $0x3, s21, s3, $0xb8;
	[tilespmem:$0x13380] =	vst v63  }
0x206: {  	s23 =	simm.s32 $0xF100  }
0x207: {  	[tilespmem:s23], [sflag:$0x1] =	stream.indirect.gather [hbm4b:s2+s3], $0x1, s21, s3, $0xb8;
	[tilespmem:$0x13380] =	vst v63  }
0x208: {  	s24 =	simm.s32 $0xA180;
	s26 =	simm.s32 $0xE600  }
0x209: {  	[tilespmem:s26], [sflag:$0x1] =	stream.indirect.gather [hbm4b:s1+s3], $0x3, s24, s3, $0xb8;
	[tilespmem:$0x13380] =	vst v63  }
0x20a: {  	s29 =	simm.s32 $0x1;
	s28 =	simm.s32 $0xF180  }
0x20b: {  	[tilespmem:s28], [sflag:$0x1] =	stream.indirect.gather [hbm4b:s2+s3], $0x1, s24, s3, $0xb8;
	[tilespmem:$0x13380] =	vst v63  }
0x20c: {  	_ =	swait.ge [sflag:s29], $0x180  }
0x20d: {  	[sflag:s29] =	ssyncset.done $0x0  }
0x20e: {  	[sflag:s29] =	ssyncadd.s32 $0xFFFFFE80  }
0x20f: {  	_ =	swait.ge [sflag:s29], $0x80  }
0x210: {  	[sflag:s29] =	ssyncset.done $0x0  }
0x211: {  	[sflag:s29] =	ssyncadd.s32 $0xFFFFFF80  }
0x212: {  	_ =	swait.ge [sflag:s29], $0x180  }
0x213: {  	[sflag:s29] =	ssyncset.done $0x0  }
0x214: {  	[sflag:s29] =	ssyncadd.s32 $0xFFFFFE80  }
0x215: {  	_ =	swait.ge [sflag:s29], $0x80  }
0x216: {  	[sflag:s29] =	ssyncset.done $0x0  }
0x217: {  	[sflag:s29] =	ssyncadd.s32 $0xFFFFFF80  }
0x218: {  	_ =	swait.ge [sflag:s29], $0x180  }
0x219: {  	[sflag:s29] =	ssyncset.done $0x0  }
0x21a: {  	[sflag:s29] =	ssyncadd.s32 $0xFFFFFE80  }
0x21b: {  	_ =	swait.ge [sflag:s29], $0x80  }
0x21c: {  	[sflag:s29] =	ssyncset.done $0x0  }
0x21d: {  	[sflag:s29] =	ssyncadd.s32 $0xFFFFFF80  }
0x21e: {  	_ =	swait.ge [sflag:s29], $0x180  }
0x21f: {  	[sflag:s29] =	ssyncset.done $0x0  }
0x220: {  	[sflag:s29] =	ssyncadd.s32 $0xFFFFFE80  }
0x221: {  	_ =	swait.ge [sflag:s29], $0x80  }
0x222: {  	[sflag:s29] =	ssyncset.done $0x0  }
0x223: {  	[sflag:s29] =	ssyncadd.s32 $0xFFFFFF80  }
0x224: {  	_ =	swait.ge [sflag:s29], $0x180  }
0x225: {  	[sflag:s29] =	ssyncset.done $0x0  }
0x226: {  	[sflag:s29] =	ssyncadd.s32 $0xFFFFFE80  }
0x227: {  	_ =	swait.ge [sflag:s29], $0x80  }
0x228: {  	[sflag:s29] =	ssyncset.done $0x0  }
0x229: {  	[sflag:s29] =	ssyncadd.s32 $0xFFFFFF80  }
0x22a: {  	_ =	swait.ge [sflag:s29], $0x180  }
0x22b: {  	[sflag:s29] =	ssyncset.done $0x0  }
0x22c: {  	[sflag:s29] =	ssyncadd.s32 $0xFFFFFE80  }
0x22d: {  	_ =	swait.ge [sflag:s29], $0x80  }
0x22e: {  	[sflag:s29] =	ssyncset.done $0x0  }
0x22f: {  	[sflag:s29] =	ssyncadd.s32 $0xFFFFFF80  }
0x230: {  	_ =	swait.ge [sflag:s29], $0x180  }
0x231: {  	[sflag:s29] =	ssyncset.done $0x0  }
0x232: {  	[sflag:s29] =	ssyncadd.s32 $0xFFFFFE80  }
0x233: {  	_ =	swait.ge [sflag:s29], $0x80  }
0x234: {  	[sflag:s29] =	ssyncset.done $0x0  }
0x235: {  	[sflag:s29] =	ssyncadd.s32 $0xFFFFFF80  }
0x236: {  	_ =	swait.ge [sflag:s29], $0x180  }
0x237: {  	[sflag:s29] =	ssyncset.done $0x0  }
0x238: {  	[sflag:s29] =	ssyncadd.s32 $0xFFFFFE80  }
0x239: {  	_ =	swait.ge [sflag:s29], $0x80  }
0x23a: {  	[sflag:s29] =	ssyncset.done $0x0  }
0x23b: {  	[sflag:s29] =	ssyncadd.s32 $0xFFFFFF80  }
0x23c: {  	_ =	swait.ge [sflag:s29], $0x180  }
0x23d: {  	[sflag:s29] =	ssyncset.done $0x0  }
0x23e: {  	[sflag:s29] =	ssyncadd.s32 $0xFFFFFE80  }
0x23f: {  	_ =	swait.ge [sflag:s29], $0x80  }
0x240: {  	[sflag:s29] =	ssyncset.done $0x0  }
0x241: {  	[sflag:s29] =	ssyncadd.s32 $0xFFFFFF80  }
0x242: {  	_ =	swait.ge [sflag:s29], $0x180  }
0x243: {  	[sflag:s29] =	ssyncset.done $0x0  }
0x244: {  	[sflag:s29] =	ssyncadd.s32 $0xFFFFFE80  }
0x245: {  	_ =	swait.ge [sflag:s29], $0x80  }
0x246: {  	[sflag:s29] =	ssyncset.done $0x0  }
0x247: {  	[sflag:s29] =	ssyncadd.s32 $0xFFFFFF80  }
0x248: {  	_ =	swait.ge [sflag:s29], $0x180  }
0x249: {  	[sflag:s29] =	ssyncset.done $0x0  }
0x24a: {  	[sflag:s29] =	ssyncadd.s32 $0xFFFFFE80  }
0x24b: {  	_ =	swait.ge [sflag:s29], $0x80  }
0x24c: {  	[sflag:s29] =	ssyncset.done $0x0  }
0x24d: {  	[sflag:s29] =	ssyncadd.s32 $0xFFFFFF80  }
0x24e: {  	_ =	swait.ge [sflag:s29], $0x180  }
0x24f: {  	[sflag:s29] =	ssyncset.done $0x0  }
0x250: {  	[sflag:s29] =	ssyncadd.s32 $0xFFFFFE80  }
0x251: {  	_ =	swait.ge [sflag:s29], $0x80  }
0x252: {  	[sflag:s29] =	ssyncset.done $0x0  }
0x253: {  	[sflag:s29] =	ssyncadd.s32 $0xFFFFFF80  }
0x254: {  	_ =	swait.ge [sflag:s29], $0x180  }
0x255: {  	[sflag:s29] =	ssyncset.done $0x0  }
0x256: {  	[sflag:s29] =	ssyncadd.s32 $0xFFFFFE80  }
0x257: {  	_ =	swait.ge [sflag:s29], $0x80  }
0x258: {  	[sflag:s29] =	ssyncset.done $0x0  }
0x259: {  	[sflag:s29] =	ssyncadd.s32 $0xFFFFFF80  }
0x25a: {  	_ =	swait.ge [sflag:s29], $0x180  }
0x25b: {  	[sflag:s29] =	ssyncset.done $0x0  }
0x25c: {  	[sflag:s29] =	ssyncadd.s32 $0xFFFFFE80  }
0x25d: {  	_ =	swait.ge [sflag:s29], $0x80  }
0x25e: {  	[sflag:s29] =	ssyncset.done $0x0  }
0x25f: {  	[sflag:s29] =	ssyncadd.s32 $0xFFFFFF80  }
0x260: {  	_ =	swait.ge [sflag:s29], $0x180  }
0x261: {  	[sflag:s29] =	ssyncset.done $0x0  }
0x262: {  	[sflag:s29] =	ssyncadd.s32 $0xFFFFFE80  }
0x263: {  	_ =	swait.ge [sflag:s29], $0x80  }
0x264: {  	[sflag:s29] =	ssyncset.done $0x0  }
0x265: {  	[sflag:s29] =	ssyncadd.s32 $0xFFFFFF80  }
0x266: {  	_ =	swait.ge [sflag:s29], $0x180  }
0x267: {  	s30 =	simm.s32 $0x0;
	[sflag:s29] =	ssyncset.done $0x0  }
0x268: {  	v8 =	vmov s30;
	[sflag:s29] =	ssyncadd.s32 $0xFFFFFE80  }
0x269: {  	v8 =	vshll.u32 v8, $0x3;
	_ =	swait.ge [sflag:s29], $0x80  }
0x26a: {  	v14 =	vor.u32 v4, v8;
	[sflag:s29] =	ssyncset.done $0x0  }
0x26b: {  	v15 =	vor.u32 $0x1, v14;
	[sflag:s29] =	ssyncadd.s32 $0xFFFFFF80  }
0x26c: {  	v16 =	vor.u32 $0x2, v14;
	s1 =	simm.s32 $0x9200;
	v9 =	vld [tilespmem:$0x132B0]  }
0x26d: {  	s9 =	simm.s32 $0xA200;
	v10 =	vld [tilespmem:s1+$0x0]  }
0x26e: {  	v11 =	vld [tilespmem:s9+$0x0]  }
0x26f: {  	v13 =	vld.idx.msk [tilespmem:v14+s25+$0x0], $0xffff  }
0x270: {  	v17 =	vld.idx.msk [tilespmem:v15+s25+$0x0], $0xffff  }
0x271: {  	v18 =	vld.idx.msk [tilespmem:v16+s25+$0x0], $0xffff  }
0x272: {  	v19 =	vld [tilespmem:s0+$0x0];
	v10 =	vcvt.s32.f32 v10  }
0x273: {  	v12 =	vld [tilespmem:$0x132E0];
	v20 =	vcvt.s32.f32 v11  }
0x274: {  	v22 =	vor.u32 $0x5, v14;
	v8 =	vld [tilespmem:$0x132C0];
	v21 =	vsub.f32 v10, v7  }
0x275: {  	v24 =	vor.u32 $0x3, v14;
	v11 =	vld [tilespmem:$0x132F0];
	v23 =	vmul.f32 v13, v5;
	v20 =	vsub.f32 v20, v6  }
0x276: {  	v25 =	vor.u32 $0x4, v14;
	v13 =	vld [tilespmem:$0x13300];
	v17 =	vmul.f32 v17, v5;
	v21 =	vmul.f32 $7.812500000e-03, v21  }
0x277: {  	vm0 =	vgt.f32 v19, $0.0e+00;
	v18 =	vmul.f32 v18, v5;
	v10 =	vld [tilespmem:$0x132D0];
	[tilespmem:v14+s7+$0x0] =	vst.idx.msk $0xffff, v23;
	v20 =	vmul.f32 $7.812500000e-03, v20  }
0x278: {  	v19 =	vsel vm0, v12, v9;
	[tilespmem:v15+s7+$0x0] =	vst.idx.msk $0xffff, v17;
	v15 =	vmul.f32 v21, v5  }
0x279: {  	v19 =	vnsel vm15, $0x0, v19;
	[tilespmem:v16+s7+$0x0] =	vst.idx.msk $0xffff, v18;
	v16 =	vmul.f32 v20, v5  }
0x27a: {  	v17 =	vor.u32 $0x6, v14;
	[tilespmem:v24+s7+$0x0] =	vst.idx.msk $0xffff, v15;
	v15 =	vmul.f32 v19, v5  }
0x27b: {  	v62 =	vsel vm0, v11, v8;
	[tilespmem:v25+s7+$0x0] =	vst.idx.msk $0xffff, v16  }
0x27c: {  	s31 =	simm.s32 $0x10;
	v18 =	vnsel vm15, $0x0, v62;
	[tilespmem:v22+s7+$0x0] =	vst.idx.msk $0xffff, v15;
	v15 =	vor.u32 $0x7, v14  }
0x27d: {  	v63 =	vmov s31;
	v18 =	vmul.f32 v18, v5;
	v19 =	vsel vm0, v13, v10  }
0x27e: {  	v16 =	vnsel vm15, $0x0, v19;
	v19 =	vshll.u32 v63, $0x3  }
0x27f: {  	s3 =	simm.s32 $0x20;
	s0 =	simm.s32 $0xEA10;
	v16 =	vmul.f32 v16, v5;
	v14 =	vor.u32 v4, v19;
	[tilespmem:v17+s7+$0x0] =	vst.idx.msk $0xffff, v18  }
.LBB2_4:
0x280: {  	s1 =	sadd.s32 $0x10, s1  }
0x281: {  	v17 =	vor.u32 $0x1, v14;
	[tilespmem:v15+s7+$0x0] =	vst.idx.msk $0xffff, v16;
	s9 =	sadd.s32 $0x10, s9;
	s4 =	smov.u32 s3;
	s2 =	sadd.s32 $0x10, s3  }
0x282: {  	p0 =	sne.s32 s3, $0x7F0;
	v16 =	vor.u32 $0x2, v14  }
0x283: {  	v15 =	vld [tilespmem:s1+$0x0]  }
0x284: {  	v18 =	vld [tilespmem:s9+$0x0]  }
0x285: {  	v19 =	vld.idx.msk [tilespmem:v14+s25+$0x0], $0xffff  }
0x286: {  	v20 =	vld.idx.msk [tilespmem:v17+s25+$0x0], $0xffff  }
0x287: {  	v21 =	vld.idx.msk [tilespmem:v16+s25+$0x0], $0xffff  }
0x288: {  	v22 =	vld [tilespmem:s0+$0x0];
	v15 =	vcvt.s32.f32 v15  }
0x289: {  	v18 =	vcvt.s32.f32 v18  }
0x28a: {  	v24 =	vor.u32 $0x5, v14;
	v23 =	vsub.f32 v15, v7;
	v15 =	vor.u32 $0x7, v14  }
0x28b: {  	v25 =	vor.u32 $0x3, v14;
	v19 =	vmul.f32 v19, v5;
	v18 =	vsub.f32 v18, v6  }
0x28c: {  	v26 =	vor.u32 $0x4, v14;
	v20 =	vmul.f32 v20, v5;
	v23 =	vmul.f32 $7.812500000e-03, v23  }
0x28d: {  	v18 =	vmul.f32 $7.812500000e-03, v18;
	vm0 =	vgt.f32 v22, $0.0e+00;
	[tilespmem:v14+s7+$0x0] =	vst.idx.msk $0xffff, v19;
	v19 =	vmul.f32 v21, v5  }
0x28e: {  	v21 =	vsel vm0, v12, v9;
	[tilespmem:v17+s7+$0x0] =	vst.idx.msk $0xffff, v20;
	v17 =	vmul.f32 v23, v5;
	v20 =	vor.u32 $0x6, v14  }
.Ltmp1:
0x28f: {  	v14 =	vnsel vm15, $0x0, v21;
	v21 =	vsel vm0, v11, v8;
	[tilespmem:v16+s7+$0x0] =	vst.idx.msk $0xffff, v19;
	v16 =	vmul.f32 v18, v5;
	(pc) =	sbr.rel @p0 .LBB2_4-.Ltmp1, $4  }
0x290: {  	v19 =	vsel vm0, v13, v10;
	v18 =	vnsel vm15, $0x0, v21;
	[tilespmem:v25+s7+$0x0] =	vst.idx.msk $0xffff, v17;
	v14 =	vmul.f32 v14, v5  }
0x291: {  	v17 =	vmov s4;
	v19 =	vnsel vm15, $0x0, v19;
	[tilespmem:v26+s7+$0x0] =	vst.idx.msk $0xffff, v16;
	v18 =	vmul.f32 v18, v5  }
0x292: {  	v17 =	vshll.u32 v17, $0x3;
	v16 =	vmul.f32 v19, v5;
	[tilespmem:v24+s7+$0x0] =	vst.idx.msk $0xffff, v14  }
0x293: {  	s3 =	smov.u32 s2;
	s0 =	sadd.s32 $0x10, s0;
	v14 =	vor.u32 v4, v17;
	[tilespmem:v20+s7+$0x0] =	vst.idx.msk $0xffff, v18  }
0x294: {  	_ =	sdelay $0x3  }
0x295: {  	v17 =	vor.u32 $0x1, v14;
	[tilespmem:v15+s7+$0x0] =	vst.idx.msk $0xffff, v16;
	s1 =	sadd.s32 $0x10, s1  }
0x296: {  	v57 =	vor.u32 $0x2, v14;
	s2 =	sadd.s32 $0x10, s9;
	v16 =	vld [tilespmem:s1+$0x0]  }
0x297: {  	v18 =	vld [tilespmem:s2+$0x0]  }
0x298: {  	v19 =	vld.idx.msk [tilespmem:v14+s25+$0x0], $0xffff  }
0x299: {  	v22 =	vld [tilespmem:s0+$0x0]  }
0x29a: {  	v20 =	vld.idx.msk [tilespmem:v17+s25+$0x0], $0xffff  }
0x29b: {  	v21 =	vld.idx.msk [tilespmem:v57+s25+$0x0], $0xffff;
	v16 =	vcvt.s32.f32 v16  }
0x29c: {  	v18 =	vcvt.s32.f32 v18  }
0x29d: {  	v58 =	vor.u32 $0x5, v14;
	v23 =	vor.u32 $0x7, v14;
	v7 =	vsub.f32 v16, v7  }
0x29e: {  	v60 =	vor.u32 $0x3, v14;
	v59 =	vmul.f32 v19, v5;
	v6 =	vsub.f32 v18, v6  }
0x29f: {  	v24 =	vor.u32 $0x4, v14;
	v7 =	vmul.f32 $7.812500000e-03, v7;
	v20 =	vmul.f32 v20, v5  }
0x2a0: {  	vm0 =	vgt.f32 v22, $0.0e+00;
	[tilespmem:v14+s7+$0x0] =	vst.idx.msk $0xffff, v59;
	v6 =	vmul.f32 $7.812500000e-03, v6;
	v61 =	vmul.f32 v21, v5  }
0x2a1: {  	v62 =	vor.u32 $0x6, v14;
	v9 =	vsel vm0, v12, v9;
	[tilespmem:v17+s7+$0x0] =	vst.idx.msk $0xffff, v20;
	v7 =	vmul.f32 v7, v5  }
0x2a2: {  	v8 =	vsel vm0, v11, v8;
	v9 =	vnsel vm15, $0x0, v9;
	v6 =	vmul.f32 v6, v5;
	[tilespmem:v57+s7+$0x0] =	vst.idx.msk $0xffff, v61  }
0x2a3: {  	v10 =	vsel vm0, v13, v10;
	v8 =	vnsel vm15, $0x0, v8;
	[tilespmem:v60+s7+$0x0] =	vst.idx.msk $0xffff, v7;
	v7 =	vmul.f32 v9, v5  }
0x2a4: {  	v63 =	vnsel vm15, $0x0, v10;
	[tilespmem:v24+s7+$0x0] =	vst.idx.msk $0xffff, v6;
	v6 =	vmul.f32 v8, v5  }
0x2a5: {  	v5 =	vmul.f32 v63, v5;
	[tilespmem:v58+s7+$0x0] =	vst.idx.msk $0xffff, v7  }
0x2a6: {  	[tilespmem:v62+s7+$0x0] =	vst.idx.msk $0xffff, v6  }
0x2a7: {  	s29 =	rddreg [dreg:$0xc];
	s1 =	simm.s32 $0x2;
	[tilespmem:v23+s7+$0x0] =	vst.idx.msk $0xffff, v5  }
0x2a8: {  	[hbm4b:s29+s11] =	stream.linear.scatter [tilespmem:s7], [sflag:$0x2], $0x4000, $0x38;
	[tilespmem:$0x13380] =	vst v63  }
0x2a9: {  	_ =	swait.ge [sflag:s1], $0x4000  }
0x2aa: {  	s30 =	rddreg [dreg:$0xe]  }
0x2ab: {  	s31 =	rddreg [dreg:$0xd];
	s2 =	sadd.s32 $0x1, s30  }
0x2ac: {  	p0 =	sne.s32 s2, s31  }
.Ltmp2:
0x2ad: {  	_ = 	snop;
	(pc) =	sbr.rel @p0 .LBB2_1-.Ltmp2, $3  }
0x2ae: {  	_ =	sdelay $0x1  }
0x2af: {  	[sflag:s1] =	ssyncset.done $0x0  }
0x2b0: {  	vm0 =	vcmask $0x3B38;
	[sflag:s1] =	ssyncadd.s32 $0xFFFFC000  }
0x2b1: {  	_ =	sfence.sel $0x180000  }
0x2b2: {  	[bflag:$0x0] =	sbarrier.arrive $0xFFFF  }
0x2b3: {  	_ =	strace $0x90000047  }
0x2b4: {  	s0 =	stileid.u32;
	[bflag:$0x2] =	sbarrier.arrive $0xFFFF  }
0x2b5: {  	p0 =	sne.s32 s0, $0x0;
	s0 =	rddreg [dreg:$0x2]  }
0x2b6: {  	s0 =	sadd.s32 @!p0 $0x100000, s0  }
0x2b7: {  	[sflag:s0] =	ssyncadd.tile.s32 @!p0 $0x1;
	_ =	shalt  }
.Lfunc_end2:
_tile_overlayer_lowered:
.L_overlay_start_2:
0x2b8: {  	(tag) =	ssettag $0x2  }
0x2b9: {  	s0 =	rddreg [dreg:$0x0];
	s2 =	stileid.u32  }
0x2ba: {  	s1 =	rddreg [dreg:$0x1];
	p0 =	sne.s32 s2, $0x0  }
0x2bb: {  	s3 =	rddreg [dreg:$0x2];
	[bflag:$0x3] =	sbarrier.arrive $0xFFFF;
	s2 =	simm.s32 @!p0 $0x1C02  }
0x2bc: {  	[timem:s3], [sflag:s2] =	dma.local @!p0 [hbm:s0], s1  }
0x2bd: {  	s0 =	simm.s32 @!p0 $0x2  }
0x2be: {  	_ =	swait.ge @!p0 [sflag:s0], s1  }
0x2bf: {  	s1 =	ssub.s32 @!p0 $0x0, s1;
	[sflag:s0] =	ssyncset.done @!p0 $0x0  }
0x2c0: {  	[sflag:s0] =	ssyncadd.s32 @!p0 s1  }
0x2c1: {  	[bflag:$0x3] =	sbarrier.arrive $0xFFFF  }
0x2c2: {  	_ =	shalt  }

</sc_bundles>
